<compile_context>
chip_gen: v7x
topology: tpu7x:2x2x1
jax: 0.10.2.dev20260603
libtpu: 0.0.44.dev20260713+nightly
codegen_flags: <defaults>
</compile_context>

<pallas_src>
import functools

import jax
import jax.numpy as jnp
from jax import lax
from jax.experimental import pallas as pl
from jax.experimental.pallas import tpu as pltpu
from jax.experimental.pallas import tpu_sc as plsc

BATCH = 4
NUM_VIRTUAL_TOKENS = 64
NUM_TOKENS = BATCH * NUM_VIRTUAL_TOKENS
ROW_DIM = 98304
NC, NS = 2, 16
NW = NC * NS
CPW = ROW_DIM // NW
H = CPW // 2


def _make_kernel():
    mesh = plsc.VectorSubcoreMesh(core_axis_name="c", subcore_axis_name="s")

    @functools.partial(
        pl.kernel,
        mesh=mesh,
        out_type=jax.ShapeDtypeStruct((NUM_TOKENS, ROW_DIM), jnp.float32),
        compiler_params=pltpu.CompilerParams(needs_layout_passes=False),
        scratch_types=[
            pltpu.VMEM((NUM_TOKENS,), jnp.int32),
            pltpu.SMEM((NUM_TOKENS,), jnp.int32),
            pltpu.VMEM((NUM_VIRTUAL_TOKENS, H), jnp.float32),
            pltpu.SemaphoreType.DMA,
            pltpu.SemaphoreType.DMA,
        ],
    )
    def gather_kernel(prefix_hbm, table_hbm, out_hbm, pvals, psmem, tblk,
                      gsem, wsem):
        wid = lax.axis_index("s") * NC + lax.axis_index("c")
        col0 = wid * CPW

        pltpu.async_copy(table_hbm.at[:, pl.ds(col0, H)], tblk, gsem)

        pltpu.sync_copy(prefix_hbm, pvals)
        lane = lax.iota(jnp.int32, 16)

        def fill_psmem(win, carry):
            wvec = pvals[pl.ds(win * 16, 16)]
            for l in range(16):
                psmem[win * 16 + l] = jnp.sum(jnp.where(lane == l, wvec, 0))
            return carry

        lax.fori_loop(0, NUM_TOKENS // 16, fill_psmem, 0)

        def wait_read():
            pltpu.make_async_copy(
                table_hbm.at[:, pl.ds(0, H)], tblk, gsem).wait()

        def drain_writes():
            for _ in range(4):
                pltpu.make_async_copy(
                    tblk, out_hbm.at[pl.ds(0, 64), pl.ds(0, H)], wsem).wait()

        for h in range(2):
            cbase = col0 + h * H
            wait_read()

            def per_window(win, carry):
                for l in range(16):
                    tok = win * 16 + l
                    pltpu.async_copy(
                        tblk.at[pl.ds(psmem[tok], 1)],
                        out_hbm.at[pl.ds(tok, 1), pl.ds(cbase, H)],
                        wsem,
                    )
                return carry

            lax.fori_loop(0, NUM_TOKENS // 16, per_window, 0)
            drain_writes()
            if h == 0:
                pltpu.async_copy(
                    table_hbm.at[:, pl.ds(col0 + H, H)], tblk, gsem)

    return gather_kernel


_gather = _make_kernel()


def kernel(prefix, embedding):
    p = prefix.reshape(-1).astype(jnp.int32)
    out = _gather(p, embedding)
    return out.reshape(BATCH, NUM_VIRTUAL_TOKENS, ROW_DIM)

# --- scband reference (transcript-rebuilt; emitter-appended) ---
"""Pipeline reference for scband-prefix-encoder-2482491097409 (READ-ONLY COPY).

The authoritative reference and input builder live on the scoring server;
editing this copy changes nothing except your own understanding.
"""

import jax, jax.numpy as jnp
import numpy as np

NUM_VIRTUAL_TOKENS = 64
TOKEN_DIM = 2048
NUM_LAYERS = 24
ROW_DIM = NUM_LAYERS * 2 * TOKEN_DIM  # 98304
BATCH = 4


def setup_inputs(seed: int = 0) -> dict:
    key = jax.random.key(seed)
    k1, k2 = jax.random.split(key)
    prefix = jax.random.randint(k1, (BATCH, NUM_VIRTUAL_TOKENS), 0, NUM_VIRTUAL_TOKENS, dtype=jnp.int64 if jax.config.jax_enable_x64 else jnp.int32)
    embedding = jax.random.normal(k2, (NUM_VIRTUAL_TOKENS, ROW_DIM), dtype=jnp.float32)
    return {"prefix": prefix, "embedding": embedding}


def reference(prefix, embedding):
    # prefix_projection is falsy (inference_mode path): pure embedding lookup
    # past_key_values = self.embedding(prefix)
    past_key_values = jnp.take(embedding, prefix, axis=0)
    return past_key_values

if __name__ == "__main__":
    import jax
    _d = setup_inputs()
    print(jax.jit(kernel)(*tuple(_d.values())))

</pallas_src>

<mosaic_0001>
#map = affine_map<(d0, d1) -> (0)>
#map1 = affine_map<(d0, d1) -> (0, 0)>
module attributes {stable_mosaic.version = 14 : i64} {
  func.func @gather_kernel(%arg0: i32, %arg1: i32, %arg2: memref<256xi32, #tpu.memory_space<hbm>>, %arg3: memref<64x98304xf32, #tpu.memory_space<hbm>>, %arg4: memref<256x98304xf32, #tpu.memory_space<hbm>>, %arg5: memref<256xi32, #tpu.memory_space<vmem>>, %arg6: memref<256xi32, #tpu.memory_space<smem>>, %arg7: memref<64x1536xf32, #tpu.memory_space<vmem>>, %arg8: memref<!tpu.dma_semaphore, #tpu.memory_space<semaphore_mem>>, %arg9: memref<!tpu.dma_semaphore, #tpu.memory_space<semaphore_mem>>) attributes {dimension_semantics = [#tpu.dimension_semantics<core_parallel>, #tpu.dimension_semantics<subcore_parallel>], iteration_bounds = array<i64: 2, 16>, scalar_prefetch = 0 : i64, scratch_operands = 5 : i64, tpu.core_type = #tpu.core_type<sc_vector_subcore>, window_params = [{transform_indices = #map}, {transform_indices = #map1}, {transform_indices = #map1}]} {
    %mul3A = arith.constant 2 : i32
    %mul3A_0 = arith.muli %arg1, %mul3A : i32
    %add3A = arith.addi %mul3A_0, %arg0 : i32
    %mul3A_1 = arith.constant 3072 : i32
    %mul3A_2 = arith.muli %add3A, %mul3A_1 : i32
    %dma_start3A = arith.constant 0 : i32
    %dma_start3A_3 = tpu.memref_slice %arg3[%dma_start3A, %mul3A_2] : memref<64x98304xf32, #tpu.memory_space<hbm>> -> memref<64x1536xf32, #tpu.memory_space<hbm>>
    %dma_start3A_4 = arith.constant 0 : i32
    %dma_start3A_5 = tpu.memref_slice %arg3[%dma_start3A_4, %mul3A_2] : memref<64x98304xf32, #tpu.memory_space<hbm>> -> memref<64x1536xf32, #tpu.memory_space<hbm>>
    tpu.enqueue_dma source(%dma_start3A_5 : memref<64x1536xf32, #tpu.memory_space<hbm>>) target(%arg7 : memref<64x1536xf32, #tpu.memory_space<vmem>>) target_semaphore(%arg8 : memref<!tpu.dma_semaphore, #tpu.memory_space<semaphore_mem>>)
    "tpu.region"() ({
      %run_scoped3A = tpu.sem_alloc : memref<!tpu.dma_semaphore, #tpu.memory_space<semaphore_mem>>
      tpu.enqueue_dma source(%arg2 : memref<256xi32, #tpu.memory_space<hbm>>) target(%arg5 : memref<256xi32, #tpu.memory_space<vmem>>) target_semaphore(%run_scoped3A : memref<!tpu.dma_semaphore, #tpu.memory_space<semaphore_mem>>)
      tpu.wait_dma2 semaphore(%run_scoped3A : memref<!tpu.dma_semaphore, #tpu.memory_space<semaphore_mem>>) src(%arg2 : memref<256xi32, #tpu.memory_space<hbm>>) dst(%arg5 : memref<256xi32, #tpu.memory_space<vmem>>)
      tpu.yield
    }) : () -> ()
    %iota3A = tpu.iota {dimensions = array<i32: 0>} : vector<16xi32>
    %scan3A = arith.constant 0 : i32
    %scan3A_6 = arith.constant 0 : i32
    %scan3A_7 = arith.constant 16 : i32
    %scan3A_8 = arith.addi %scan3A_6, %scan3A_7 : i32
    %scan3A_9 = arith.constant 1 : i32
    scf.for %scan3A_92 = %scan3A_6 to %scan3A_8 step %scan3A_9  : i32 {
      %mul3A_93 = arith.constant 16 : i32
      %mul3A_94 = arith.muli %scan3A_92, %mul3A_93 : i32
      %get3A = arith.index_cast %mul3A_94 : i32 to index
      %get3A_95 = tpu.vector_load %arg5[%get3A] {strides = array<i32>} : memref<256xi32, #tpu.memory_space<vmem>>, vector<16xi32>,
      %eq3A = arith.constant 0 : i32
      %eq3A_96 = vector.broadcast %eq3A : i32 to vector<16xi32>
      %eq3A_97 = arith.cmpi eq, %iota3A, %eq3A_96 : vector<16xi32>
      %jit3A = arith.constant 0 : i32
      %broadcast_in_dim3A = vector.broadcast %jit3A : i32 to vector<16xi32>
      %select_n3A = arith.select %eq3A_97, %get3A_95, %broadcast_in_dim3A : vector<16xi1>, vector<16xi32>
      %reduce_sum3A = arith.constant true
      %reduce_sum3A_98 = vector.broadcast %reduce_sum3A : i1 to vector<16xi1>
      %reduce_sum3A_99 = tpu.scan <sum>, %select_n3A masked %reduce_sum3A_98 : vector<16xi32>, vector<16xi1> -> vector<16xi32>
      %reduce_sum3A_100 = vector.extract %reduce_sum3A_99[15] : i32 from vector<16xi32>
      %mul3A_101 = arith.constant 16 : i32
      %mul3A_102 = arith.muli %scan3A_92, %mul3A_101 : i32
      %add3A_103 = arith.constant 0 : i32
      %add3A_104 = arith.addi %mul3A_102, %add3A_103 : i32
      %swap3A = arith.index_cast %add3A_104 : i32 to index
      %swap3A_105 = memref.load %arg6[%swap3A] : memref<256xi32, #tpu.memory_space<smem>>
      memref.store %reduce_sum3A_100, %arg6[%swap3A] : memref<256xi32, #tpu.memory_space<smem>>
      %eq3A_106 = arith.constant 1 : i32
      %eq3A_107 = vector.broadcast %eq3A_106 : i32 to vector<16xi32>
      %eq3A_108 = arith.cmpi eq, %iota3A, %eq3A_107 : vector<16xi32>
      %jit3A_109 = arith.constant 0 : i32
      %broadcast_in_dim3A_110 = vector.broadcast %jit3A_109 : i32 to vector<16xi32>
      %select_n3A_111 = arith.select %eq3A_108, %get3A_95, %broadcast_in_dim3A_110 : vector<16xi1>, vector<16xi32>
      %reduce_sum3A_112 = arith.constant true
      %reduce_sum3A_113 = vector.broadcast %reduce_sum3A_112 : i1 to vector<16xi1>
      %reduce_sum3A_114 = tpu.scan <sum>, %select_n3A_111 masked %reduce_sum3A_113 : vector<16xi32>, vector<16xi1> -> vector<16xi32>
      %reduce_sum3A_115 = vector.extract %reduce_sum3A_114[15] : i32 from vector<16xi32>
      %mul3A_116 = arith.constant 16 : i32
      %mul3A_117 = arith.muli %scan3A_92, %mul3A_116 : i32
      %add3A_118 = arith.constant 1 : i32
      %add3A_119 = arith.addi %mul3A_117, %add3A_118 : i32
      %swap3A_120 = arith.index_cast %add3A_119 : i32 to index
      %swap3A_121 = memref.load %arg6[%swap3A_120] : memref<256xi32, #tpu.memory_space<smem>>
      memref.store %reduce_sum3A_115, %arg6[%swap3A_120] : memref<256xi32, #tpu.memory_space<smem>>
      %eq3A_122 = arith.constant 2 : i32
      %eq3A_123 = vector.broadcast %eq3A_122 : i32 to vector<16xi32>
      %eq3A_124 = arith.cmpi eq, %iota3A, %eq3A_123 : vector<16xi32>
      %jit3A_125 = arith.constant 0 : i32
      %broadcast_in_dim3A_126 = vector.broadcast %jit3A_125 : i32 to vector<16xi32>
      %select_n3A_127 = arith.select %eq3A_124, %get3A_95, %broadcast_in_dim3A_126 : vector<16xi1>, vector<16xi32>
      %reduce_sum3A_128 = arith.constant true
      %reduce_sum3A_129 = vector.broadcast %reduce_sum3A_128 : i1 to vector<16xi1>
      %reduce_sum3A_130 = tpu.scan <sum>, %select_n3A_127 masked %reduce_sum3A_129 : vector<16xi32>, vector<16xi1> -> vector<16xi32>
      %reduce_sum3A_131 = vector.extract %reduce_sum3A_130[15] : i32 from vector<16xi32>
      %mul3A_132 = arith.constant 16 : i32
      %mul3A_133 = arith.muli %scan3A_92, %mul3A_132 : i32
      %add3A_134 = arith.constant 2 : i32
      %add3A_135 = arith.addi %mul3A_133, %add3A_134 : i32
      %swap3A_136 = arith.index_cast %add3A_135 : i32 to index
      %swap3A_137 = memref.load %arg6[%swap3A_136] : memref<256xi32, #tpu.memory_space<smem>>
      memref.store %reduce_sum3A_131, %arg6[%swap3A_136] : memref<256xi32, #tpu.memory_space<smem>>
      %eq3A_138 = arith.constant 3 : i32
      %eq3A_139 = vector.broadcast %eq3A_138 : i32 to vector<16xi32>
      %eq3A_140 = arith.cmpi eq, %iota3A, %eq3A_139 : vector<16xi32>
      %jit3A_141 = arith.constant 0 : i32
      %broadcast_in_dim3A_142 = vector.broadcast %jit3A_141 : i32 to vector<16xi32>
      %select_n3A_143 = arith.select %eq3A_140, %get3A_95, %broadcast_in_dim3A_142 : vector<16xi1>, vector<16xi32>
      %reduce_sum3A_144 = arith.constant true
      %reduce_sum3A_145 = vector.broadcast %reduce_sum3A_144 : i1 to vector<16xi1>
      %reduce_sum3A_146 = tpu.scan <sum>, %select_n3A_143 masked %reduce_sum3A_145 : vector<16xi32>, vector<16xi1> -> vector<16xi32>
      %reduce_sum3A_147 = vector.extract %reduce_sum3A_146[15] : i32 from vector<16xi32>
      %mul3A_148 = arith.constant 16 : i32
      %mul3A_149 = arith.muli %scan3A_92, %mul3A_148 : i32
      %add3A_150 = arith.constant 3 : i32
      %add3A_151 = arith.addi %mul3A_149, %add3A_150 : i32
      %swap3A_152 = arith.index_cast %add3A_151 : i32 to index
      %swap3A_153 = memref.load %arg6[%swap3A_152] : memref<256xi32, #tpu.memory_space<smem>>
      memref.store %reduce_sum3A_147, %arg6[%swap3A_152] : memref<256xi32, #tpu.memory_space<smem>>
      %eq3A_154 = arith.constant 4 : i32
      %eq3A_155 = vector.broadcast %eq3A_154 : i32 to vector<16xi32>
      %eq3A_156 = arith.cmpi eq, %iota3A, %eq3A_155 : vector<16xi32>
      %jit3A_157 = arith.constant 0 : i32
      %broadcast_in_dim3A_158 = vector.broadcast %jit3A_157 : i32 to vector<16xi32>
      %select_n3A_159 = arith.select %eq3A_156, %get3A_95, %broadcast_in_dim3A_158 : vector<16xi1>, vector<16xi32>
      %reduce_sum3A_160 = arith.constant true
      %reduce_sum3A_161 = vector.broadcast %reduce_sum3A_160 : i1 to vector<16xi1>
      %reduce_sum3A_162 = tpu.scan <sum>, %select_n3A_159 masked %reduce_sum3A_161 : vector<16xi32>, vector<16xi1> -> vector<16xi32>
      %reduce_sum3A_163 = vector.extract %reduce_sum3A_162[15] : i32 from vector<16xi32>
      %mul3A_164 = arith.constant 16 : i32
      %mul3A_165 = arith.muli %scan3A_92, %mul3A_164 : i32
      %add3A_166 = arith.constant 4 : i32
      %add3A_167 = arith.addi %mul3A_165, %add3A_166 : i32
      %swap3A_168 = arith.index_cast %add3A_167 : i32 to index
      %swap3A_169 = memref.load %arg6[%swap3A_168] : memref<256xi32, #tpu.memory_space<smem>>
      memref.store %reduce_sum3A_163, %arg6[%swap3A_168] : memref<256xi32, #tpu.memory_space<smem>>
      %eq3A_170 = arith.constant 5 : i32
      %eq3A_171 = vector.broadcast %eq3A_170 : i32 to vector<16xi32>
      %eq3A_172 = arith.cmpi eq, %iota3A, %eq3A_171 : vector<16xi32>
      %jit3A_173 = arith.constant 0 : i32
      %broadcast_in_dim3A_174 = vector.broadcast %jit3A_173 : i32 to vector<16xi32>
      %select_n3A_175 = arith.select %eq3A_172, %get3A_95, %broadcast_in_dim3A_174 : vector<16xi1>, vector<16xi32>
      %reduce_sum3A_176 = arith.constant true
      %reduce_sum3A_177 = vector.broadcast %reduce_sum3A_176 : i1 to vector<16xi1>
      %reduce_sum3A_178 = tpu.scan <sum>, %select_n3A_175 masked %reduce_sum3A_177 : vector<16xi32>, vector<16xi1> -> vector<16xi32>
      %reduce_sum3A_179 = vector.extract %reduce_sum3A_178[15] : i32 from vector<16xi32>
      %mul3A_180 = arith.constant 16 : i32
      %mul3A_181 = arith.muli %scan3A_92, %mul3A_180 : i32
      %add3A_182 = arith.constant 5 : i32
      %add3A_183 = arith.addi %mul3A_181, %add3A_182 : i32
      %swap3A_184 = arith.index_cast %add3A_183 : i32 to index
      %swap3A_185 = memref.load %arg6[%swap3A_184] : memref<256xi32, #tpu.memory_space<smem>>
      memref.store %reduce_sum3A_179, %arg6[%swap3A_184] : memref<256xi32, #tpu.memory_space<smem>>
      %eq3A_186 = arith.constant 6 : i32
      %eq3A_187 = vector.broadcast %eq3A_186 : i32 to vector<16xi32>
      %eq3A_188 = arith.cmpi eq, %iota3A, %eq3A_187 : vector<16xi32>
      %jit3A_189 = arith.constant 0 : i32
      %broadcast_in_dim3A_190 = vector.broadcast %jit3A_189 : i32 to vector<16xi32>
      %select_n3A_191 = arith.select %eq3A_188, %get3A_95, %broadcast_in_dim3A_190 : vector<16xi1>, vector<16xi32>
      %reduce_sum3A_192 = arith.constant true
      %reduce_sum3A_193 = vector.broadcast %reduce_sum3A_192 : i1 to vector<16xi1>
      %reduce_sum3A_194 = tpu.scan <sum>, %select_n3A_191 masked %reduce_sum3A_193 : vector<16xi32>, vector<16xi1> -> vector<16xi32>
      %reduce_sum3A_195 = vector.extract %reduce_sum3A_194[15] : i32 from vector<16xi32>
      %mul3A_196 = arith.constant 16 : i32
      %mul3A_197 = arith.muli %scan3A_92, %mul3A_196 : i32
      %add3A_198 = arith.constant 6 : i32
      %add3A_199 = arith.addi %mul3A_197, %add3A_198 : i32
      %swap3A_200 = arith.index_cast %add3A_199 : i32 to index
      %swap3A_201 = memref.load %arg6[%swap3A_200] : memref<256xi32, #tpu.memory_space<smem>>
      memref.store %reduce_sum3A_195, %arg6[%swap3A_200] : memref<256xi32, #tpu.memory_space<smem>>
      %eq3A_202 = arith.constant 7 : i32
      %eq3A_203 = vector.broadcast %eq3A_202 : i32 to vector<16xi32>
      %eq3A_204 = arith.cmpi eq, %iota3A, %eq3A_203 : vector<16xi32>
      %jit3A_205 = arith.constant 0 : i32
      %broadcast_in_dim3A_206 = vector.broadcast %jit3A_205 : i32 to vector<16xi32>
      %select_n3A_207 = arith.select %eq3A_204, %get3A_95, %broadcast_in_dim3A_206 : vector<16xi1>, vector<16xi32>
      %reduce_sum3A_208 = arith.constant true
      %reduce_sum3A_209 = vector.broadcast %reduce_sum3A_208 : i1 to vector<16xi1>
      %reduce_sum3A_210 = tpu.scan <sum>, %select_n3A_207 masked %reduce_sum3A_209 : vector<16xi32>, vector<16xi1> -> vector<16xi32>
      %reduce_sum3A_211 = vector.extract %reduce_sum3A_210[15] : i32 from vector<16xi32>
      %mul3A_212 = arith.constant 16 : i32
      %mul3A_213 = arith.muli %scan3A_92, %mul3A_212 : i32
      %add3A_214 = arith.constant 7 : i32
      %add3A_215 = arith.addi %mul3A_213, %add3A_214 : i32
      %swap3A_216 = arith.index_cast %add3A_215 : i32 to index
      %swap3A_217 = memref.load %arg6[%swap3A_216] : memref<256xi32, #tpu.memory_space<smem>>
      memref.store %reduce_sum3A_211, %arg6[%swap3A_216] : memref<256xi32, #tpu.memory_space<smem>>
      %eq3A_218 = arith.constant 8 : i32
      %eq3A_219 = vector.broadcast %eq3A_218 : i32 to vector<16xi32>
      %eq3A_220 = arith.cmpi eq, %iota3A, %eq3A_219 : vector<16xi32>
      %jit3A_221 = arith.constant 0 : i32
      %broadcast_in_dim3A_222 = vector.broadcast %jit3A_221 : i32 to vector<16xi32>
      %select_n3A_223 = arith.select %eq3A_220, %get3A_95, %broadcast_in_dim3A_222 : vector<16xi1>, vector<16xi32>
      %reduce_sum3A_224 = arith.constant true
      %reduce_sum3A_225 = vector.broadcast %reduce_sum3A_224 : i1 to vector<16xi1>
      %reduce_sum3A_226 = tpu.scan <sum>, %select_n3A_223 masked %reduce_sum3A_225 : vector<16xi32>, vector<16xi1> -> vector<16xi32>
      %reduce_sum3A_227 = vector.extract %reduce_sum3A_226[15] : i32 from vector<16xi32>
      %mul3A_228 = arith.constant 16 : i32
      %mul3A_229 = arith.muli %scan3A_92, %mul3A_228 : i32
      %add3A_230 = arith.constant 8 : i32
      %add3A_231 = arith.addi %mul3A_229, %add3A_230 : i32
      %swap3A_232 = arith.index_cast %add3A_231 : i32 to index
      %swap3A_233 = memref.load %arg6[%swap3A_232] : memref<256xi32, #tpu.memory_space<smem>>
      memref.store %reduce_sum3A_227, %arg6[%swap3A_232] : memref<256xi32, #tpu.memory_space<smem>>
      %eq3A_234 = arith.constant 9 : i32
      %eq3A_235 = vector.broadcast %eq3A_234 : i32 to vector<16xi32>
      %eq3A_236 = arith.cmpi eq, %iota3A, %eq3A_235 : vector<16xi32>
      %jit3A_237 = arith.constant 0 : i32
      %broadcast_in_dim3A_238 = vector.broadcast %jit3A_237 : i32 to vector<16xi32>
      %select_n3A_239 = arith.select %eq3A_236, %get3A_95, %broadcast_in_dim3A_238 : vector<16xi1>, vector<16xi32>
      %reduce_sum3A_240 = arith.constant true
      %reduce_sum3A_241 = vector.broadcast %reduce_sum3A_240 : i1 to vector<16xi1>
      %reduce_sum3A_242 = tpu.scan <sum>, %select_n3A_239 masked %reduce_sum3A_241 : vector<16xi32>, vector<16xi1> -> vector<16xi32>
      %reduce_sum3A_243 = vector.extract %reduce_sum3A_242[15] : i32 from vector<16xi32>
      %mul3A_244 = arith.constant 16 : i32
      %mul3A_245 = arith.muli %scan3A_92, %mul3A_244 : i32
      %add3A_246 = arith.constant 9 : i32
      %add3A_247 = arith.addi %mul3A_245, %add3A_246 : i32
      %swap3A_248 = arith.index_cast %add3A_247 : i32 to index
      %swap3A_249 = memref.load %arg6[%swap3A_248] : memref<256xi32, #tpu.memory_space<smem>>
      memref.store %reduce_sum3A_243, %arg6[%swap3A_248] : memref<256xi32, #tpu.memory_space<smem>>
      %eq3A_250 = arith.constant 10 : i32
      %eq3A_251 = vector.broadcast %eq3A_250 : i32 to vector<16xi32>
      %eq3A_252 = arith.cmpi eq, %iota3A, %eq3A_251 : vector<16xi32>
      %jit3A_253 = arith.constant 0 : i32
      %broadcast_in_dim3A_254 = vector.broadcast %jit3A_253 : i32 to vector<16xi32>
      %select_n3A_255 = arith.select %eq3A_252, %get3A_95, %broadcast_in_dim3A_254 : vector<16xi1>, vector<16xi32>
      %reduce_sum3A_256 = arith.constant true
      %reduce_sum3A_257 = vector.broadcast %reduce_sum3A_256 : i1 to vector<16xi1>
      %reduce_sum3A_258 = tpu.scan <sum>, %select_n3A_255 masked %reduce_sum3A_257 : vector<16xi32>, vector<16xi1> -> vector<16xi32>
      %reduce_sum3A_259 = vector.extract %reduce_sum3A_258[15] : i32 from vector<16xi32>
      %mul3A_260 = arith.constant 16 : i32
      %mul3A_261 = arith.muli %scan3A_92, %mul3A_260 : i32
      %add3A_262 = arith.constant 10 : i32
      %add3A_263 = arith.addi %mul3A_261, %add3A_262 : i32
      %swap3A_264 = arith.index_cast %add3A_263 : i32 to index
      %swap3A_265 = memref.load %arg6[%swap3A_264] : memref<256xi32, #tpu.memory_space<smem>>
      memref.store %reduce_sum3A_259, %arg6[%swap3A_264] : memref<256xi32, #tpu.memory_space<smem>>
      %eq3A_266 = arith.constant 11 : i32
      %eq3A_267 = vector.broadcast %eq3A_266 : i32 to vector<16xi32>
      %eq3A_268 = arith.cmpi eq, %iota3A, %eq3A_267 : vector<16xi32>
      %jit3A_269 = arith.constant 0 : i32
      %broadcast_in_dim3A_270 = vector.broadcast %jit3A_269 : i32 to vector<16xi32>
      %select_n3A_271 = arith.select %eq3A_268, %get3A_95, %broadcast_in_dim3A_270 : vector<16xi1>, vector<16xi32>
      %reduce_sum3A_272 = arith.constant true
      %reduce_sum3A_273 = vector.broadcast %reduce_sum3A_272 : i1 to vector<16xi1>
      %reduce_sum3A_274 = tpu.scan <sum>, %select_n3A_271 masked %reduce_sum3A_273 : vector<16xi32>, vector<16xi1> -> vector<16xi32>
      %reduce_sum3A_275 = vector.extract %reduce_sum3A_274[15] : i32 from vector<16xi32>
      %mul3A_276 = arith.constant 16 : i32
      %mul3A_277 = arith.muli %scan3A_92, %mul3A_276 : i32
      %add3A_278 = arith.constant 11 : i32
      %add3A_279 = arith.addi %mul3A_277, %add3A_278 : i32
      %swap3A_280 = arith.index_cast %add3A_279 : i32 to index
      %swap3A_281 = memref.load %arg6[%swap3A_280] : memref<256xi32, #tpu.memory_space<smem>>
      memref.store %reduce_sum3A_275, %arg6[%swap3A_280] : memref<256xi32, #tpu.memory_space<smem>>
      %eq3A_282 = arith.constant 12 : i32
      %eq3A_283 = vector.broadcast %eq3A_282 : i32 to vector<16xi32>
      %eq3A_284 = arith.cmpi eq, %iota3A, %eq3A_283 : vector<16xi32>
      %jit3A_285 = arith.constant 0 : i32
      %broadcast_in_dim3A_286 = vector.broadcast %jit3A_285 : i32 to vector<16xi32>
      %select_n3A_287 = arith.select %eq3A_284, %get3A_95, %broadcast_in_dim3A_286 : vector<16xi1>, vector<16xi32>
      %reduce_sum3A_288 = arith.constant true
      %reduce_sum3A_289 = vector.broadcast %reduce_sum3A_288 : i1 to vector<16xi1>
      %reduce_sum3A_290 = tpu.scan <sum>, %select_n3A_287 masked %reduce_sum3A_289 : vector<16xi32>, vector<16xi1> -> vector<16xi32>
      %reduce_sum3A_291 = vector.extract %reduce_sum3A_290[15] : i32 from vector<16xi32>
      %mul3A_292 = arith.constant 16 : i32
      %mul3A_293 = arith.muli %scan3A_92, %mul3A_292 : i32
      %add3A_294 = arith.constant 12 : i32
      %add3A_295 = arith.addi %mul3A_293, %add3A_294 : i32
      %swap3A_296 = arith.index_cast %add3A_295 : i32 to index
      %swap3A_297 = memref.load %arg6[%swap3A_296] : memref<256xi32, #tpu.memory_space<smem>>
      memref.store %reduce_sum3A_291, %arg6[%swap3A_296] : memref<256xi32, #tpu.memory_space<smem>>
      %eq3A_298 = arith.constant 13 : i32
      %eq3A_299 = vector.broadcast %eq3A_298 : i32 to vector<16xi32>
      %eq3A_300 = arith.cmpi eq, %iota3A, %eq3A_299 : vector<16xi32>
      %jit3A_301 = arith.constant 0 : i32
      %broadcast_in_dim3A_302 = vector.broadcast %jit3A_301 : i32 to vector<16xi32>
      %select_n3A_303 = arith.select %eq3A_300, %get3A_95, %broadcast_in_dim3A_302 : vector<16xi1>, vector<16xi32>
      %reduce_sum3A_304 = arith.constant true
      %reduce_sum3A_305 = vector.broadcast %reduce_sum3A_304 : i1 to vector<16xi1>
      %reduce_sum3A_306 = tpu.scan <sum>, %select_n3A_303 masked %reduce_sum3A_305 : vector<16xi32>, vector<16xi1> -> vector<16xi32>
      %reduce_sum3A_307 = vector.extract %reduce_sum3A_306[15] : i32 from vector<16xi32>
      %mul3A_308 = arith.constant 16 : i32
      %mul3A_309 = arith.muli %scan3A_92, %mul3A_308 : i32
      %add3A_310 = arith.constant 13 : i32
      %add3A_311 = arith.addi %mul3A_309, %add3A_310 : i32
      %swap3A_312 = arith.index_cast %add3A_311 : i32 to index
      %swap3A_313 = memref.load %arg6[%swap3A_312] : memref<256xi32, #tpu.memory_space<smem>>
      memref.store %reduce_sum3A_307, %arg6[%swap3A_312] : memref<256xi32, #tpu.memory_space<smem>>
      %eq3A_314 = arith.constant 14 : i32
      %eq3A_315 = vector.broadcast %eq3A_314 : i32 to vector<16xi32>
      %eq3A_316 = arith.cmpi eq, %iota3A, %eq3A_315 : vector<16xi32>
      %jit3A_317 = arith.constant 0 : i32
      %broadcast_in_dim3A_318 = vector.broadcast %jit3A_317 : i32 to vector<16xi32>
      %select_n3A_319 = arith.select %eq3A_316, %get3A_95, %broadcast_in_dim3A_318 : vector<16xi1>, vector<16xi32>
      %reduce_sum3A_320 = arith.constant true
      %reduce_sum3A_321 = vector.broadcast %reduce_sum3A_320 : i1 to vector<16xi1>
      %reduce_sum3A_322 = tpu.scan <sum>, %select_n3A_319 masked %reduce_sum3A_321 : vector<16xi32>, vector<16xi1> -> vector<16xi32>
      %reduce_sum3A_323 = vector.extract %reduce_sum3A_322[15] : i32 from vector<16xi32>
      %mul3A_324 = arith.constant 16 : i32
      %mul3A_325 = arith.muli %scan3A_92, %mul3A_324 : i32
      %add3A_326 = arith.constant 14 : i32
      %add3A_327 = arith.addi %mul3A_325, %add3A_326 : i32
      %swap3A_328 = arith.index_cast %add3A_327 : i32 to index
      %swap3A_329 = memref.load %arg6[%swap3A_328] : memref<256xi32, #tpu.memory_space<smem>>
      memref.store %reduce_sum3A_323, %arg6[%swap3A_328] : memref<256xi32, #tpu.memory_space<smem>>
      %eq3A_330 = arith.constant 15 : i32
      %eq3A_331 = vector.broadcast %eq3A_330 : i32 to vector<16xi32>
      %eq3A_332 = arith.cmpi eq, %iota3A, %eq3A_331 : vector<16xi32>
      %jit3A_333 = arith.constant 0 : i32
      %broadcast_in_dim3A_334 = vector.broadcast %jit3A_333 : i32 to vector<16xi32>
      %select_n3A_335 = arith.select %eq3A_332, %get3A_95, %broadcast_in_dim3A_334 : vector<16xi1>, vector<16xi32>
      %reduce_sum3A_336 = arith.constant true
      %reduce_sum3A_337 = vector.broadcast %reduce_sum3A_336 : i1 to vector<16xi1>
      %reduce_sum3A_338 = tpu.scan <sum>, %select_n3A_335 masked %reduce_sum3A_337 : vector<16xi32>, vector<16xi1> -> vector<16xi32>
      %reduce_sum3A_339 = vector.extract %reduce_sum3A_338[15] : i32 from vector<16xi32>
      %mul3A_340 = arith.constant 16 : i32
      %mul3A_341 = arith.muli %scan3A_92, %mul3A_340 : i32
      %add3A_342 = arith.constant 15 : i32
      %add3A_343 = arith.addi %mul3A_341, %add3A_342 : i32
      %swap3A_344 = arith.index_cast %add3A_343 : i32 to index
      %swap3A_345 = memref.load %arg6[%swap3A_344] : memref<256xi32, #tpu.memory_space<smem>>
      memref.store %reduce_sum3A_339, %arg6[%swap3A_344] : memref<256xi32, #tpu.memory_space<smem>>
    }
    %scan3A_10 = arith.constant 16 : i32
    %add3A_11 = arith.constant 0 : i32
    %add3A_12 = arith.addi %mul3A_2, %add3A_11 : i32
    %dma_wait3A = arith.constant 0 : i32
    %dma_wait3A_13 = arith.constant 0 : i32
    %dma_wait3A_14 = tpu.memref_slice %arg3[%dma_wait3A, %dma_wait3A_13] : memref<64x98304xf32, #tpu.memory_space<hbm>> -> memref<64x1536xf32, #tpu.memory_space<hbm>>
    %dma_wait3A_15 = arith.constant 0 : i32
    %dma_wait3A_16 = arith.constant 0 : i32
    %dma_wait3A_17 = tpu.memref_slice %arg3[%dma_wait3A_15, %dma_wait3A_16] : memref<64x98304xf32, #tpu.memory_space<hbm>> -> memref<64x1536xf32, #tpu.memory_space<hbm>>
    tpu.wait_dma2 semaphore(%arg8 : memref<!tpu.dma_semaphore, #tpu.memory_space<semaphore_mem>>) src(%dma_wait3A_17 : memref<64x1536xf32, #tpu.memory_space<hbm>>) dst(%arg7 : memref<64x1536xf32, #tpu.memory_space<vmem>>)
    %scan3A_18 = arith.constant 0 : i32
    %scan3A_19 = arith.constant 0 : i32
    %scan3A_20 = arith.constant 16 : i32
    %scan3A_21 = arith.addi %scan3A_19, %scan3A_20 : i32
    %scan3A_22 = arith.constant 1 : i32
    scf.for %scan3A_92 = %scan3A_19 to %scan3A_21 step %scan3A_22  : i32 {
      %mul3A_93 = arith.constant 16 : i32
      %mul3A_94 = arith.muli %scan3A_92, %mul3A_93 : i32
      %add3A_95 = arith.constant 0 : i32
      %add3A_96 = arith.addi %mul3A_94, %add3A_95 : i32
      %get3A = arith.index_cast %add3A_96 : i32 to index
      %get3A_97 = memref.load %arg6[%get3A] : memref<256xi32, #tpu.memory_space<smem>>
      %dma_start3A_98 = arith.constant 0 : i32
      %dma_start3A_99 = tpu.memref_slice %arg7[%get3A_97, %dma_start3A_98] : memref<64x1536xf32, #tpu.memory_space<vmem>> -> memref<1x1536xf32, #tpu.memory_space<vmem>>
      %dma_start3A_100 = tpu.memref_slice %arg4[%add3A_96, %add3A_12] : memref<256x98304xf32, #tpu.memory_space<hbm>> -> memref<1x1536xf32, #tpu.memory_space<hbm>>
      %dma_start3A_101 = tpu.memref_slice %arg4[%add3A_96, %add3A_12] : memref<256x98304xf32, #tpu.memory_space<hbm>> -> memref<1x1536xf32, #tpu.memory_space<hbm>>
      %dma_start3A_102 = arith.constant 0 : i32
      %dma_start3A_103 = tpu.memref_slice %arg7[%get3A_97, %dma_start3A_102] : memref<64x1536xf32, #tpu.memory_space<vmem>> -> memref<1x1536xf32, #tpu.memory_space<vmem>>
      tpu.enqueue_dma source(%dma_start3A_103 : memref<1x1536xf32, #tpu.memory_space<vmem>>) target(%dma_start3A_101 : memref<1x1536xf32, #tpu.memory_space<hbm>>) target_semaphore(%arg9 : memref<!tpu.dma_semaphore, #tpu.memory_space<semaphore_mem>>)
      %mul3A_104 = arith.constant 16 : i32
      %mul3A_105 = arith.muli %scan3A_92, %mul3A_104 : i32
      %add3A_106 = arith.constant 1 : i32
      %add3A_107 = arith.addi %mul3A_105, %add3A_106 : i32
      %get3A_108 = arith.index_cast %add3A_107 : i32 to index
      %get3A_109 = memref.load %arg6[%get3A_108] : memref<256xi32, #tpu.memory_space<smem>>
      %dma_start3A_110 = arith.constant 0 : i32
      %dma_start3A_111 = tpu.memref_slice %arg7[%get3A_109, %dma_start3A_110] : memref<64x1536xf32, #tpu.memory_space<vmem>> -> memref<1x1536xf32, #tpu.memory_space<vmem>>
      %dma_start3A_112 = tpu.memref_slice %arg4[%add3A_107, %add3A_12] : memref<256x98304xf32, #tpu.memory_space<hbm>> -> memref<1x1536xf32, #tpu.memory_space<hbm>>
      %dma_start3A_113 = tpu.memref_slice %arg4[%add3A_107, %add3A_12] : memref<256x98304xf32, #tpu.memory_space<hbm>> -> memref<1x1536xf32, #tpu.memory_space<hbm>>
      %dma_start3A_114 = arith.constant 0 : i32
      %dma_start3A_115 = tpu.memref_slice %arg7[%get3A_109, %dma_start3A_114] : memref<64x1536xf32, #tpu.memory_space<vmem>> -> memref<1x1536xf32, #tpu.memory_space<vmem>>
      tpu.enqueue_dma source(%dma_start3A_115 : memref<1x1536xf32, #tpu.memory_space<vmem>>) target(%dma_start3A_113 : memref<1x1536xf32, #tpu.memory_space<hbm>>) target_semaphore(%arg9 : memref<!tpu.dma_semaphore, #tpu.memory_space<semaphore_mem>>)
      %mul3A_116 = arith.constant 16 : i32
      %mul3A_117 = arith.muli %scan3A_92, %mul3A_116 : i32
      %add3A_118 = arith.constant 2 : i32
      %add3A_119 = arith.addi %mul3A_117, %add3A_118 : i32
      %get3A_120 = arith.index_cast %add3A_119 : i32 to index
      %get3A_121 = memref.load %arg6[%get3A_120] : memref<256xi32, #tpu.memory_space<smem>>
      %dma_start3A_122 = arith.constant 0 : i32
      %dma_start3A_123 = tpu.memref_slice %arg7[%get3A_121, %dma_start3A_122] : memref<64x1536xf32, #tpu.memory_space<vmem>> -> memref<1x1536xf32, #tpu.memory_space<vmem>>
      %dma_start3A_124 = tpu.memref_slice %arg4[%add3A_119, %add3A_12] : memref<256x98304xf32, #tpu.memory_space<hbm>> -> memref<1x1536xf32, #tpu.memory_space<hbm>>
      %dma_start3A_125 = tpu.memref_slice %arg4[%add3A_119, %add3A_12] : memref<256x98304xf32, #tpu.memory_space<hbm>> -> memref<1x1536xf32, #tpu.memory_space<hbm>>
      %dma_start3A_126 = arith.constant 0 : i32
      %dma_start3A_127 = tpu.memref_slice %arg7[%get3A_121, %dma_start3A_126] : memref<64x1536xf32, #tpu.memory_space<vmem>> -> memref<1x1536xf32, #tpu.memory_space<vmem>>
      tpu.enqueue_dma source(%dma_start3A_127 : memref<1x1536xf32, #tpu.memory_space<vmem>>) target(%dma_start3A_125 : memref<1x1536xf32, #tpu.memory_space<hbm>>) target_semaphore(%arg9 : memref<!tpu.dma_semaphore, #tpu.memory_space<semaphore_mem>>)
      %mul3A_128 = arith.constant 16 : i32
      %mul3A_129 = arith.muli %scan3A_92, %mul3A_128 : i32
      %add3A_130 = arith.constant 3 : i32
      %add3A_131 = arith.addi %mul3A_129, %add3A_130 : i32
      %get3A_132 = arith.index_cast %add3A_131 : i32 to index
      %get3A_133 = memref.load %arg6[%get3A_132] : memref<256xi32, #tpu.memory_space<smem>>
      %dma_start3A_134 = arith.constant 0 : i32
      %dma_start3A_135 = tpu.memref_slice %arg7[%get3A_133, %dma_start3A_134] : memref<64x1536xf32, #tpu.memory_space<vmem>> -> memref<1x1536xf32, #tpu.memory_space<vmem>>
      %dma_start3A_136 = tpu.memref_slice %arg4[%add3A_131, %add3A_12] : memref<256x98304xf32, #tpu.memory_space<hbm>> -> memref<1x1536xf32, #tpu.memory_space<hbm>>
      %dma_start3A_137 = tpu.memref_slice %arg4[%add3A_131, %add3A_12] : memref<256x98304xf32, #tpu.memory_space<hbm>> -> memref<1x1536xf32, #tpu.memory_space<hbm>>
      %dma_start3A_138 = arith.constant 0 : i32
      %dma_start3A_139 = tpu.memref_slice %arg7[%get3A_133, %dma_start3A_138] : memref<64x1536xf32, #tpu.memory_space<vmem>> -> memref<1x1536xf32, #tpu.memory_space<vmem>>
      tpu.enqueue_dma source(%dma_start3A_139 : memref<1x1536xf32, #tpu.memory_space<vmem>>) target(%dma_start3A_137 : memref<1x1536xf32, #tpu.memory_space<hbm>>) target_semaphore(%arg9 : memref<!tpu.dma_semaphore, #tpu.memory_space<semaphore_mem>>)
      %mul3A_140 = arith.constant 16 : i32
      %mul3A_141 = arith.muli %scan3A_92, %mul3A_140 : i32
      %add3A_142 = arith.constant 4 : i32
      %add3A_143 = arith.addi %mul3A_141, %add3A_142 : i32
      %get3A_144 = arith.index_cast %add3A_143 : i32 to index
      %get3A_145 = memref.load %arg6[%get3A_144] : memref<256xi32, #tpu.memory_space<smem>>
      %dma_start3A_146 = arith.constant 0 : i32
      %dma_start3A_147 = tpu.memref_slice %arg7[%get3A_145, %dma_start3A_146] : memref<64x1536xf32, #tpu.memory_space<vmem>> -> memref<1x1536xf32, #tpu.memory_space<vmem>>
      %dma_start3A_148 = tpu.memref_slice %arg4[%add3A_143, %add3A_12] : memref<256x98304xf32, #tpu.memory_space<hbm>> -> memref<1x1536xf32, #tpu.memory_space<hbm>>
      %dma_start3A_149 = tpu.memref_slice %arg4[%add3A_143, %add3A_12] : memref<256x98304xf32, #tpu.memory_space<hbm>> -> memref<1x1536xf32, #tpu.memory_space<hbm>>
      %dma_start3A_150 = arith.constant 0 : i32
      %dma_start3A_151 = tpu.memref_slice %arg7[%get3A_145, %dma_start3A_150] : memref<64x1536xf32, #tpu.memory_space<vmem>> -> memref<1x1536xf32, #tpu.memory_space<vmem>>
      tpu.enqueue_dma source(%dma_start3A_151 : memref<1x1536xf32, #tpu.memory_space<vmem>>) target(%dma_start3A_149 : memref<1x1536xf32, #tpu.memory_space<hbm>>) target_semaphore(%arg9 : memref<!tpu.dma_semaphore, #tpu.memory_space<semaphore_mem>>)
      %mul3A_152 = arith.constant 16 : i32
      %mul3A_153 = arith.muli %scan3A_92, %mul3A_152 : i32
      %add3A_154 = arith.constant 5 : i32
      %add3A_155 = arith.addi %mul3A_153, %add3A_154 : i32
      %get3A_156 = arith.index_cast %add3A_155 : i32 to index
      %get3A_157 = memref.load %arg6[%get3A_156] : memref<256xi32, #tpu.memory_space<smem>>
      %dma_start3A_158 = arith.constant 0 : i32
      %dma_start3A_159 = tpu.memref_slice %arg7[%get3A_157, %dma_start3A_158] : memref<64x1536xf32, #tpu.memory_space<vmem>> -> memref<1x1536xf32, #tpu.memory_space<vmem>>
      %dma_start3A_160 = tpu.memref_slice %arg4[%add3A_155, %add3A_12] : memref<256x98304xf32, #tpu.memory_space<hbm>> -> memref<1x1536xf32, #tpu.memory_space<hbm>>
      %dma_start3A_161 = tpu.memref_slice %arg4[%add3A_155, %add3A_12] : memref<256x98304xf32, #tpu.memory_space<hbm>> -> memref<1x1536xf32, #tpu.memory_space<hbm>>
      %dma_start3A_162 = arith.constant 0 : i32
      %dma_start3A_163 = tpu.memref_slice %arg7[%get3A_157, %dma_start3A_162] : memref<64x1536xf32, #tpu.memory_space<vmem>> -> memref<1x1536xf32, #tpu.memory_space<vmem>>
      tpu.enqueue_dma source(%dma_start3A_163 : memref<1x1536xf32, #tpu.memory_space<vmem>>) target(%dma_start3A_161 : memref<1x1536xf32, #tpu.memory_space<hbm>>) target_semaphore(%arg9 : memref<!tpu.dma_semaphore, #tpu.memory_space<semaphore_mem>>)
      %mul3A_164 = arith.constant 16 : i32
      %mul3A_165 = arith.muli %scan3A_92, %mul3A_164 : i32
      %add3A_166 = arith.constant 6 : i32
      %add3A_167 = arith.addi %mul3A_165, %add3A_166 : i32
      %get3A_168 = arith.index_cast %add3A_167 : i32 to index
      %get3A_169 = memref.load %arg6[%get3A_168] : memref<256xi32, #tpu.memory_space<smem>>
      %dma_start3A_170 = arith.constant 0 : i32
      %dma_start3A_171 = tpu.memref_slice %arg7[%get3A_169, %dma_start3A_170] : memref<64x1536xf32, #tpu.memory_space<vmem>> -> memref<1x1536xf32, #tpu.memory_space<vmem>>
      %dma_start3A_172 = tpu.memref_slice %arg4[%add3A_167, %add3A_12] : memref<256x98304xf32, #tpu.memory_space<hbm>> -> memref<1x1536xf32, #tpu.memory_space<hbm>>
      %dma_start3A_173 = tpu.memref_slice %arg4[%add3A_167, %add3A_12] : memref<256x98304xf32, #tpu.memory_space<hbm>> -> memref<1x1536xf32, #tpu.memory_space<hbm>>
      %dma_start3A_174 = arith.constant 0 : i32
      %dma_start3A_175 = tpu.memref_slice %arg7[%get3A_169, %dma_start3A_174] : memref<64x1536xf32, #tpu.memory_space<vmem>> -> memref<1x1536xf32, #tpu.memory_space<vmem>>
      tpu.enqueue_dma source(%dma_start3A_175 : memref<1x1536xf32, #tpu.memory_space<vmem>>) target(%dma_start3A_173 : memref<1x1536xf32, #tpu.memory_space<hbm>>) target_semaphore(%arg9 : memref<!tpu.dma_semaphore, #tpu.memory_space<semaphore_mem>>)
      %mul3A_176 = arith.constant 16 : i32
      %mul3A_177 = arith.muli %scan3A_92, %mul3A_176 : i32
      %add3A_178 = arith.constant 7 : i32
      %add3A_179 = arith.addi %mul3A_177, %add3A_178 : i32
      %get3A_180 = arith.index_cast %add3A_179 : i32 to index
      %get3A_181 = memref.load %arg6[%get3A_180] : memref<256xi32, #tpu.memory_space<smem>>
      %dma_start3A_182 = arith.constant 0 : i32
      %dma_start3A_183 = tpu.memref_slice %arg7[%get3A_181, %dma_start3A_182] : memref<64x1536xf32, #tpu.memory_space<vmem>> -> memref<1x1536xf32, #tpu.memory_space<vmem>>
      %dma_start3A_184 = tpu.memref_slice %arg4[%add3A_179, %add3A_12] : memref<256x98304xf32, #tpu.memory_space<hbm>> -> memref<1x1536xf32, #tpu.memory_space<hbm>>
      %dma_start3A_185 = tpu.memref_slice %arg4[%add3A_179, %add3A_12] : memref<256x98304xf32, #tpu.memory_space<hbm>> -> memref<1x1536xf32, #tpu.memory_space<hbm>>
      %dma_start3A_186 = arith.constant 0 : i32
      %dma_start3A_187 = tpu.memref_slice %arg7[%get3A_181, %dma_start3A_186] : memref<64x1536xf32, #tpu.memory_space<vmem>> -> memref<1x1536xf32, #tpu.memory_space<vmem>>
      tpu.enqueue_dma source(%dma_start3A_187 : memref<1x1536xf32, #tpu.memory_space<vmem>>) target(%dma_start3A_185 : memref<1x1536xf32, #tpu.memory_space<hbm>>) target_semaphore(%arg9 : memref<!tpu.dma_semaphore, #tpu.memory_space<semaphore_mem>>)
      %mul3A_188 = arith.constant 16 : i32
      %mul3A_189 = arith.muli %scan3A_92, %mul3A_188 : i32
      %add3A_190 = arith.constant 8 : i32
      %add3A_191 = arith.addi %mul3A_189, %add3A_190 : i32
      %get3A_192 = arith.index_cast %add3A_191 : i32 to index
      %get3A_193 = memref.load %arg6[%get3A_192] : memref<256xi32, #tpu.memory_space<smem>>
      %dma_start3A_194 = arith.constant 0 : i32
      %dma_start3A_195 = tpu.memref_slice %arg7[%get3A_193, %dma_start3A_194] : memref<64x1536xf32, #tpu.memory_space<vmem>> -> memref<1x1536xf32, #tpu.memory_space<vmem>>
      %dma_start3A_196 = tpu.memref_slice %arg4[%add3A_191, %add3A_12] : memref<256x98304xf32, #tpu.memory_space<hbm>> -> memref<1x1536xf32, #tpu.memory_space<hbm>>
      %dma_start3A_197 = tpu.memref_slice %arg4[%add3A_191, %add3A_12] : memref<256x98304xf32, #tpu.memory_space<hbm>> -> memref<1x1536xf32, #tpu.memory_space<hbm>>
      %dma_start3A_198 = arith.constant 0 : i32
      %dma_start3A_199 = tpu.memref_slice %arg7[%get3A_193, %dma_start3A_198] : memref<64x1536xf32, #tpu.memory_space<vmem>> -> memref<1x1536xf32, #tpu.memory_space<vmem>>
      tpu.enqueue_dma source(%dma_start3A_199 : memref<1x1536xf32, #tpu.memory_space<vmem>>) target(%dma_start3A_197 : memref<1x1536xf32, #tpu.memory_space<hbm>>) target_semaphore(%arg9 : memref<!tpu.dma_semaphore, #tpu.memory_space<semaphore_mem>>)
      %mul3A_200 = arith.constant 16 : i32
      %mul3A_201 = arith.muli %scan3A_92, %mul3A_200 : i32
      %add3A_202 = arith.constant 9 : i32
      %add3A_203 = arith.addi %mul3A_201, %add3A_202 : i32
      %get3A_204 = arith.index_cast %add3A_203 : i32 to index
      %get3A_205 = memref.load %arg6[%get3A_204] : memref<256xi32, #tpu.memory_space<smem>>
      %dma_start3A_206 = arith.constant 0 : i32
      %dma_start3A_207 = tpu.memref_slice %arg7[%get3A_205, %dma_start3A_206] : memref<64x1536xf32, #tpu.memory_space<vmem>> -> memref<1x1536xf32, #tpu.memory_space<vmem>>
      %dma_start3A_208 = tpu.memref_slice %arg4[%add3A_203, %add3A_12] : memref<256x98304xf32, #tpu.memory_space<hbm>> -> memref<1x1536xf32, #tpu.memory_space<hbm>>
      %dma_start3A_209 = tpu.memref_slice %arg4[%add3A_203, %add3A_12] : memref<256x98304xf32, #tpu.memory_space<hbm>> -> memref<1x1536xf32, #tpu.memory_space<hbm>>
      %dma_start3A_210 = arith.constant 0 : i32
      %dma_start3A_211 = tpu.memref_slice %arg7[%get3A_205, %dma_start3A_210] : memref<64x1536xf32, #tpu.memory_space<vmem>> -> memref<1x1536xf32, #tpu.memory_space<vmem>>
      tpu.enqueue_dma source(%dma_start3A_211 : memref<1x1536xf32, #tpu.memory_space<vmem>>) target(%dma_start3A_209 : memref<1x1536xf32, #tpu.memory_space<hbm>>) target_semaphore(%arg9 : memref<!tpu.dma_semaphore, #tpu.memory_space<semaphore_mem>>)
      %mul3A_212 = arith.constant 16 : i32
      %mul3A_213 = arith.muli %scan3A_92, %mul3A_212 : i32
      %add3A_214 = arith.constant 10 : i32
      %add3A_215 = arith.addi %mul3A_213, %add3A_214 : i32
      %get3A_216 = arith.index_cast %add3A_215 : i32 to index
      %get3A_217 = memref.load %arg6[%get3A_216] : memref<256xi32, #tpu.memory_space<smem>>
      %dma_start3A_218 = arith.constant 0 : i32
      %dma_start3A_219 = tpu.memref_slice %arg7[%get3A_217, %dma_start3A_218] : memref<64x1536xf32, #tpu.memory_space<vmem>> -> memref<1x1536xf32, #tpu.memory_space<vmem>>
      %dma_start3A_220 = tpu.memref_slice %arg4[%add3A_215, %add3A_12] : memref<256x98304xf32, #tpu.memory_space<hbm>> -> memref<1x1536xf32, #tpu.memory_space<hbm>>
      %dma_start3A_221 = tpu.memref_slice %arg4[%add3A_215, %add3A_12] : memref<256x98304xf32, #tpu.memory_space<hbm>> -> memref<1x1536xf32, #tpu.memory_space<hbm>>
      %dma_start3A_222 = arith.constant 0 : i32
      %dma_start3A_223 = tpu.memref_slice %arg7[%get3A_217, %dma_start3A_222] : memref<64x1536xf32, #tpu.memory_space<vmem>> -> memref<1x1536xf32, #tpu.memory_space<vmem>>
      tpu.enqueue_dma source(%dma_start3A_223 : memref<1x1536xf32, #tpu.memory_space<vmem>>) target(%dma_start3A_221 : memref<1x1536xf32, #tpu.memory_space<hbm>>) target_semaphore(%arg9 : memref<!tpu.dma_semaphore, #tpu.memory_space<semaphore_mem>>)
      %mul3A_224 = arith.constant 16 : i32
      %mul3A_225 = arith.muli %scan3A_92, %mul3A_224 : i32
      %add3A_226 = arith.constant 11 : i32
      %add3A_227 = arith.addi %mul3A_225, %add3A_226 : i32
      %get3A_228 = arith.index_cast %add3A_227 : i32 to index
      %get3A_229 = memref.load %arg6[%get3A_228] : memref<256xi32, #tpu.memory_space<smem>>
      %dma_start3A_230 = arith.constant 0 : i32
      %dma_start3A_231 = tpu.memref_slice %arg7[%get3A_229, %dma_start3A_230] : memref<64x1536xf32, #tpu.memory_space<vmem>> -> memref<1x1536xf32, #tpu.memory_space<vmem>>
      %dma_start3A_232 = tpu.memref_slice %arg4[%add3A_227, %add3A_12] : memref<256x98304xf32, #tpu.memory_space<hbm>> -> memref<1x1536xf32, #tpu.memory_space<hbm>>
      %dma_start3A_233 = tpu.memref_slice %arg4[%add3A_227, %add3A_12] : memref<256x98304xf32, #tpu.memory_space<hbm>> -> memref<1x1536xf32, #tpu.memory_space<hbm>>
      %dma_start3A_234 = arith.constant 0 : i32
      %dma_start3A_235 = tpu.memref_slice %arg7[%get3A_229, %dma_start3A_234] : memref<64x1536xf32, #tpu.memory_space<vmem>> -> memref<1x1536xf32, #tpu.memory_space<vmem>>
      tpu.enqueue_dma source(%dma_start3A_235 : memref<1x1536xf32, #tpu.memory_space<vmem>>) target(%dma_start3A_233 : memref<1x1536xf32, #tpu.memory_space<hbm>>) target_semaphore(%arg9 : memref<!tpu.dma_semaphore, #tpu.memory_space<semaphore_mem>>)
      %mul3A_236 = arith.constant 16 : i32
      %mul3A_237 = arith.muli %scan3A_92, %mul3A_236 : i32
      %add3A_238 = arith.constant 12 : i32
      %add3A_239 = arith.addi %mul3A_237, %add3A_238 : i32
      %get3A_240 = arith.index_cast %add3A_239 : i32 to index
      %get3A_241 = memref.load %arg6[%get3A_240] : memref<256xi32, #tpu.memory_space<smem>>
      %dma_start3A_242 = arith.constant 0 : i32
      %dma_start3A_243 = tpu.memref_slice %arg7[%get3A_241, %dma_start3A_242] : memref<64x1536xf32, #tpu.memory_space<vmem>> -> memref<1x1536xf32, #tpu.memory_space<vmem>>
      %dma_start3A_244 = tpu.memref_slice %arg4[%add3A_239, %add3A_12] : memref<256x98304xf32, #tpu.memory_space<hbm>> -> memref<1x1536xf32, #tpu.memory_space<hbm>>
      %dma_start3A_245 = tpu.memref_slice %arg4[%add3A_239, %add3A_12] : memref<256x98304xf32, #tpu.memory_space<hbm>> -> memref<1x1536xf32, #tpu.memory_space<hbm>>
      %dma_start3A_246 = arith.constant 0 : i32
      %dma_start3A_247 = tpu.memref_slice %arg7[%get3A_241, %dma_start3A_246] : memref<64x1536xf32, #tpu.memory_space<vmem>> -> memref<1x1536xf32, #tpu.memory_space<vmem>>
      tpu.enqueue_dma source(%dma_start3A_247 : memref<1x1536xf32, #tpu.memory_space<vmem>>) target(%dma_start3A_245 : memref<1x1536xf32, #tpu.memory_space<hbm>>) target_semaphore(%arg9 : memref<!tpu.dma_semaphore, #tpu.memory_space<semaphore_mem>>)
      %mul3A_248 = arith.constant 16 : i32
      %mul3A_249 = arith.muli %scan3A_92, %mul3A_248 : i32
      %add3A_250 = arith.constant 13 : i32
      %add3A_251 = arith.addi %mul3A_249, %add3A_250 : i32
      %get3A_252 = arith.index_cast %add3A_251 : i32 to index
      %get3A_253 = memref.load %arg6[%get3A_252] : memref<256xi32, #tpu.memory_space<smem>>
      %dma_start3A_254 = arith.constant 0 : i32
      %dma_start3A_255 = tpu.memref_slice %arg7[%get3A_253, %dma_start3A_254] : memref<64x1536xf32, #tpu.memory_space<vmem>> -> memref<1x1536xf32, #tpu.memory_space<vmem>>
      %dma_start3A_256 = tpu.memref_slice %arg4[%add3A_251, %add3A_12] : memref<256x98304xf32, #tpu.memory_space<hbm>> -> memref<1x1536xf32, #tpu.memory_space<hbm>>
      %dma_start3A_257 = tpu.memref_slice %arg4[%add3A_251, %add3A_12] : memref<256x98304xf32, #tpu.memory_space<hbm>> -> memref<1x1536xf32, #tpu.memory_space<hbm>>
      %dma_start3A_258 = arith.constant 0 : i32
      %dma_start3A_259 = tpu.memref_slice %arg7[%get3A_253, %dma_start3A_258] : memref<64x1536xf32, #tpu.memory_space<vmem>> -> memref<1x1536xf32, #tpu.memory_space<vmem>>
      tpu.enqueue_dma source(%dma_start3A_259 : memref<1x1536xf32, #tpu.memory_space<vmem>>) target(%dma_start3A_257 : memref<1x1536xf32, #tpu.memory_space<hbm>>) target_semaphore(%arg9 : memref<!tpu.dma_semaphore, #tpu.memory_space<semaphore_mem>>)
      %mul3A_260 = arith.constant 16 : i32
      %mul3A_261 = arith.muli %scan3A_92, %mul3A_260 : i32
      %add3A_262 = arith.constant 14 : i32
      %add3A_263 = arith.addi %mul3A_261, %add3A_262 : i32
      %get3A_264 = arith.index_cast %add3A_263 : i32 to index
      %get3A_265 = memref.load %arg6[%get3A_264] : memref<256xi32, #tpu.memory_space<smem>>
      %dma_start3A_266 = arith.constant 0 : i32
      %dma_start3A_267 = tpu.memref_slice %arg7[%get3A_265, %dma_start3A_266] : memref<64x1536xf32, #tpu.memory_space<vmem>> -> memref<1x1536xf32, #tpu.memory_space<vmem>>
      %dma_start3A_268 = tpu.memref_slice %arg4[%add3A_263, %add3A_12] : memref<256x98304xf32, #tpu.memory_space<hbm>> -> memref<1x1536xf32, #tpu.memory_space<hbm>>
      %dma_start3A_269 = tpu.memref_slice %arg4[%add3A_263, %add3A_12] : memref<256x98304xf32, #tpu.memory_space<hbm>> -> memref<1x1536xf32, #tpu.memory_space<hbm>>
      %dma_start3A_270 = arith.constant 0 : i32
      %dma_start3A_271 = tpu.memref_slice %arg7[%get3A_265, %dma_start3A_270] : memref<64x1536xf32, #tpu.memory_space<vmem>> -> memref<1x1536xf32, #tpu.memory_space<vmem>>
      tpu.enqueue_dma source(%dma_start3A_271 : memref<1x1536xf32, #tpu.memory_space<vmem>>) target(%dma_start3A_269 : memref<1x1536xf32, #tpu.memory_space<hbm>>) target_semaphore(%arg9 : memref<!tpu.dma_semaphore, #tpu.memory_space<semaphore_mem>>)
      %mul3A_272 = arith.constant 16 : i32
      %mul3A_273 = arith.muli %scan3A_92, %mul3A_272 : i32
      %add3A_274 = arith.constant 15 : i32
      %add3A_275 = arith.addi %mul3A_273, %add3A_274 : i32
      %get3A_276 = arith.index_cast %add3A_275 : i32 to index
      %get3A_277 = memref.load %arg6[%get3A_276] : memref<256xi32, #tpu.memory_space<smem>>
      %dma_start3A_278 = arith.constant 0 : i32
      %dma_start3A_279 = tpu.memref_slice %arg7[%get3A_277, %dma_start3A_278] : memref<64x1536xf32, #tpu.memory_space<vmem>> -> memref<1x1536xf32, #tpu.memory_space<vmem>>
      %dma_start3A_280 = tpu.memref_slice %arg4[%add3A_275, %add3A_12] : memref<256x98304xf32, #tpu.memory_space<hbm>> -> memref<1x1536xf32, #tpu.memory_space<hbm>>
      %dma_start3A_281 = tpu.memref_slice %arg4[%add3A_275, %add3A_12] : memref<256x98304xf32, #tpu.memory_space<hbm>> -> memref<1x1536xf32, #tpu.memory_space<hbm>>
      %dma_start3A_282 = arith.constant 0 : i32
      %dma_start3A_283 = tpu.memref_slice %arg7[%get3A_277, %dma_start3A_282] : memref<64x1536xf32, #tpu.memory_space<vmem>> -> memref<1x1536xf32, #tpu.memory_space<vmem>>
      tpu.enqueue_dma source(%dma_start3A_283 : memref<1x1536xf32, #tpu.memory_space<vmem>>) target(%dma_start3A_281 : memref<1x1536xf32, #tpu.memory_space<hbm>>) target_semaphore(%arg9 : memref<!tpu.dma_semaphore, #tpu.memory_space<semaphore_mem>>)
    }
    %scan3A_23 = arith.constant 16 : i32
    %dma_wait3A_24 = arith.constant 0 : i32
    %dma_wait3A_25 = arith.constant 0 : i32
    %dma_wait3A_26 = tpu.memref_slice %arg4[%dma_wait3A_24, %dma_wait3A_25] : memref<256x98304xf32, #tpu.memory_space<hbm>> -> memref<64x1536xf32, #tpu.memory_space<hbm>>
    %dma_wait3A_27 = arith.constant 0 : i32
    %dma_wait3A_28 = arith.constant 0 : i32
    %dma_wait3A_29 = tpu.memref_slice %arg4[%dma_wait3A_27, %dma_wait3A_28] : memref<256x98304xf32, #tpu.memory_space<hbm>> -> memref<64x1536xf32, #tpu.memory_space<hbm>>
    tpu.wait_dma2 semaphore(%arg9 : memref<!tpu.dma_semaphore, #tpu.memory_space<semaphore_mem>>) src(%arg7 : memref<64x1536xf32, #tpu.memory_space<vmem>>) dst(%dma_wait3A_29 : memref<64x1536xf32, #tpu.memory_space<hbm>>)
    %dma_wait3A_30 = arith.constant 0 : i32
    %dma_wait3A_31 = arith.constant 0 : i32
    %dma_wait3A_32 = tpu.memref_slice %arg4[%dma_wait3A_30, %dma_wait3A_31] : memref<256x98304xf32, #tpu.memory_space<hbm>> -> memref<64x1536xf32, #tpu.memory_space<hbm>>
    %dma_wait3A_33 = arith.constant 0 : i32
    %dma_wait3A_34 = arith.constant 0 : i32
    %dma_wait3A_35 = tpu.memref_slice %arg4[%dma_wait3A_33, %dma_wait3A_34] : memref<256x98304xf32, #tpu.memory_space<hbm>> -> memref<64x1536xf32, #tpu.memory_space<hbm>>
    tpu.wait_dma2 semaphore(%arg9 : memref<!tpu.dma_semaphore, #tpu.memory_space<semaphore_mem>>) src(%arg7 : memref<64x1536xf32, #tpu.memory_space<vmem>>) dst(%dma_wait3A_35 : memref<64x1536xf32, #tpu.memory_space<hbm>>)
    %dma_wait3A_36 = arith.constant 0 : i32
    %dma_wait3A_37 = arith.constant 0 : i32
    %dma_wait3A_38 = tpu.memref_slice %arg4[%dma_wait3A_36, %dma_wait3A_37] : memref<256x98304xf32, #tpu.memory_space<hbm>> -> memref<64x1536xf32, #tpu.memory_space<hbm>>
    %dma_wait3A_39 = arith.constant 0 : i32
    %dma_wait3A_40 = arith.constant 0 : i32
    %dma_wait3A_41 = tpu.memref_slice %arg4[%dma_wait3A_39, %dma_wait3A_40] : memref<256x98304xf32, #tpu.memory_space<hbm>> -> memref<64x1536xf32, #tpu.memory_space<hbm>>
    tpu.wait_dma2 semaphore(%arg9 : memref<!tpu.dma_semaphore, #tpu.memory_space<semaphore_mem>>) src(%arg7 : memref<64x1536xf32, #tpu.memory_space<vmem>>) dst(%dma_wait3A_41 : memref<64x1536xf32, #tpu.memory_space<hbm>>)
    %dma_wait3A_42 = arith.constant 0 : i32
    %dma_wait3A_43 = arith.constant 0 : i32
    %dma_wait3A_44 = tpu.memref_slice %arg4[%dma_wait3A_42, %dma_wait3A_43] : memref<256x98304xf32, #tpu.memory_space<hbm>> -> memref<64x1536xf32, #tpu.memory_space<hbm>>
    %dma_wait3A_45 = arith.constant 0 : i32
    %dma_wait3A_46 = arith.constant 0 : i32
    %dma_wait3A_47 = tpu.memref_slice %arg4[%dma_wait3A_45, %dma_wait3A_46] : memref<256x98304xf32, #tpu.memory_space<hbm>> -> memref<64x1536xf32, #tpu.memory_space<hbm>>
    tpu.wait_dma2 semaphore(%arg9 : memref<!tpu.dma_semaphore, #tpu.memory_space<semaphore_mem>>) src(%arg7 : memref<64x1536xf32, #tpu.memory_space<vmem>>) dst(%dma_wait3A_47 : memref<64x1536xf32, #tpu.memory_space<hbm>>)
    %add3A_48 = arith.constant 1536 : i32
    %add3A_49 = arith.addi %mul3A_2, %add3A_48 : i32
    %dma_start3A_50 = arith.constant 0 : i32
    %dma_start3A_51 = tpu.memref_slice %arg3[%dma_start3A_50, %add3A_49] : memref<64x98304xf32, #tpu.memory_space<hbm>> -> memref<64x1536xf32, #tpu.memory_space<hbm>>
    %dma_start3A_52 = arith.constant 0 : i32
    %dma_start3A_53 = tpu.memref_slice %arg3[%dma_start3A_52, %add3A_49] : memref<64x98304xf32, #tpu.memory_space<hbm>> -> memref<64x1536xf32, #tpu.memory_space<hbm>>
    tpu.enqueue_dma source(%dma_start3A_53 : memref<64x1536xf32, #tpu.memory_space<hbm>>) target(%arg7 : memref<64x1536xf32, #tpu.memory_space<vmem>>) target_semaphore(%arg8 : memref<!tpu.dma_semaphore, #tpu.memory_space<semaphore_mem>>)
    %add3A_54 = arith.constant 1536 : i32
    %add3A_55 = arith.addi %mul3A_2, %add3A_54 : i32
    %dma_wait3A_56 = arith.constant 0 : i32
    %dma_wait3A_57 = arith.constant 0 : i32
    %dma_wait3A_58 = tpu.memref_slice %arg3[%dma_wait3A_56, %dma_wait3A_57] : memref<64x98304xf32, #tpu.memory_space<hbm>> -> memref<64x1536xf32, #tpu.memory_space<hbm>>
    %dma_wait3A_59 = arith.constant 0 : i32
    %dma_wait3A_60 = arith.constant 0 : i32
    %dma_wait3A_61 = tpu.memref_slice %arg3[%dma_wait3A_59, %dma_wait3A_60] : memref<64x98304xf32, #tpu.memory_space<hbm>> -> memref<64x1536xf32, #tpu.memory_space<hbm>>
    tpu.wait_dma2 semaphore(%arg8 : memref<!tpu.dma_semaphore, #tpu.memory_space<semaphore_mem>>) src(%dma_wait3A_61 : memref<64x1536xf32, #tpu.memory_space<hbm>>) dst(%arg7 : memref<64x1536xf32, #tpu.memory_space<vmem>>)
    %scan3A_62 = arith.constant 0 : i32
    %scan3A_63 = arith.constant 0 : i32
    %scan3A_64 = arith.constant 16 : i32
    %scan3A_65 = arith.addi %scan3A_63, %scan3A_64 : i32
    %scan3A_66 = arith.constant 1 : i32
    scf.for %scan3A_92 = %scan3A_63 to %scan3A_65 step %scan3A_66  : i32 {
      %mul3A_93 = arith.constant 16 : i32
      %mul3A_94 = arith.muli %scan3A_92, %mul3A_93 : i32
      %add3A_95 = arith.constant 0 : i32
      %add3A_96 = arith.addi %mul3A_94, %add3A_95 : i32
      %get3A = arith.index_cast %add3A_96 : i32 to index
      %get3A_97 = memref.load %arg6[%get3A] : memref<256xi32, #tpu.memory_space<smem>>
      %dma_start3A_98 = arith.constant 0 : i32
      %dma_start3A_99 = tpu.memref_slice %arg7[%get3A_97, %dma_start3A_98] : memref<64x1536xf32, #tpu.memory_space<vmem>> -> memref<1x1536xf32, #tpu.memory_space<vmem>>
      %dma_start3A_100 = tpu.memref_slice %arg4[%add3A_96, %add3A_55] : memref<256x98304xf32, #tpu.memory_space<hbm>> -> memref<1x1536xf32, #tpu.memory_space<hbm>>
      %dma_start3A_101 = tpu.memref_slice %arg4[%add3A_96, %add3A_55] : memref<256x98304xf32, #tpu.memory_space<hbm>> -> memref<1x1536xf32, #tpu.memory_space<hbm>>
      %dma_start3A_102 = arith.constant 0 : i32
      %dma_start3A_103 = tpu.memref_slice %arg7[%get3A_97, %dma_start3A_102] : memref<64x1536xf32, #tpu.memory_space<vmem>> -> memref<1x1536xf32, #tpu.memory_space<vmem>>
      tpu.enqueue_dma source(%dma_start3A_103 : memref<1x1536xf32, #tpu.memory_space<vmem>>) target(%dma_start3A_101 : memref<1x1536xf32, #tpu.memory_space<hbm>>) target_semaphore(%arg9 : memref<!tpu.dma_semaphore, #tpu.memory_space<semaphore_mem>>)
      %mul3A_104 = arith.constant 16 : i32
      %mul3A_105 = arith.muli %scan3A_92, %mul3A_104 : i32
      %add3A_106 = arith.constant 1 : i32
      %add3A_107 = arith.addi %mul3A_105, %add3A_106 : i32
      %get3A_108 = arith.index_cast %add3A_107 : i32 to index
      %get3A_109 = memref.load %arg6[%get3A_108] : memref<256xi32, #tpu.memory_space<smem>>
      %dma_start3A_110 = arith.constant 0 : i32
      %dma_start3A_111 = tpu.memref_slice %arg7[%get3A_109, %dma_start3A_110] : memref<64x1536xf32, #tpu.memory_space<vmem>> -> memref<1x1536xf32, #tpu.memory_space<vmem>>
      %dma_start3A_112 = tpu.memref_slice %arg4[%add3A_107, %add3A_55] : memref<256x98304xf32, #tpu.memory_space<hbm>> -> memref<1x1536xf32, #tpu.memory_space<hbm>>
      %dma_start3A_113 = tpu.memref_slice %arg4[%add3A_107, %add3A_55] : memref<256x98304xf32, #tpu.memory_space<hbm>> -> memref<1x1536xf32, #tpu.memory_space<hbm>>
      %dma_start3A_114 = arith.constant 0 : i32
      %dma_start3A_115 = tpu.memref_slice %arg7[%get3A_109, %dma_start3A_114] : memref<64x1536xf32, #tpu.memory_space<vmem>> -> memref<1x1536xf32, #tpu.memory_space<vmem>>
      tpu.enqueue_dma source(%dma_start3A_115 : memref<1x1536xf32, #tpu.memory_space<vmem>>) target(%dma_start3A_113 : memref<1x1536xf32, #tpu.memory_space<hbm>>) target_semaphore(%arg9 : memref<!tpu.dma_semaphore, #tpu.memory_space<semaphore_mem>>)
      %mul3A_116 = arith.constant 16 : i32
      %mul3A_117 = arith.muli %scan3A_92, %mul3A_116 : i32
      %add3A_118 = arith.constant 2 : i32
      %add3A_119 = arith.addi %mul3A_117, %add3A_118 : i32
      %get3A_120 = arith.index_cast %add3A_119 : i32 to index
      %get3A_121 = memref.load %arg6[%get3A_120] : memref<256xi32, #tpu.memory_space<smem>>
      %dma_start3A_122 = arith.constant 0 : i32
      %dma_start3A_123 = tpu.memref_slice %arg7[%get3A_121, %dma_start3A_122] : memref<64x1536xf32, #tpu.memory_space<vmem>> -> memref<1x1536xf32, #tpu.memory_space<vmem>>
      %dma_start3A_124 = tpu.memref_slice %arg4[%add3A_119, %add3A_55] : memref<256x98304xf32, #tpu.memory_space<hbm>> -> memref<1x1536xf32, #tpu.memory_space<hbm>>
      %dma_start3A_125 = tpu.memref_slice %arg4[%add3A_119, %add3A_55] : memref<256x98304xf32, #tpu.memory_space<hbm>> -> memref<1x1536xf32, #tpu.memory_space<hbm>>
      %dma_start3A_126 = arith.constant 0 : i32
      %dma_start3A_127 = tpu.memref_slice %arg7[%get3A_121, %dma_start3A_126] : memref<64x1536xf32, #tpu.memory_space<vmem>> -> memref<1x1536xf32, #tpu.memory_space<vmem>>
      tpu.enqueue_dma source(%dma_start3A_127 : memref<1x1536xf32, #tpu.memory_space<vmem>>) target(%dma_start3A_125 : memref<1x1536xf32, #tpu.memory_space<hbm>>) target_semaphore(%arg9 : memref<!tpu.dma_semaphore, #tpu.memory_space<semaphore_mem>>)
      %mul3A_128 = arith.constant 16 : i32
      %mul3A_129 = arith.muli %scan3A_92, %mul3A_128 : i32
      %add3A_130 = arith.constant 3 : i32
      %add3A_131 = arith.addi %mul3A_129, %add3A_130 : i32
      %get3A_132 = arith.index_cast %add3A_131 : i32 to index
      %get3A_133 = memref.load %arg6[%get3A_132] : memref<256xi32, #tpu.memory_space<smem>>
      %dma_start3A_134 = arith.constant 0 : i32
      %dma_start3A_135 = tpu.memref_slice %arg7[%get3A_133, %dma_start3A_134] : memref<64x1536xf32, #tpu.memory_space<vmem>> -> memref<1x1536xf32, #tpu.memory_space<vmem>>
      %dma_start3A_136 = tpu.memref_slice %arg4[%add3A_131, %add3A_55] : memref<256x98304xf32, #tpu.memory_space<hbm>> -> memref<1x1536xf32, #tpu.memory_space<hbm>>
      %dma_start3A_137 = tpu.memref_slice %arg4[%add3A_131, %add3A_55] : memref<256x98304xf32, #tpu.memory_space<hbm>> -> memref<1x1536xf32, #tpu.memory_space<hbm>>
      %dma_start3A_138 = arith.constant 0 : i32
      %dma_start3A_139 = tpu.memref_slice %arg7[%get3A_133, %dma_start3A_138] : memref<64x1536xf32, #tpu.memory_space<vmem>> -> memref<1x1536xf32, #tpu.memory_space<vmem>>
      tpu.enqueue_dma source(%dma_start3A_139 : memref<1x1536xf32, #tpu.memory_space<vmem>>) target(%dma_start3A_137 : memref<1x1536xf32, #tpu.memory_space<hbm>>) target_semaphore(%arg9 : memref<!tpu.dma_semaphore, #tpu.memory_space<semaphore_mem>>)
      %mul3A_140 = arith.constant 16 : i32
      %mul3A_141 = arith.muli %scan3A_92, %mul3A_140 : i32
      %add3A_142 = arith.constant 4 : i32
      %add3A_143 = arith.addi %mul3A_141, %add3A_142 : i32
      %get3A_144 = arith.index_cast %add3A_143 : i32 to index
      %get3A_145 = memref.load %arg6[%get3A_144] : memref<256xi32, #tpu.memory_space<smem>>
      %dma_start3A_146 = arith.constant 0 : i32
      %dma_start3A_147 = tpu.memref_slice %arg7[%get3A_145, %dma_start3A_146] : memref<64x1536xf32, #tpu.memory_space<vmem>> -> memref<1x1536xf32, #tpu.memory_space<vmem>>
      %dma_start3A_148 = tpu.memref_slice %arg4[%add3A_143, %add3A_55] : memref<256x98304xf32, #tpu.memory_space<hbm>> -> memref<1x1536xf32, #tpu.memory_space<hbm>>
      %dma_start3A_149 = tpu.memref_slice %arg4[%add3A_143, %add3A_55] : memref<256x98304xf32, #tpu.memory_space<hbm>> -> memref<1x1536xf32, #tpu.memory_space<hbm>>
      %dma_start3A_150 = arith.constant 0 : i32
      %dma_start3A_151 = tpu.memref_slice %arg7[%get3A_145, %dma_start3A_150] : memref<64x1536xf32, #tpu.memory_space<vmem>> -> memref<1x1536xf32, #tpu.memory_space<vmem>>
      tpu.enqueue_dma source(%dma_start3A_151 : memref<1x1536xf32, #tpu.memory_space<vmem>>) target(%dma_start3A_149 : memref<1x1536xf32, #tpu.memory_space<hbm>>) target_semaphore(%arg9 : memref<!tpu.dma_semaphore, #tpu.memory_space<semaphore_mem>>)
      %mul3A_152 = arith.constant 16 : i32
      %mul3A_153 = arith.muli %scan3A_92, %mul3A_152 : i32
      %add3A_154 = arith.constant 5 : i32
      %add3A_155 = arith.addi %mul3A_153, %add3A_154 : i32
      %get3A_156 = arith.index_cast %add3A_155 : i32 to index
      %get3A_157 = memref.load %arg6[%get3A_156] : memref<256xi32, #tpu.memory_space<smem>>
      %dma_start3A_158 = arith.constant 0 : i32
      %dma_start3A_159 = tpu.memref_slice %arg7[%get3A_157, %dma_start3A_158] : memref<64x1536xf32, #tpu.memory_space<vmem>> -> memref<1x1536xf32, #tpu.memory_space<vmem>>
      %dma_start3A_160 = tpu.memref_slice %arg4[%add3A_155, %add3A_55] : memref<256x98304xf32, #tpu.memory_space<hbm>> -> memref<1x1536xf32, #tpu.memory_space<hbm>>
      %dma_start3A_161 = tpu.memref_slice %arg4[%add3A_155, %add3A_55] : memref<256x98304xf32, #tpu.memory_space<hbm>> -> memref<1x1536xf32, #tpu.memory_space<hbm>>
      %dma_start3A_162 = arith.constant 0 : i32
      %dma_start3A_163 = tpu.memref_slice %arg7[%get3A_157, %dma_start3A_162] : memref<64x1536xf32, #tpu.memory_space<vmem>> -> memref<1x1536xf32, #tpu.memory_space<vmem>>
      tpu.enqueue_dma source(%dma_start3A_163 : memref<1x1536xf32, #tpu.memory_space<vmem>>) target(%dma_start3A_161 : memref<1x1536xf32, #tpu.memory_space<hbm>>) target_semaphore(%arg9 : memref<!tpu.dma_semaphore, #tpu.memory_space<semaphore_mem>>)
      %mul3A_164 = arith.constant 16 : i32
      %mul3A_165 = arith.muli %scan3A_92, %mul3A_164 : i32
      %add3A_166 = arith.constant 6 : i32
      %add3A_167 = arith.addi %mul3A_165, %add3A_166 : i32
      %get3A_168 = arith.index_cast %add3A_167 : i32 to index
      %get3A_169 = memref.load %arg6[%get3A_168] : memref<256xi32, #tpu.memory_space<smem>>
      %dma_start3A_170 = arith.constant 0 : i32
      %dma_start3A_171 = tpu.memref_slice %arg7[%get3A_169, %dma_start3A_170] : memref<64x1536xf32, #tpu.memory_space<vmem>> -> memref<1x1536xf32, #tpu.memory_space<vmem>>
      %dma_start3A_172 = tpu.memref_slice %arg4[%add3A_167, %add3A_55] : memref<256x98304xf32, #tpu.memory_space<hbm>> -> memref<1x1536xf32, #tpu.memory_space<hbm>>
      %dma_start3A_173 = tpu.memref_slice %arg4[%add3A_167, %add3A_55] : memref<256x98304xf32, #tpu.memory_space<hbm>> -> memref<1x1536xf32, #tpu.memory_space<hbm>>
      %dma_start3A_174 = arith.constant 0 : i32
      %dma_start3A_175 = tpu.memref_slice %arg7[%get3A_169, %dma_start3A_174] : memref<64x1536xf32, #tpu.memory_space<vmem>> -> memref<1x1536xf32, #tpu.memory_space<vmem>>
      tpu.enqueue_dma source(%dma_start3A_175 : memref<1x1536xf32, #tpu.memory_space<vmem>>) target(%dma_start3A_173 : memref<1x1536xf32, #tpu.memory_space<hbm>>) target_semaphore(%arg9 : memref<!tpu.dma_semaphore, #tpu.memory_space<semaphore_mem>>)
      %mul3A_176 = arith.constant 16 : i32
      %mul3A_177 = arith.muli %scan3A_92, %mul3A_176 : i32
      %add3A_178 = arith.constant 7 : i32
      %add3A_179 = arith.addi %mul3A_177, %add3A_178 : i32
      %get3A_180 = arith.index_cast %add3A_179 : i32 to index
      %get3A_181 = memref.load %arg6[%get3A_180] : memref<256xi32, #tpu.memory_space<smem>>
      %dma_start3A_182 = arith.constant 0 : i32
      %dma_start3A_183 = tpu.memref_slice %arg7[%get3A_181, %dma_start3A_182] : memref<64x1536xf32, #tpu.memory_space<vmem>> -> memref<1x1536xf32, #tpu.memory_space<vmem>>
      %dma_start3A_184 = tpu.memref_slice %arg4[%add3A_179, %add3A_55] : memref<256x98304xf32, #tpu.memory_space<hbm>> -> memref<1x1536xf32, #tpu.memory_space<hbm>>
      %dma_start3A_185 = tpu.memref_slice %arg4[%add3A_179, %add3A_55] : memref<256x98304xf32, #tpu.memory_space<hbm>> -> memref<1x1536xf32, #tpu.memory_space<hbm>>
      %dma_start3A_186 = arith.constant 0 : i32
      %dma_start3A_187 = tpu.memref_slice %arg7[%get3A_181, %dma_start3A_186] : memref<64x1536xf32, #tpu.memory_space<vmem>> -> memref<1x1536xf32, #tpu.memory_space<vmem>>
      tpu.enqueue_dma source(%dma_start3A_187 : memref<1x1536xf32, #tpu.memory_space<vmem>>) target(%dma_start3A_185 : memref<1x1536xf32, #tpu.memory_space<hbm>>) target_semaphore(%arg9 : memref<!tpu.dma_semaphore, #tpu.memory_space<semaphore_mem>>)
      %mul3A_188 = arith.constant 16 : i32
      %mul3A_189 = arith.muli %scan3A_92, %mul3A_188 : i32
      %add3A_190 = arith.constant 8 : i32
      %add3A_191 = arith.addi %mul3A_189, %add3A_190 : i32
      %get3A_192 = arith.index_cast %add3A_191 : i32 to index
      %get3A_193 = memref.load %arg6[%get3A_192] : memref<256xi32, #tpu.memory_space<smem>>
      %dma_start3A_194 = arith.constant 0 : i32
      %dma_start3A_195 = tpu.memref_slice %arg7[%get3A_193, %dma_start3A_194] : memref<64x1536xf32, #tpu.memory_space<vmem>> -> memref<1x1536xf32, #tpu.memory_space<vmem>>
      %dma_start3A_196 = tpu.memref_slice %arg4[%add3A_191, %add3A_55] : memref<256x98304xf32, #tpu.memory_space<hbm>> -> memref<1x1536xf32, #tpu.memory_space<hbm>>
      %dma_start3A_197 = tpu.memref_slice %arg4[%add3A_191, %add3A_55] : memref<256x98304xf32, #tpu.memory_space<hbm>> -> memref<1x1536xf32, #tpu.memory_space<hbm>>
      %dma_start3A_198 = arith.constant 0 : i32
      %dma_start3A_199 = tpu.memref_slice %arg7[%get3A_193, %dma_start3A_198] : memref<64x1536xf32, #tpu.memory_space<vmem>> -> memref<1x1536xf32, #tpu.memory_space<vmem>>
      tpu.enqueue_dma source(%dma_start3A_199 : memref<1x1536xf32, #tpu.memory_space<vmem>>) target(%dma_start3A_197 : memref<1x1536xf32, #tpu.memory_space<hbm>>) target_semaphore(%arg9 : memref<!tpu.dma_semaphore, #tpu.memory_space<semaphore_mem>>)
      %mul3A_200 = arith.constant 16 : i32
      %mul3A_201 = arith.muli %scan3A_92, %mul3A_200 : i32
      %add3A_202 = arith.constant 9 : i32
      %add3A_203 = arith.addi %mul3A_201, %add3A_202 : i32
      %get3A_204 = arith.index_cast %add3A_203 : i32 to index
      %get3A_205 = memref.load %arg6[%get3A_204] : memref<256xi32, #tpu.memory_space<smem>>
      %dma_start3A_206 = arith.constant 0 : i32
      %dma_start3A_207 = tpu.memref_slice %arg7[%get3A_205, %dma_start3A_206] : memref<64x1536xf32, #tpu.memory_space<vmem>> -> memref<1x1536xf32, #tpu.memory_space<vmem>>
      %dma_start3A_208 = tpu.memref_slice %arg4[%add3A_203, %add3A_55] : memref<256x98304xf32, #tpu.memory_space<hbm>> -> memref<1x1536xf32, #tpu.memory_space<hbm>>
      %dma_start3A_209 = tpu.memref_slice %arg4[%add3A_203, %add3A_55] : memref<256x98304xf32, #tpu.memory_space<hbm>> -> memref<1x1536xf32, #tpu.memory_space<hbm>>
      %dma_start3A_210 = arith.constant 0 : i32
      %dma_start3A_211 = tpu.memref_slice %arg7[%get3A_205, %dma_start3A_210] : memref<64x1536xf32, #tpu.memory_space<vmem>> -> memref<1x1536xf32, #tpu.memory_space<vmem>>
      tpu.enqueue_dma source(%dma_start3A_211 : memref<1x1536xf32, #tpu.memory_space<vmem>>) target(%dma_start3A_209 : memref<1x1536xf32, #tpu.memory_space<hbm>>) target_semaphore(%arg9 : memref<!tpu.dma_semaphore, #tpu.memory_space<semaphore_mem>>)
      %mul3A_212 = arith.constant 16 : i32
      %mul3A_213 = arith.muli %scan3A_92, %mul3A_212 : i32
      %add3A_214 = arith.constant 10 : i32
      %add3A_215 = arith.addi %mul3A_213, %add3A_214 : i32
      %get3A_216 = arith.index_cast %add3A_215 : i32 to index
      %get3A_217 = memref.load %arg6[%get3A_216] : memref<256xi32, #tpu.memory_space<smem>>
      %dma_start3A_218 = arith.constant 0 : i32
      %dma_start3A_219 = tpu.memref_slice %arg7[%get3A_217, %dma_start3A_218] : memref<64x1536xf32, #tpu.memory_space<vmem>> -> memref<1x1536xf32, #tpu.memory_space<vmem>>
      %dma_start3A_220 = tpu.memref_slice %arg4[%add3A_215, %add3A_55] : memref<256x98304xf32, #tpu.memory_space<hbm>> -> memref<1x1536xf32, #tpu.memory_space<hbm>>
      %dma_start3A_221 = tpu.memref_slice %arg4[%add3A_215, %add3A_55] : memref<256x98304xf32, #tpu.memory_space<hbm>> -> memref<1x1536xf32, #tpu.memory_space<hbm>>
      %dma_start3A_222 = arith.constant 0 : i32
      %dma_start3A_223 = tpu.memref_slice %arg7[%get3A_217, %dma_start3A_222] : memref<64x1536xf32, #tpu.memory_space<vmem>> -> memref<1x1536xf32, #tpu.memory_space<vmem>>
      tpu.enqueue_dma source(%dma_start3A_223 : memref<1x1536xf32, #tpu.memory_space<vmem>>) target(%dma_start3A_221 : memref<1x1536xf32, #tpu.memory_space<hbm>>) target_semaphore(%arg9 : memref<!tpu.dma_semaphore, #tpu.memory_space<semaphore_mem>>)
      %mul3A_224 = arith.constant 16 : i32
      %mul3A_225 = arith.muli %scan3A_92, %mul3A_224 : i32
      %add3A_226 = arith.constant 11 : i32
      %add3A_227 = arith.addi %mul3A_225, %add3A_226 : i32
      %get3A_228 = arith.index_cast %add3A_227 : i32 to index
      %get3A_229 = memref.load %arg6[%get3A_228] : memref<256xi32, #tpu.memory_space<smem>>
      %dma_start3A_230 = arith.constant 0 : i32
      %dma_start3A_231 = tpu.memref_slice %arg7[%get3A_229, %dma_start3A_230] : memref<64x1536xf32, #tpu.memory_space<vmem>> -> memref<1x1536xf32, #tpu.memory_space<vmem>>
      %dma_start3A_232 = tpu.memref_slice %arg4[%add3A_227, %add3A_55] : memref<256x98304xf32, #tpu.memory_space<hbm>> -> memref<1x1536xf32, #tpu.memory_space<hbm>>
      %dma_start3A_233 = tpu.memref_slice %arg4[%add3A_227, %add3A_55] : memref<256x98304xf32, #tpu.memory_space<hbm>> -> memref<1x1536xf32, #tpu.memory_space<hbm>>
      %dma_start3A_234 = arith.constant 0 : i32
      %dma_start3A_235 = tpu.memref_slice %arg7[%get3A_229, %dma_start3A_234] : memref<64x1536xf32, #tpu.memory_space<vmem>> -> memref<1x1536xf32, #tpu.memory_space<vmem>>
      tpu.enqueue_dma source(%dma_start3A_235 : memref<1x1536xf32, #tpu.memory_space<vmem>>) target(%dma_start3A_233 : memref<1x1536xf32, #tpu.memory_space<hbm>>) target_semaphore(%arg9 : memref<!tpu.dma_semaphore, #tpu.memory_space<semaphore_mem>>)
      %mul3A_236 = arith.constant 16 : i32
      %mul3A_237 = arith.muli %scan3A_92, %mul3A_236 : i32
      %add3A_238 = arith.constant 12 : i32
      %add3A_239 = arith.addi %mul3A_237, %add3A_238 : i32
      %get3A_240 = arith.index_cast %add3A_239 : i32 to index
      %get3A_241 = memref.load %arg6[%get3A_240] : memref<256xi32, #tpu.memory_space<smem>>
      %dma_start3A_242 = arith.constant 0 : i32
      %dma_start3A_243 = tpu.memref_slice %arg7[%get3A_241, %dma_start3A_242] : memref<64x1536xf32, #tpu.memory_space<vmem>> -> memref<1x1536xf32, #tpu.memory_space<vmem>>
      %dma_start3A_244 = tpu.memref_slice %arg4[%add3A_239, %add3A_55] : memref<256x98304xf32, #tpu.memory_space<hbm>> -> memref<1x1536xf32, #tpu.memory_space<hbm>>
      %dma_start3A_245 = tpu.memref_slice %arg4[%add3A_239, %add3A_55] : memref<256x98304xf32, #tpu.memory_space<hbm>> -> memref<1x1536xf32, #tpu.memory_space<hbm>>
      %dma_start3A_246 = arith.constant 0 : i32
      %dma_start3A_247 = tpu.memref_slice %arg7[%get3A_241, %dma_start3A_246] : memref<64x1536xf32, #tpu.memory_space<vmem>> -> memref<1x1536xf32, #tpu.memory_space<vmem>>
      tpu.enqueue_dma source(%dma_start3A_247 : memref<1x1536xf32, #tpu.memory_space<vmem>>) target(%dma_start3A_245 : memref<1x1536xf32, #tpu.memory_space<hbm>>) target_semaphore(%arg9 : memref<!tpu.dma_semaphore, #tpu.memory_space<semaphore_mem>>)
      %mul3A_248 = arith.constant 16 : i32
      %mul3A_249 = arith.muli %scan3A_92, %mul3A_248 : i32
      %add3A_250 = arith.constant 13 : i32
      %add3A_251 = arith.addi %mul3A_249, %add3A_250 : i32
      %get3A_252 = arith.index_cast %add3A_251 : i32 to index
      %get3A_253 = memref.load %arg6[%get3A_252] : memref<256xi32, #tpu.memory_space<smem>>
      %dma_start3A_254 = arith.constant 0 : i32
      %dma_start3A_255 = tpu.memref_slice %arg7[%get3A_253, %dma_start3A_254] : memref<64x1536xf32, #tpu.memory_space<vmem>> -> memref<1x1536xf32, #tpu.memory_space<vmem>>
      %dma_start3A_256 = tpu.memref_slice %arg4[%add3A_251, %add3A_55] : memref<256x98304xf32, #tpu.memory_space<hbm>> -> memref<1x1536xf32, #tpu.memory_space<hbm>>
      %dma_start3A_257 = tpu.memref_slice %arg4[%add3A_251, %add3A_55] : memref<256x98304xf32, #tpu.memory_space<hbm>> -> memref<1x1536xf32, #tpu.memory_space<hbm>>
      %dma_start3A_258 = arith.constant 0 : i32
      %dma_start3A_259 = tpu.memref_slice %arg7[%get3A_253, %dma_start3A_258] : memref<64x1536xf32, #tpu.memory_space<vmem>> -> memref<1x1536xf32, #tpu.memory_space<vmem>>
      tpu.enqueue_dma source(%dma_start3A_259 : memref<1x1536xf32, #tpu.memory_space<vmem>>) target(%dma_start3A_257 : memref<1x1536xf32, #tpu.memory_space<hbm>>) target_semaphore(%arg9 : memref<!tpu.dma_semaphore, #tpu.memory_space<semaphore_mem>>)
      %mul3A_260 = arith.constant 16 : i32
      %mul3A_261 = arith.muli %scan3A_92, %mul3A_260 : i32
      %add3A_262 = arith.constant 14 : i32
      %add3A_263 = arith.addi %mul3A_261, %add3A_262 : i32
      %get3A_264 = arith.index_cast %add3A_263 : i32 to index
      %get3A_265 = memref.load %arg6[%get3A_264] : memref<256xi32, #tpu.memory_space<smem>>
      %dma_start3A_266 = arith.constant 0 : i32
      %dma_start3A_267 = tpu.memref_slice %arg7[%get3A_265, %dma_start3A_266] : memref<64x1536xf32, #tpu.memory_space<vmem>> -> memref<1x1536xf32, #tpu.memory_space<vmem>>
      %dma_start3A_268 = tpu.memref_slice %arg4[%add3A_263, %add3A_55] : memref<256x98304xf32, #tpu.memory_space<hbm>> -> memref<1x1536xf32, #tpu.memory_space<hbm>>
      %dma_start3A_269 = tpu.memref_slice %arg4[%add3A_263, %add3A_55] : memref<256x98304xf32, #tpu.memory_space<hbm>> -> memref<1x1536xf32, #tpu.memory_space<hbm>>
      %dma_start3A_270 = arith.constant 0 : i32
      %dma_start3A_271 = tpu.memref_slice %arg7[%get3A_265, %dma_start3A_270] : memref<64x1536xf32, #tpu.memory_space<vmem>> -> memref<1x1536xf32, #tpu.memory_space<vmem>>
      tpu.enqueue_dma source(%dma_start3A_271 : memref<1x1536xf32, #tpu.memory_space<vmem>>) target(%dma_start3A_269 : memref<1x1536xf32, #tpu.memory_space<hbm>>) target_semaphore(%arg9 : memref<!tpu.dma_semaphore, #tpu.memory_space<semaphore_mem>>)
      %mul3A_272 = arith.constant 16 : i32
      %mul3A_273 = arith.muli %scan3A_92, %mul3A_272 : i32
      %add3A_274 = arith.constant 15 : i32
      %add3A_275 = arith.addi %mul3A_273, %add3A_274 : i32
      %get3A_276 = arith.index_cast %add3A_275 : i32 to index
      %get3A_277 = memref.load %arg6[%get3A_276] : memref<256xi32, #tpu.memory_space<smem>>
      %dma_start3A_278 = arith.constant 0 : i32
      %dma_start3A_279 = tpu.memref_slice %arg7[%get3A_277, %dma_start3A_278] : memref<64x1536xf32, #tpu.memory_space<vmem>> -> memref<1x1536xf32, #tpu.memory_space<vmem>>
      %dma_start3A_280 = tpu.memref_slice %arg4[%add3A_275, %add3A_55] : memref<256x98304xf32, #tpu.memory_space<hbm>> -> memref<1x1536xf32, #tpu.memory_space<hbm>>
      %dma_start3A_281 = tpu.memref_slice %arg4[%add3A_275, %add3A_55] : memref<256x98304xf32, #tpu.memory_space<hbm>> -> memref<1x1536xf32, #tpu.memory_space<hbm>>
      %dma_start3A_282 = arith.constant 0 : i32
      %dma_start3A_283 = tpu.memref_slice %arg7[%get3A_277, %dma_start3A_282] : memref<64x1536xf32, #tpu.memory_space<vmem>> -> memref<1x1536xf32, #tpu.memory_space<vmem>>
      tpu.enqueue_dma source(%dma_start3A_283 : memref<1x1536xf32, #tpu.memory_space<vmem>>) target(%dma_start3A_281 : memref<1x1536xf32, #tpu.memory_space<hbm>>) target_semaphore(%arg9 : memref<!tpu.dma_semaphore, #tpu.memory_space<semaphore_mem>>)
    }
    %scan3A_67 = arith.constant 16 : i32
    %dma_wait3A_68 = arith.constant 0 : i32
    %dma_wait3A_69 = arith.constant 0 : i32
    %dma_wait3A_70 = tpu.memref_slice %arg4[%dma_wait3A_68, %dma_wait3A_69] : memref<256x98304xf32, #tpu.memory_space<hbm>> -> memref<64x1536xf32, #tpu.memory_space<hbm>>
    %dma_wait3A_71 = arith.constant 0 : i32
    %dma_wait3A_72 = arith.constant 0 : i32
    %dma_wait3A_73 = tpu.memref_slice %arg4[%dma_wait3A_71, %dma_wait3A_72] : memref<256x98304xf32, #tpu.memory_space<hbm>> -> memref<64x1536xf32, #tpu.memory_space<hbm>>
    tpu.wait_dma2 semaphore(%arg9 : memref<!tpu.dma_semaphore, #tpu.memory_space<semaphore_mem>>) src(%arg7 : memref<64x1536xf32, #tpu.memory_space<vmem>>) dst(%dma_wait3A_73 : memref<64x1536xf32, #tpu.memory_space<hbm>>)
    %dma_wait3A_74 = arith.constant 0 : i32
    %dma_wait3A_75 = arith.constant 0 : i32
    %dma_wait3A_76 = tpu.memref_slice %arg4[%dma_wait3A_74, %dma_wait3A_75] : memref<256x98304xf32, #tpu.memory_space<hbm>> -> memref<64x1536xf32, #tpu.memory_space<hbm>>
    %dma_wait3A_77 = arith.constant 0 : i32
    %dma_wait3A_78 = arith.constant 0 : i32
    %dma_wait3A_79 = tpu.memref_slice %arg4[%dma_wait3A_77, %dma_wait3A_78] : memref<256x98304xf32, #tpu.memory_space<hbm>> -> memref<64x1536xf32, #tpu.memory_space<hbm>>
    tpu.wait_dma2 semaphore(%arg9 : memref<!tpu.dma_semaphore, #tpu.memory_space<semaphore_mem>>) src(%arg7 : memref<64x1536xf32, #tpu.memory_space<vmem>>) dst(%dma_wait3A_79 : memref<64x1536xf32, #tpu.memory_space<hbm>>)
    %dma_wait3A_80 = arith.constant 0 : i32
    %dma_wait3A_81 = arith.constant 0 : i32
    %dma_wait3A_82 = tpu.memref_slice %arg4[%dma_wait3A_80, %dma_wait3A_81] : memref<256x98304xf32, #tpu.memory_space<hbm>> -> memref<64x1536xf32, #tpu.memory_space<hbm>>
    %dma_wait3A_83 = arith.constant 0 : i32
    %dma_wait3A_84 = arith.constant 0 : i32
    %dma_wait3A_85 = tpu.memref_slice %arg4[%dma_wait3A_83, %dma_wait3A_84] : memref<256x98304xf32, #tpu.memory_space<hbm>> -> memref<64x1536xf32, #tpu.memory_space<hbm>>
    tpu.wait_dma2 semaphore(%arg9 : memref<!tpu.dma_semaphore, #tpu.memory_space<semaphore_mem>>) src(%arg7 : memref<64x1536xf32, #tpu.memory_space<vmem>>) dst(%dma_wait3A_85 : memref<64x1536xf32, #tpu.memory_space<hbm>>)
    %dma_wait3A_86 = arith.constant 0 : i32
    %dma_wait3A_87 = arith.constant 0 : i32
    %dma_wait3A_88 = tpu.memref_slice %arg4[%dma_wait3A_86, %dma_wait3A_87] : memref<256x98304xf32, #tpu.memory_space<hbm>> -> memref<64x1536xf32, #tpu.memory_space<hbm>>
    %dma_wait3A_89 = arith.constant 0 : i32
    %dma_wait3A_90 = arith.constant 0 : i32
    %dma_wait3A_91 = tpu.memref_slice %arg4[%dma_wait3A_89, %dma_wait3A_90] : memref<256x98304xf32, #tpu.memory_space<hbm>> -> memref<64x1536xf32, #tpu.memory_space<hbm>>
    tpu.wait_dma2 semaphore(%arg9 : memref<!tpu.dma_semaphore, #tpu.memory_space<semaphore_mem>>) src(%arg7 : memref<64x1536xf32, #tpu.memory_space<vmem>>) dst(%dma_wait3A_91 : memref<64x1536xf32, #tpu.memory_space<hbm>>)
    return
  }
}

</mosaic_0001>

<sc_bundles>
// kernel: kernel.3.cloned.1.call-start
scs
__scs_entry_jumppad:
0x0: {  	(pc) =	sbr.rel $0x88, $3  }
0x1: {  	(tag) =	ssettag $0x0;
	lr =	simm.s32 $0x1  }
0x2: {  	[smem:$0x3F9F] =	sst lr;
	_ =	strace $0xD0000000  }
0x3: {  	_ = 	snop  }
0x4: {  	_ = 	snop  }
0x5: {  	_ = 	snop  }
0x6: {  	_ = 	snop  }
0x7: {  	_ = 	snop  }
__scs_overlays_trampoline_lowered:
0x8: {  	[smem:$0x3FAE] =	sst s0  }
0x9: {  	[smem:$0x3FAF] =	sst s1  }
0xa: {  	[smem:$0x3FB0] =	sst s2  }
0xb: {  	[smem:$0x3FB1] =	sst s3  }
0xc: {  	[smem:$0x3FB2] =	sst s4  }
0xd: {  	[smem:$0x3FB3] =	sst s5  }
0xe: {  	[smem:$0x3FB4] =	sst s6  }
0xf: {  	[smem:$0x3FB5] =	sst s7  }
0x10: {  	[smem:$0x3FB6] =	sst s8  }
0x11: {  	[smem:$0x3FB7] =	sst s9;
	s0 =	simm.s32 @!p0 $0x0  }
0x12: {  	s1 =	sld [smem:$0x3F9D];
	s0 =	simm.s32 @p0 $0x1  }
0x13: {  	[smem:$0x3FB8] =	sst s0;
	s0 =	simm.s32 @!p1 $0x0  }
0x14: {  	s2 =	sld [smem:$0x3F9C];
	s0 =	simm.s32 @p1 $0x1  }
0x15: {  	[smem:$0x3FB9] =	sst s0;
	s0 =	simm.s32 @!p2 $0x0  }
0x16: {  	s3 =	sld [smem:$0x3FDB];
	s0 =	simm.s32 @p2 $0x1  }
0x17: {  	s4 =	simm.s32 $0x1BF5;
	[smem:$0x3FBB] =	sst s0  }
0x18: {  	s0 =	sld [smem:$0x3F9E];
	_ =	swait.ge [sflag:s4], $0x0  }
0x19: {  	s7 =	sld [smem:$0x3F9F]  }
0x1a: {  	s8 =	sadd.s32 $0xFFFFE003, lr  }
0x1b: {  	s9 =	sadd.s32 $0xFFFFFEF7, lr;
	s5 =	simm.s32 $0xFFFFFFFF;
	p2 =	slt.u32 s8, $0xFFFFF086  }
0x1c: {  	p1 =	slt.u32 s9, $0xF7A;
	s5 =	simm.s32 @!p2 $0x0  }
0x1d: {  	s5 =	simm.s32 @p1 $0x1;
	p0 =	seq.s32 s7, s2  }
0x1e: {  	s7 =	smul.u32 @!p0 $0xF7A, s2;
	p2 =	seq.s32 @!p0 s5, $0x0  }
0x1f: {  	s9 =	smul.u32 $0xF7A, s1;
	s8 =	simm.s32 @!p0 $0x1BF5;
	p2 =	por !p2, p0  }
0x20: {  	[sflag:s8] =	ssyncset.s32 @!p0 $0xFFFFF086;
	s6 =	sadd.s32 @!p0 s3, s7;
	s7 =	simm.s32 @!p0 $0x108  }
0x21: {  	s3 =	sadd.s32 s3, s9;
	s6 =	sadd.s32 @!p0 $0x88, s6;
	s7 =	simm.s32 @p2 $0x1082  }
0x22: {  	[simem:s7], [sflag:s8] =	dma.local @!p0 [hbm:s6], $0xF7A  }
0x23: {  	s9 =	sor.u32 $0xD0000000, s2;
	s6 =	simm.s32 $0x108;
	_ =	swait.ge @!p0 [sflag:s8], $0x0  }
0x24: {  	s3 =	sadd.s32 $0x88, s3;
	s6 =	simm.s32 @!p1 $0x1082;
	[sflag:s4] =	ssyncset.s32 $0xFFFFF086  }
0x25: {  	[simem:s6], [sflag:s4] =	dma.local [hbm:s3], $0xF7A  }
0x26: {  	[smem:$0x3F9F] =	sst s1;
	(tag) =	ssettag s2;
	_ =	strace s9  }
0x27: {  	s1 =	sld [smem:$0x3FAF]  }
0x28: {  	s2 =	sld [smem:$0x3FB0]  }
0x29: {  	s4 =	sld [smem:$0x3FB2]  }
0x2a: {  	p0 =	seq.s32 s5, $0x0;
	s5 =	sld [smem:$0x3FB3]  }
0x2b: {  	s6 =	sld [smem:$0x3FB4]  }
0x2c: {  	s7 =	sld [smem:$0x3FB5]  }
0x2d: {  	s3 =	simm.s32 $0x108;
	s8 =	sld [smem:$0x3FB6]  }
0x2e: {  	s3 =	simm.s32 @!p0 $0x1082;
	s9 =	sld [smem:$0x3FB7]  }
0x2f: {  	lr =	sadd.s32 s0, s3;
	s0 =	sld [smem:$0x3FAE]  }
0x30: {  	s3 =	sld [smem:$0x3FB1]  }
0x31: {  	[smem:$0x3FBA] =	sst s10  }
0x32: {  	s10 =	sld [smem:$0x3FB8];
	_ =	sdelay $0x3  }
0x33: {  	p0 =	seq.s32 s10, $0x1;
	s10 =	sld [smem:$0x3FBA];
	_ =	sdelay $0x3  }
0x34: {  	[smem:$0x3FBA] =	sst s10  }
0x35: {  	s10 =	sld [smem:$0x3FB9];
	_ =	sdelay $0x3  }
0x36: {  	p1 =	seq.s32 s10, $0x1;
	s10 =	sld [smem:$0x3FBA];
	_ =	sdelay $0x3  }
0x37: {  	[smem:$0x3FBA] =	sst s10  }
0x38: {  	s10 =	sld [smem:$0x3FBB]  }
0x39: {  	_ = 	snop;
	(pc) =	sbr.ind lr, $3  }
0x3a: {  	_ = 	snop  }
0x3b: {  	_ = 	snop  }
0x3c: {  	p2 =	seq.s32 s10, $0x1;
	s10 =	sld [smem:$0x3FBA]  }
0x3d: {  	_ =	shalt  }
0x3e: {  	_ =	shalt  }
0x3f: {  	_ =	shalt  }
0x40: {  	_ =	shalt  }
0x41: {  	_ =	shalt  }
0x42: {  	_ =	shalt  }
0x43: {  	_ =	shalt  }
0x44: {  	_ =	shalt  }
0x45: {  	_ =	shalt  }
0x46: {  	_ =	shalt  }
0x47: {  	_ =	shalt  }
0x48: {  	_ =	shalt  }
0x49: {  	_ =	shalt  }
0x4a: {  	_ =	shalt  }
0x4b: {  	_ =	shalt  }
0x4c: {  	_ =	shalt  }
0x4d: {  	_ =	shalt  }
0x4e: {  	_ =	shalt  }
0x4f: {  	_ =	shalt  }
0x50: {  	_ =	shalt  }
0x51: {  	_ =	shalt  }
0x52: {  	_ =	shalt  }
0x53: {  	_ =	shalt  }
0x54: {  	_ =	shalt  }
0x55: {  	_ =	shalt  }
0x56: {  	_ =	shalt  }
0x57: {  	_ =	shalt  }
0x58: {  	_ =	shalt  }
0x59: {  	_ =	shalt  }
0x5a: {  	_ =	shalt  }
0x5b: {  	_ =	shalt  }
0x5c: {  	_ =	shalt  }
0x5d: {  	_ =	shalt  }
0x5e: {  	_ =	shalt  }
0x5f: {  	_ =	shalt  }
0x60: {  	_ =	shalt  }
0x61: {  	_ =	shalt  }
0x62: {  	_ =	shalt  }
0x63: {  	_ =	shalt  }
0x64: {  	_ =	shalt  }
0x65: {  	_ =	shalt  }
0x66: {  	_ =	shalt  }
0x67: {  	_ =	shalt  }
0x68: {  	_ =	shalt  }
0x69: {  	_ =	shalt  }
0x6a: {  	_ =	shalt  }
0x6b: {  	_ =	shalt  }
0x6c: {  	_ =	shalt  }
0x6d: {  	_ =	shalt  }
0x6e: {  	_ =	shalt  }
0x6f: {  	_ =	shalt  }
0x70: {  	_ =	shalt  }
0x71: {  	_ =	shalt  }
0x72: {  	_ =	shalt  }
0x73: {  	_ =	shalt  }
0x74: {  	_ =	shalt  }
0x75: {  	_ =	shalt  }
0x76: {  	_ =	shalt  }
0x77: {  	_ =	shalt  }
0x78: {  	_ =	shalt  }
0x79: {  	_ =	shalt  }
0x7a: {  	_ =	shalt  }
0x7b: {  	_ =	shalt  }
0x7c: {  	_ =	shalt  }
0x7d: {  	_ =	shalt  }
0x7e: {  	_ =	shalt  }
0x7f: {  	_ =	shalt  }
0x80: {  	_ =	shalt  }
0x81: {  	_ =	shalt  }
0x82: {  	_ =	shalt  }
0x83: {  	_ =	shalt  }
0x84: {  	_ =	shalt  }
0x85: {  	_ =	shalt  }
0x86: {  	_ =	shalt  }
0x87: {  	_ =	shalt  }
.Lfunc_end0:
.L_simem_size_0:
called_computation_lowered:
.L_overlay_start_0:
0x88: {  	s2 =	sld [smem:$0x3FD9]  }
0x89: {  	s3 =	sld [smem:$0x3FFE];
	_ =	sdelay $0x1  }
0x8a: {  	s1 =	srdreg.scid  }
0x8b: {  	s0 =	sand.u32 $0x1, s1  }
0x8c: {  	s17 =	sshll.u32 s0, $0xA;
	s2 =	sadd.s32 s3, s2  }
0x8d: {  	s2 =	sadd.s32 s2, s17  }
0x8e: {  	[smem:$0x3FC6] =	sst s2  }
0x8f: {  	_ = 	snop  }
0x90: {  	s2 =	sld [smem:$0x3FC8]  }
0x91: {  	s18 =	sld [smem:$0x3FD0];
	(tm) =	ssettm $0x1  }
0x92: {  	s4 =	sld [smem:$0x3FFB];
	_ =	sdelay $0x3  }
0x93: {  	_ =	strace s4  }
0x94: {  	s4 =	sld [smem:$0x3FFC];
	_ =	sdelay $0x3  }
0x95: {  	_ =	strace s4  }
0x96: {  	s4 =	sld [smem:$0x3FFD];
	_ =	sdelay $0x3  }
0x97: {  	_ =	strace s4  }
0x98: {  	_ =	strace $0x8FFFFFFF  }
0x99: {  	s19 =	sld [smem:$0x3FDB];
	_ =	sdelay $0x1  }
0x9a: {  	s5 =	simm.s32 $_scs_section_size  }
0x9b: {  	s6 =	simm.s32 $_size__tile_overlayer_lowered;
	s7 =	simm.s32 $_tile_overlayer_lowered  }
0x9c: {  	s22 =	simm.s32 $0x1BFF;
	s21 =	sshll.u32 s7, $0x1;
	s4 =	sadd.s32 s5, s19  }
0x9d: {  	s8 =	simm.s32 $0x0;
	s20 =	sshll.u32 s6, $0x1;
	s6 =	sadd.s32 s21, s4  }
0x9e: {  	[timem:s8], [sflag:s22] =	dma.local [hbm:s6], s20  }
0x9f: {  	_ =	swait.ge [sflag:s22], s20  }
0xa0: {  	s5 =	ssub.s32 $0x0, s20;
	[sflag:s22] =	ssyncset.done $0x0  }
0xa1: {  	[sflag:s22] =	ssyncadd.s32 s5;
	_ =	sdelay $0x1  }
0xa2: {  	s23 =	simm.s32 $0x1B8B  }
0xa3: {  	_ =	swait.ge [sflag:s23], $0x1  }
0xa4: {  	[sflag:s23] =	ssyncset.done $0x0  }
0xa5: {  	s25 =	simm.s32 $0x1B8E;
	s24 =	sld [smem:$0x3FFE];
	[sflag:s23] =	ssyncadd.s32 $0xFFFFFFFF  }
0xa6: {  	s26 =	simm.s32 $execute0_lowered;
	[smem:$0x3FD2] =	sst s25  }
0xa7: {  	s6 =	sshll.u32 s26, $0x1;
	_ =	strace $0x80000046;
	[dreg:$0x1] =	wrdreg $0xFFFFFFFF  }
0xa8: {  	s28 =	simm.s32 $_size_execute0_lowered;
	s4 =	sadd.s32 s4, s6;
	[dreg:$0x0] =	wrdreg $0x0  }
0xa9: {  	s6 =	sshll.u32 s28, $0x1;
	[dreg:$0x2] =	wrdreg s4  }
0xaa: {  	[dreg:$0x3] =	wrdreg s6  }
0xab: {  	[dreg:$0x4] =	wrdreg $0xC0  }
0xac: {  	_ =	task [dreg:s8], $0x5FFFF  }
0xad: {  	[dreg:$0x1] =	wrdreg $0xFFFFFFFF  }
0xae: {  	[dreg:$0x0] =	wrdreg $0x60  }
0xaf: {  	[dreg:$0x2] =	wrdreg s24  }
0xb0: {  	[dreg:$0x3] =	wrdreg s2  }
0xb1: {  	[dreg:$0x4] =	wrdreg s18  }
0xb2: {  	[dreg:$0x5] =	wrdreg $0x9  }
0xb3: {  	_ =	task.clear_ibuf [dreg:s8], $0x6FFFF;
	_ =	strace $0x90000046  }
0xb4: {  	s29 =	simm.s32 $0x9;
	_ =	strace $0x80000048  }
0xb5: {  	_ =	swait.ge [sflag:s29], $0x1  }
0xb6: {  	[sflag:s29] =	ssyncadd.s32 $0xFFFFFFFF  }
0xb7: {  	_ =	strace $0x90000048  }
0xb8: {  	_ =	sfence  }
0xb9: {  	s30 =	sld [smem:$0x0];
	_ =	sdelay $0x2  }
0xba: {  	s31 =	sshll.u32 s1, $0xD;
	s1 =	sshrl.u32 s1, $0x2  }
0xbb: {  	s3 =	sand.u32 $0x4000, s31;
	s1 =	sadd.s32 s1, s30  }
0xbc: {  	s0 =	sor.u32 s3, s0;
	s1 =	sshll.u32 s1, $0x11  }
0xbd: {  	s0 =	sor.u32 s1, s0  }
0xbe: {  	s0 =	sadd.s32 $0x8F2B, s0  }
0xbf: {  	[sflag:s0] =	ssyncadd.remote.s32 $0x1  }
0xc0: {  	_ =	sfence.sel $0xFFFF  }
0xc1: {  	[dreg:$0x0] =	wrdreg $0xFFFFFFFF;
	(pc) =	sbr.abs _section_cstart, $3  }
0xc2: {  	[dreg:$0x1] =	wrdreg $0xFFFFFFFF  }
0xc3: {  	_ =	task.clear_ibuf [dreg:s8], $0x2FFFF;
	_ =	strace $0x9FFFFFFF  }
0xc4: {  	(tm) =	ssettm $0x7FFFFFFF  }
0xc5: {  	_ =	shalt  }
tec
execute0_lowered:
.L_overlay_start_1:
0x0: {  	(tag) =	ssettag $0x1  }
0x1: {  	s3 =	rddreg [dreg:$0x0]  }
0x2: {  	s4 =	rddreg [dreg:$0x1]  }
0x3: {  	s6 =	rddreg [dreg:$0x2];
	s2 =	srdreg.scid  }
0x4: {  	s1 =	stileid.u32;
	s0 =	rddreg [dreg:$0x3];
	s11 =	simm.s32 $0x1  }
0x5: {  	s12 =	simm.s32 $0x2;
	s13 =	simm.s32 $0x0;
	s5 =	sand.u32 $0x1, s2  }
0x6: {  	s7 =	smul.u32 $0xC000, s1;
	s2 =	simm.s32 $0x0;
	s8 =	sshll.u32 s1, $0x1  }
0x7: {  	s3 =	sadd.s32 $0x400, s3;
	s9 =	smul.u32 $0x6000, s5;
	s8 =	sor.u32 s5, s8  }
0x8: {  	[smem:$0x7FF] =	sst s2;
	s5 =	ssub.s32 $0x2, s5;
	s8 =	smul.u32 $0x6000, s8  }
0x9: {  	_ =	strace $0x80000047;
	s10 =	sshrl.u32 s5, $0x1;
	s7 =	sadd.s32 s9, s7  }
0xa: {  	s10 =	ssub.s32 s5, s10;
	s9 =	sadd.s32 $0xC0000, s7;
	s8 =	sshrl.u32 s8, $0x3  }
0xb: {  	s30 =	sshrl.u32 s7, $0x3;
	s31 =	sadd.s32 $0xC3000, s7;
	s7 =	sadd.s32 $0x3000, s7  }
0xc: {  	vm0 =	vmmov $0x1;
	s9 =	sshrl.u32 s9, $0x3;
	s4 =	sadd.s32 s4, s8;
	s5 =	sadd.s32 s30, s6  }
0xd: {  	vm1 =	vcmask $0x308;
	vm2 =	vcmask $0x70C;
	vm3 =	vcmask $0xB10;
	s8 =	sshrl.u32 s31, $0x3;
	s7 =	sshrl.u32 s7, $0x3;
	s29 =	sadd.s32 s9, s6  }
0xe: {  	vm4 =	vcmask $0xF14;
	vm5 =	vcmask $0x1318;
	vm6 =	vcmask $0x171C;
	[dreg:$0x4] =	wrdreg s5;
	s8 =	sadd.s32 s8, s6;
	s5 =	sadd.s32 $0x600, s4  }
0xf: {  	vm7 =	vcmask $0x1B20;
	vm8 =	vcmask $0x1F24;
	vm9 =	vcmask $0x2328;
	s7 =	sadd.s32 s7, s6;
	s6 =	smax.u32 s10, $0x1;
	[dreg:$0x5] =	wrdreg s29  }
0x10: {  	vm10 =	vcmask $0x272C;
	vm11 =	vcmask $0x2B30;
	vm12 =	vcmask $0x2F34;
	s9 =	simm.s32 $0x100;
	s10 =	simm.s32 $0x3;
	[dreg:$0x7] =	wrdreg s8  }
0x11: {  	vm13 =	vcmask $0x3338;
	vm14 =	vcmask $0x373C;
	vm15 =	vmmov $0x7fff;
	[dreg:$0x6] =	wrdreg s7;
	s7 =	simm.s32 $0x3000;
	s8 =	simm.s32 $0xC0000  }
.LBB2_1:
0x12: {  	[tilespmem:s9], [sflag:$0x1] =	stream.strided.gather [hbm4b:s4+s7], $0x18000, s8, s7, $0x38;
	[tilespmem:$0x18100] =	vst v63  }
0x13: {  	_ = 	snop  }
0x14: {  	[tilespmem:s2], [sflag:$0x3] =	stream.linear.gather [hbm4b:s3+s2], $0x100, $0x38;
	[tilespmem:$0x18100] =	vst v63  }
0x15: {  	_ =	swait.ge [sflag:s10], $0x100  }
0x16: {  	[sflag:s10] =	ssyncset.done $0x0  }
0x17: {  	s15 =	simm.s32 $0x0;
	[sflag:s10] =	ssyncadd.s32 $0xFFFFFF00  }
0x18: {  	v0 =	vld [tilespmem:s15+$0x0];
	_ =	sdelay $0x4  }
0x19: {  	v1 =	vnsel vm0, $0x0, v0  }
0x1a: {  	v2 =	vsel vm1, $0x0, v0;
	(xrf0) =	vadd.scan.msk.s32 $0xffff, v1  }
0x1b: {  	v1 =	vsel vm2, $0x0, v0;
	(xrf0) =	vadd.scan.msk.s32 $0xffff, v2  }
0x1c: {  	v2 =	vsel vm3, $0x0, v0;
	(xrf0) =	vadd.scan.msk.s32 $0xffff, v1  }
0x1d: {  	v1 =	vsel vm4, $0x0, v0;
	(xrf0) =	vadd.scan.msk.s32 $0xffff, v2  }
0x1e: {  	v2 =	vsel vm5, $0x0, v0;
	(xrf0) =	vadd.scan.msk.s32 $0xffff, v1  }
0x1f: {  	v1 =	vsel vm6, $0x0, v0;
	(xrf0) =	vadd.scan.msk.s32 $0xffff, v2  }
0x20: {  	v2 =	vsel vm7, $0x0, v0;
	v3, _, _ =	vpop (xrf0);
	(xrf0) =	vadd.scan.msk.s32 $0xffff, v1  }
0x21: {  	v1 =	vsel vm8, $0x0, v0;
	v4, _, _ =	vpop (xrf0);
	(xrf0) =	vadd.scan.msk.s32 $0xffff, v2;
	(v2sf) =	vpush v3, $0xF  }
0x22: {  	v2 =	vsel vm9, $0x0, v0;
	v3, _, _ =	vpop (xrf0);
	(xrf0) =	vadd.scan.msk.s32 $0xffff, v1;
	(v2sf) =	vpush v4, $0xF  }
0x23: {  	s14 =	simm.s32 $0x10;
	v1 =	vsel vm10, $0x0, v0;
	v4, _, _ =	vpop (xrf0);
	(xrf0) =	vadd.scan.msk.s32 $0xffff, v2;
	(v2sf) =	vpush v3, $0xF  }
0x24: {  	v2 =	vsel vm13, $0x0, v0;
	v3, _, _ =	vpop (xrf0);
	(xrf0) =	vadd.scan.msk.s32 $0xffff, v1;
	v1 =	vsel vm11, $0x0, v0;
	(v2sf) =	vpush v4, $0xF;
	v4 =	vld [tilespmem:s14+$0x0]  }
0x25: {  	v5, _, _ =	vpop (xrf0);
	(xrf0) =	vadd.scan.msk.s32 $0xffff, v2  }
0x26: {  	v2 =	vsel vm12, $0x0, v0;
	(v2sf) =	vpush v3, $0xF;
	v3, _, _ =	vpop (xrf0);
	(xrf0) =	vadd.scan.msk.s32 $0xffff, v1  }
0x27: {  	(v2sf) =	vpush v5, $0xF;
	v1, _, _ =	vpop (xrf0);
	(xrf0) =	vadd.scan.msk.s32 $0xffff, v2;
	v2 =	vsel vm14, $0x0, v0  }
0x28: {  	(v2sf) =	vpush v3, $0xF;
	v0 =	vsel vm15, $0x0, v0;
	v3, _, _ =	vpop (xrf0);
	(xrf0) =	vadd.scan.msk.s32 $0xffff, v2  }
0x29: {  	(v2sf) =	vpush v1, $0xF;
	v1, _, _ =	vpop (xrf0);
	(xrf0) =	vadd.scan.msk.s32 $0xffff, v0;
	v0 =	vnsel vm0, $0x0, v4;
	_ =	sdelay $0x1  }
0x2a: {  	(v2sf) =	vpush v3, $0xF;
	v2, _, _ =	vpop (xrf0)  }
0x2b: {  	v3 =	vsel vm1, $0x0, v4;
	(xrf0) =	vadd.scan.msk.s32 $0xffff, v0;
	(v2sf) =	vpush v2, $0xF;
	v0, _, _ =	vpop (xrf0)  }
0x2c: {  	v2 =	vsel vm2, $0x0, v4;
	(xrf0) =	vadd.scan.msk.s32 $0xffff, v3;
	(v2sf) =	vpush v1, $0xF;
	v3 =	vsel vm3, $0x0, v4;
	v1, _, _ =	vpop (xrf0)  }
0x2d: {  	(xrf0) =	vadd.scan.msk.s32 $0xffff, v2;
	v2 =	vsel vm4, $0x0, v4;
	(v2sf) =	vpush v1, $0xF;
	v1, _, _ =	vpop (xrf0)  }
0x2e: {  	(xrf0) =	vadd.scan.msk.s32 $0xffff, v3;
	(v2sf) =	vpush v1, $0xF  }
0x2f: {  	v1 =	vsel vm5, $0x0, v4;
	v3, _, _ =	vpop (xrf0);
	(xrf0) =	vadd.scan.msk.s32 $0xffff, v2;
	(v2sf) =	vpush v0, $0xF  }
0x30: {  	v0 =	vsel vm6, $0x0, v4;
	v2, _, _ =	vpop (xrf0);
	(xrf0) =	vadd.scan.msk.s32 $0xffff, v1;
	v1 =	vsel vm7, $0x0, v4;
	(v2sf) =	vpush v3, $0xF  }
0x31: {  	s16 =	spop (v2sf);
	v3, _, _ =	vpop (xrf0);
	(xrf0) =	vadd.scan.msk.s32 $0xffff, v0;
	(v2sf) =	vpush v2, $0xF  }
0x32: {  	s17 =	spop (v2sf);
	v0 =	vsel vm8, $0x0, v4;
	[smem:s15] =	sst s16;
	v2, _, _ =	vpop (xrf0);
	(xrf0) =	vadd.scan.msk.s32 $0xffff, v1;
	(v2sf) =	vpush v3, $0xF  }
0x33: {  	s30 =	spop (v2sf);
	v1, _, _ =	vpop (xrf0);
	(xrf0) =	vadd.scan.msk.s32 $0xffff, v0;
	v0 =	vsel vm9, $0x0, v4;
	(v2sf) =	vpush v2, $0xF;
	[smem:$0x1] =	sst s17  }
0x34: {  	s17 =	spop (v2sf);
	(v2sf) =	vpush v1, $0xF;
	v1, _, _ =	vpop (xrf0);
	(xrf0) =	vadd.scan.msk.s32 $0xffff, v0;
	v0 =	vsel vm10, $0x0, v4;
	[smem:$0x2] =	sst s30  }
0x35: {  	s16 =	simm.s32 $0x20;
	v2 =	vsel vm13, $0x0, v4;
	s18 =	spop (v2sf);
	(v2sf) =	vpush v1, $0xF;
	v1, _, _ =	vpop (xrf0);
	(xrf0) =	vadd.scan.msk.s32 $0xffff, v0;
	[smem:$0x3] =	sst s17  }
0x36: {  	s17 =	spop (v2sf);
	v0 =	vld [tilespmem:s16+$0x0];
	(v2sf) =	vpush v1, $0xF;
	v1, _, _ =	vpop (xrf0);
	(xrf0) =	vadd.scan.msk.s32 $0xffff, v2;
	v2 =	vsel vm11, $0x0, v4;
	[smem:$0x4] =	sst s18  }
0x37: {  	s18 =	spop (v2sf);
	(v2sf) =	vpush v1, $0xF;
	v1, _, _ =	vpop (xrf0);
	(xrf0) =	vadd.scan.msk.s32 $0xffff, v2;
	v2 =	vsel vm12, $0x0, v4;
	[smem:$0x5] =	sst s17  }
0x38: {  	s17 =	spop (v2sf);
	(v2sf) =	vpush v1, $0xF;
	v1, _, _ =	vpop (xrf0);
	(xrf0) =	vadd.scan.msk.s32 $0xffff, v2;
	v2 =	vsel vm14, $0x0, v4;
	[smem:$0x6] =	sst s18  }
0x39: {  	s18 =	spop (v2sf);
	(v2sf) =	vpush v1, $0xF;
	v1, _, _ =	vpop (xrf0);
	(xrf0) =	vadd.scan.msk.s32 $0xffff, v2;
	v2 =	vsel vm15, $0x0, v4;
	[smem:$0x7] =	sst s17  }
0x3a: {  	(v2sf) =	vpush v1, $0xF;
	v1, _, _ =	vpop (xrf0);
	(xrf0) =	vadd.scan.msk.s32 $0xffff, v2;
	[smem:$0x8] =	sst s18  }
0x3b: {  	s31 =	spop (v2sf)  }
0x3c: {  	v2 =	vnsel vm0, $0x0, v0;
	v3, _, _ =	vpop (xrf0);
	s18 =	spop (v2sf)  }
0x3d: {  	(xrf0) =	vadd.scan.msk.s32 $0xffff, v2;
	(v2sf) =	vpush v3, $0xF;
	v5, _, _ =	vpop (xrf0);
	v2 =	vsel vm1, $0x0, v0;
	[smem:$0x9] =	sst s18  }
0x3e: {  	v7 =	vsel vm4, $0x0, v0;
	s18 =	spop (v2sf);
	(xrf0) =	vadd.scan.msk.s32 $0xffff, v2;
	(v2sf) =	vpush v1, $0xF;
	v1, _, _ =	vpop (xrf0);
	v2 =	vsel vm2, $0x0, v0;
	[smem:$0xA] =	sst s31  }
0x3f: {  	v6 =	vsel vm6, $0x0, v0;
	s17 =	spop (v2sf);
	(xrf0) =	vadd.scan.msk.s32 $0xffff, v2;
	(v2sf) =	vpush v1, $0xF;
	v1, _, _ =	vpop (xrf0);
	v2 =	vsel vm3, $0x0, v0;
	[smem:$0xB] =	sst s18  }
0x40: {  	v4 =	vsel vm7, $0x0, v0;
	v8 =	vsel vm5, $0x0, v0;
	s18 =	spop (v2sf);
	(xrf0) =	vadd.scan.msk.s32 $0xffff, v2;
	(v2sf) =	vpush v1, $0xF;
	v9, _, _ =	vpop (xrf0);
	[smem:$0xC] =	sst s17  }
0x41: {  	s20 =	simm.s32 $0xC0;
	v3 =	vsel vm9, $0x0, v0;
	v2 =	vsel vm11, $0x0, v0;
	v1 =	vsel vm12, $0x0, v0;
	s19 =	spop (v2sf)  }
.LBB2_2:
0x42: {  	[smem:s15+$0xD] =	sst s18  }
0x43: {  	v10 =	vsel vm13, $0x0, v0;
	v11 =	vsel vm14, $0x0, v0;
	(xrf0) =	vadd.scan.msk.s32 $0xffff, v7;
	(v2sf) =	vpush v5, $0xF;
	v5, _, _ =	vpop (xrf0);
	s18 =	spop (v2sf);
	s21 =	smov.u32 s20;
	s17 =	sadd.s32 $0x40, s20  }
0x44: {  	p0 =	sne.s32 s20, $0x3C0;
	v7 =	vsel vm15, $0x0, v0;
	(xrf0) =	vadd.scan.msk.s32 $0xffff, v8;
	s20 =	spop (v2sf);
	(v2sf) =	vpush v9, $0xF;
	[smem:s15+$0xE] =	sst s19  }
0x45: {  	v8, _, _ =	vpop (xrf0);
	(xrf0) =	vadd.scan.msk.s32 $0xffff, v6;
	s19 =	spop (v2sf);
	(v2sf) =	vpush v5, $0xF;
	[smem:s15+$0xF] =	sst s18;
	s15 =	smov.u32 s14  }
0x46: {  	v5 =	vsel vm8, $0x0, v0;
	s14 =	smov.u32 s16;
	(v2sf) =	vpush v8, $0xF;
	v6, _, _ =	vpop (xrf0);
	(xrf0) =	vadd.scan.msk.s32 $0xffff, v4;
	[smem:s15] =	sst s20;
	s18 =	spop (v2sf)  }
0x47: {  	(v2sf) =	vpush v6, $0xF;
	v4, _, _ =	vpop (xrf0);
	(xrf0) =	vadd.scan.msk.s32 $0xffff, v5;
	[smem:s15+$0x1] =	sst s19;
	s19 =	spop (v2sf)  }
0x48: {  	v0 =	vsel vm10, $0x0, v0;
	(v2sf) =	vpush v4, $0xF;
	v4, _, _ =	vpop (xrf0);
	(xrf0) =	vadd.scan.msk.s32 $0xffff, v3;
	[smem:s15+$0x2] =	sst s18;
	s18 =	spop (v2sf)  }
0x49: {  	s16 =	sshra.s32 s21, $0x2;
	(v2sf) =	vpush v4, $0xF;
	v3, _, _ =	vpop (xrf0);
	(xrf0) =	vadd.scan.msk.s32 $0xffff, v0;
	[smem:s15+$0x3] =	sst s19;
	s19 =	spop (v2sf)  }
0x4a: {  	v0 =	vld [tilespmem:s16+$0x0];
	(v2sf) =	vpush v3, $0xF;
	v3, _, _ =	vpop (xrf0);
	(xrf0) =	vadd.scan.msk.s32 $0xffff, v10;
	[smem:s15+$0x4] =	sst s18;
	s18 =	spop (v2sf)  }
0x4b: {  	(v2sf) =	vpush v3, $0xF;
	v3, _, _ =	vpop (xrf0);
	(xrf0) =	vadd.scan.msk.s32 $0xffff, v2;
	[smem:s15+$0x5] =	sst s19;
	s19 =	spop (v2sf)  }
0x4c: {  	(v2sf) =	vpush v3, $0xF;
	v2, _, _ =	vpop (xrf0);
	(xrf0) =	vadd.scan.msk.s32 $0xffff, v1;
	[smem:s15+$0x6] =	sst s18;
	s18 =	spop (v2sf)  }
0x4d: {  	(v2sf) =	vpush v2, $0xF;
	v1, _, _ =	vpop (xrf0);
	(xrf0) =	vadd.scan.msk.s32 $0xffff, v11;
	[smem:s15+$0x7] =	sst s19  }
0x4e: {  	(v2sf) =	vpush v1, $0xF;
	v1, _, _ =	vpop (xrf0);
	(xrf0) =	vadd.scan.msk.s32 $0xffff, v7;
	[smem:s15+$0x8] =	sst s18;
	s18 =	spop (v2sf)  }
.Ltmp0:
0x4f: {  	v2 =	vnsel vm0, $0x0, v0;
	v3 =	vsel vm1, $0x0, v0;
	v9 =	vsel vm2, $0x0, v0;
	v4, _, _ =	vpop (xrf0);
	s19 =	spop (v2sf);
	(pc) =	sbr.rel @p0 .LBB2_2-.Ltmp0, $4  }
0x50: {  	v10 =	vsel vm3, $0x0, v0;
	v7 =	vsel vm4, $0x0, v0;
	(xrf0) =	vadd.scan.msk.s32 $0xffff, v2;
	(v2sf) =	vpush v4, $0xF;
	v5, _, _ =	vpop (xrf0);
	[smem:s15+$0x9] =	sst s19;
	s19 =	spop (v2sf)  }
0x51: {  	v6 =	vsel vm6, $0x0, v0;
	v4 =	vsel vm7, $0x0, v0;
	(xrf0) =	vadd.scan.msk.s32 $0xffff, v3;
	(v2sf) =	vpush v1, $0xF;
	v1, _, _ =	vpop (xrf0);
	[smem:s15+$0xA] =	sst s18;
	s20 =	spop (v2sf)  }
0x52: {  	v8 =	vsel vm5, $0x0, v0;
	v3 =	vsel vm9, $0x0, v0;
	(xrf0) =	vadd.scan.msk.s32 $0xffff, v9;
	(v2sf) =	vpush v1, $0xF;
	v9, _, _ =	vpop (xrf0);
	[smem:s15+$0xB] =	sst s19;
	s18 =	spop (v2sf)  }
0x53: {  	v2 =	vsel vm11, $0x0, v0;
	v1 =	vsel vm12, $0x0, v0;
	(xrf0) =	vadd.scan.msk.s32 $0xffff, v10;
	(v2sf) =	vpush v9, $0xF;
	v9, _, _ =	vpop (xrf0);
	[smem:s15+$0xC] =	sst s20;
	s19 =	spop (v2sf);
	s20 =	smov.u32 s17  }
0x54: {  	(xrf0) =	vadd.scan.msk.s32 $0xffff, v7  }
0x55: {  	(v2sf) =	vpush v5, $0xF;
	v42, _, _ =	vpop (xrf0);
	(xrf0) =	vadd.scan.msk.s32 $0xffff, v8  }
0x56: {  	[smem:s15+$0xD] =	sst s18;
	s17 =	spop (v2sf);
	(v2sf) =	vpush v9, $0xF;
	v43, _, _ =	vpop (xrf0);
	(xrf0) =	vadd.scan.msk.s32 $0xffff, v6  }
0x57: {  	v44 =	vsel vm8, $0x0, v0;
	s26 =	spop (v2sf);
	[smem:s15+$0xE] =	sst s19;
	(v2sf) =	vpush v42, $0xF;
	v45, _, _ =	vpop (xrf0);
	(xrf0) =	vadd.scan.msk.s32 $0xffff, v4  }
0x58: {  	s28 =	spop (v2sf);
	[smem:s15+$0xF] =	sst s17;
	(v2sf) =	vpush v43, $0xF;
	v46, _, _ =	vpop (xrf0);
	(xrf0) =	vadd.scan.msk.s32 $0xffff, v44  }
0x59: {  	v47 =	vsel vm10, $0x0, v0;
	[smem:s14] =	sst s26;
	s29 =	spop (v2sf);
	(v2sf) =	vpush v45, $0xF;
	v48, _, _ =	vpop (xrf0);
	(xrf0) =	vadd.scan.msk.s32 $0xffff, v3  }
0x5a: {  	[smem:s14+$0x1] =	sst s28;
	s30 =	spop (v2sf);
	(v2sf) =	vpush v46, $0xF;
	v49, _, _ =	vpop (xrf0);
	(xrf0) =	vadd.scan.msk.s32 $0xffff, v47  }
0x5b: {  	v50 =	vsel vm13, $0x0, v0;
	[smem:s14+$0x2] =	sst s29;
	s31 =	spop (v2sf);
	(v2sf) =	vpush v48, $0xF;
	v51, _, _ =	vpop (xrf0)  }
0x5c: {  	[smem:s14+$0x3] =	sst s30;
	s18 =	spop (v2sf);
	(v2sf) =	vpush v49, $0xF;
	(xrf0) =	vadd.scan.msk.s32 $0xffff, v50;
	v52, _, _ =	vpop (xrf0)  }
0x5d: {  	[smem:s14+$0x4] =	sst s31;
	s19 =	spop (v2sf);
	(v2sf) =	vpush v51, $0xF;
	(xrf0) =	vadd.scan.msk.s32 $0xffff, v2;
	v53, _, _ =	vpop (xrf0)  }
0x5e: {  	[smem:s14+$0x5] =	sst s18;
	s20 =	spop (v2sf);
	(v2sf) =	vpush v52, $0xF;
	(xrf0) =	vadd.scan.msk.s32 $0xffff, v1;
	v54, _, _ =	vpop (xrf0)  }
0x5f: {  	v55 =	vsel vm14, $0x0, v0;
	[smem:s14+$0x6] =	sst s19;
	s21 =	spop (v2sf);
	(v2sf) =	vpush v53, $0xF;
	v56, _, _ =	vpop (xrf0)  }
0x60: {  	v57 =	vsel vm15, $0x0, v0;
	(xrf0) =	vadd.scan.msk.s32 $0xffff, v55;
	[smem:s14+$0x7] =	sst s20;
	(v2sf) =	vpush v54, $0xF;
	s22 =	spop (v2sf);
	v58, _, _ =	vpop (xrf0)  }
0x61: {  	(xrf0) =	vadd.scan.msk.s32 $0xffff, v57;
	[smem:s14+$0x8] =	sst s21;
	s23 =	spop (v2sf);
	(v2sf) =	vpush v58, $0xF  }
0x62: {  	v59, _, _ =	vpop (xrf0);
	[smem:s14+$0x9] =	sst s23;
	s24 =	spop (v2sf);
	(v2sf) =	vpush v56, $0xF  }
0x63: {  	v60, _, _ =	vpop (xrf0);
	[smem:s14+$0xA] =	sst s22;
	s25 =	spop (v2sf)  }
0x64: {  	(v2sf) =	vpush v60, $0xF;
	v61, _, _ =	vpop (xrf0);
	[smem:s14+$0xB] =	sst s24;
	s26 =	spop (v2sf)  }
0x65: {  	(v2sf) =	vpush v61, $0xF;
	[smem:s14+$0xC] =	sst s25;
	s28 =	spop (v2sf)  }
0x66: {  	v62, _, _ =	vpop (xrf0);
	(v2sf) =	vpush v59, $0xF;
	[smem:s14+$0xD] =	sst s26;
	s29 =	spop (v2sf)  }
0x67: {  	v63, _, _ =	vpop (xrf0);
	s30 =	spop (v2sf);
	(v2sf) =	vpush v62, $0xF;
	[smem:s14+$0xE] =	sst s28  }
0x68: {  	s31 =	spop (v2sf);
	(v2sf) =	vpush v63, $0xF;
	[smem:s14+$0xF] =	sst s29  }
0x69: {  	[smem:s16] =	sst s30;
	s15 =	spop (v2sf)  }
0x6a: {  	[smem:s16+$0x1] =	sst s31;
	s18 =	spop (v2sf)  }
0x6b: {  	[smem:s16+$0x2] =	sst s15;
	s19 =	spop (v2sf)  }
0x6c: {  	[smem:s16+$0x3] =	sst s18;
	s20 =	spop (v2sf)  }
0x6d: {  	[smem:s16+$0x4] =	sst s19;
	s21 =	spop (v2sf)  }
0x6e: {  	[smem:s16+$0x5] =	sst s20;
	s22 =	spop (v2sf)  }
0x6f: {  	[smem:s16+$0x6] =	sst s21;
	s23 =	spop (v2sf)  }
0x70: {  	[smem:s16+$0x7] =	sst s22;
	s24 =	spop (v2sf)  }
0x71: {  	[smem:s16+$0x8] =	sst s23;
	s25 =	spop (v2sf)  }
0x72: {  	[smem:s16+$0x9] =	sst s25  }
0x73: {  	s26 =	spop (v2sf);
	[smem:s16+$0xA] =	sst s24  }
0x74: {  	s28 =	spop (v2sf);
	[smem:s16+$0xB] =	sst s26  }
0x75: {  	s29 =	spop (v2sf);
	[smem:s16+$0xC] =	sst s28  }
0x76: {  	s30 =	spop (v2sf);
	[smem:s16+$0xD] =	sst s29  }
0x77: {  	s31 =	spop (v2sf);
	[smem:s16+$0xE] =	sst s30  }
0x78: {  	[smem:s16+$0xF] =	sst s31  }
0x79: {  	_ =	swait.ge [sflag:s11], $0x18000  }
0x7a: {  	[sflag:s11] =	ssyncset.done $0x0  }
0x7b: {  	s14 =	simm.s32 $0x0;
	s15 =	simm.s32 $0x8;
	[sflag:s11] =	ssyncadd.s32 $0xFFFE8000  }
.LBB2_4:
0x7c: {  	s16 =	sld [smem:s15+$0xFFFFFFF8];
	_ =	sdelay $0x2  }
0x7d: {  	s17 =	sshrl.u32 s16, $0x3  }
0x7e: {  	s17 =	smul.u32 $0xC000, s17  }
0x7f: {  	s16 =	sshll.u32 s16, $0x7  }
0x80: {  	s16 =	sand.u32 $0x380, s16;
	s17 =	sshra.s32 s17, $0x2  }
0x81: {  	s18 =	rddreg [dreg:$0x4];
	s17 =	sor.u32 s16, s17  }
0x82: {  	s16 =	sadd.s32 s14, s18;
	s19 =	sadd.s32 $0x100, s17  }
0x83: {  	[hbm4b:s16+s2] =	stream.linear.scatter [tilespmem:s19], [sflag:$0x2], $0x80, $0x38;
	[tilespmem:$0x18100] =	vst v63  }
0x84: {  	s21 =	sadd.s32 $0x500, s17;
	s22 =	sadd.s32 $0x80, s16  }
0x85: {  	[hbm4b:s22+s2] =	stream.linear.scatter [tilespmem:s21], [sflag:$0x2], $0x80, $0x38;
	[tilespmem:$0x18100] =	vst v63  }
0x86: {  	s23 =	sadd.s32 $0x900, s17;
	s24 =	sadd.s32 $0x100, s16  }
0x87: {  	[hbm4b:s24+s2] =	stream.linear.scatter [tilespmem:s23], [sflag:$0x2], $0x80, $0x38;
	[tilespmem:$0x18100] =	vst v63  }
0x88: {  	s25 =	sadd.s32 $0xD00, s17;
	s26 =	sadd.s32 $0x180, s16  }
0x89: {  	[hbm4b:s26+s2] =	stream.linear.scatter [tilespmem:s25], [sflag:$0x2], $0x80, $0x38;
	[tilespmem:$0x18100] =	vst v63  }
0x8a: {  	s28 =	sadd.s32 $0x1100, s17;
	s29 =	sadd.s32 $0x200, s16  }
0x8b: {  	[hbm4b:s29+s2] =	stream.linear.scatter [tilespmem:s28], [sflag:$0x2], $0x80, $0x38;
	[tilespmem:$0x18100] =	vst v63  }
0x8c: {  	s30 =	sadd.s32 $0x1500, s17;
	s31 =	sadd.s32 $0x280, s16  }
0x8d: {  	[hbm4b:s31+s2] =	stream.linear.scatter [tilespmem:s30], [sflag:$0x2], $0x80, $0x38;
	[tilespmem:$0x18100] =	vst v63  }
0x8e: {  	s20 =	sadd.s32 $0x300, s16;
	s19 =	sadd.s32 $0x1900, s17  }
0x8f: {  	[hbm4b:s20+s2] =	stream.linear.scatter [tilespmem:s19], [sflag:$0x2], $0x80, $0x38;
	[tilespmem:$0x18100] =	vst v63  }
0x90: {  	s21 =	sadd.s32 $0x1D00, s17;
	s22 =	sadd.s32 $0x380, s16  }
0x91: {  	[hbm4b:s22+s2] =	stream.linear.scatter [tilespmem:s21], [sflag:$0x2], $0x80, $0x38;
	[tilespmem:$0x18100] =	vst v63  }
0x92: {  	s23 =	sadd.s32 $0x2100, s17;
	s24 =	sadd.s32 $0x400, s16  }
0x93: {  	[hbm4b:s24+s2] =	stream.linear.scatter [tilespmem:s23], [sflag:$0x2], $0x80, $0x38;
	[tilespmem:$0x18100] =	vst v63  }
0x94: {  	s25 =	sadd.s32 $0x2500, s17;
	s26 =	sadd.s32 $0x480, s16;
	s30 =	sld [smem:s15+$0xFFFFFFF9]  }
0x95: {  	[hbm4b:s26+s2] =	stream.linear.scatter [tilespmem:s25], [sflag:$0x2], $0x80, $0x38;
	[tilespmem:$0x18100] =	vst v63  }
0x96: {  	s28 =	sadd.s32 $0x2900, s17;
	s29 =	sadd.s32 $0x500, s16  }
0x97: {  	[hbm4b:s29+s2] =	stream.linear.scatter [tilespmem:s28], [sflag:$0x2], $0x80, $0x38;
	[tilespmem:$0x18100] =	vst v63  }
0x98: {  	s17 =	sadd.s32 $0x2D00, s17;
	s31 =	sadd.s32 $0x580, s16;
	s19 =	sshrl.u32 s30, $0x3  }
0x99: {  	[hbm4b:s31+s2] =	stream.linear.scatter [tilespmem:s17], [sflag:$0x2], $0x80, $0x38;
	[tilespmem:$0x18100] =	vst v63  }
0x9a: {  	s17 =	smul.u32 $0xC000, s19  }
0x9b: {  	s18 =	sshll.u32 s30, $0x7  }
0x9c: {  	s18 =	sand.u32 $0x380, s18;
	s17 =	sshra.s32 s17, $0x2  }
0x9d: {  	s17 =	sor.u32 s18, s17  }
0x9e: {  	s20 =	sadd.s32 $0x10, s16;
	s18 =	sadd.s32 $0x100, s17  }
0x9f: {  	[hbm4b:s20+s2] =	stream.linear.scatter [tilespmem:s18], [sflag:$0x2], $0x80, $0x38;
	[tilespmem:$0x18100] =	vst v63  }
0xa0: {  	s22 =	sadd.s32 $0x90, s16;
	s21 =	sadd.s32 $0x500, s17  }
0xa1: {  	[hbm4b:s22+s2] =	stream.linear.scatter [tilespmem:s21], [sflag:$0x2], $0x80, $0x38;
	[tilespmem:$0x18100] =	vst v63  }
0xa2: {  	s24 =	sadd.s32 $0x110, s16;
	s23 =	sadd.s32 $0x900, s17  }
0xa3: {  	[hbm4b:s24+s2] =	stream.linear.scatter [tilespmem:s23], [sflag:$0x2], $0x80, $0x38;
	[tilespmem:$0x18100] =	vst v63  }
0xa4: {  	s26 =	sadd.s32 $0x190, s16;
	s25 =	sadd.s32 $0xD00, s17  }
0xa5: {  	[hbm4b:s26+s2] =	stream.linear.scatter [tilespmem:s25], [sflag:$0x2], $0x80, $0x38;
	[tilespmem:$0x18100] =	vst v63  }
0xa6: {  	s29 =	sadd.s32 $0x210, s16;
	s28 =	sadd.s32 $0x1100, s17  }
0xa7: {  	[hbm4b:s29+s2] =	stream.linear.scatter [tilespmem:s28], [sflag:$0x2], $0x80, $0x38;
	[tilespmem:$0x18100] =	vst v63  }
0xa8: {  	s31 =	sadd.s32 $0x290, s16;
	s30 =	sadd.s32 $0x1500, s17  }
0xa9: {  	[hbm4b:s31+s2] =	stream.linear.scatter [tilespmem:s30], [sflag:$0x2], $0x80, $0x38;
	[tilespmem:$0x18100] =	vst v63  }
0xaa: {  	s19 =	sadd.s32 $0x1900, s17;
	s20 =	sadd.s32 $0x310, s16  }
0xab: {  	[hbm4b:s20+s2] =	stream.linear.scatter [tilespmem:s19], [sflag:$0x2], $0x80, $0x38;
	[tilespmem:$0x18100] =	vst v63  }
0xac: {  	s21 =	sadd.s32 $0x1D00, s17;
	s22 =	sadd.s32 $0x390, s16  }
0xad: {  	[hbm4b:s22+s2] =	stream.linear.scatter [tilespmem:s21], [sflag:$0x2], $0x80, $0x38;
	[tilespmem:$0x18100] =	vst v63  }
0xae: {  	s23 =	sadd.s32 $0x2100, s17;
	s24 =	sadd.s32 $0x410, s16  }
0xaf: {  	[hbm4b:s24+s2] =	stream.linear.scatter [tilespmem:s23], [sflag:$0x2], $0x80, $0x38;
	[tilespmem:$0x18100] =	vst v63  }
0xb0: {  	s25 =	sadd.s32 $0x2500, s17;
	s26 =	sadd.s32 $0x490, s16;
	s30 =	sld [smem:s15+$0xFFFFFFFA]  }
0xb1: {  	[hbm4b:s26+s2] =	stream.linear.scatter [tilespmem:s25], [sflag:$0x2], $0x80, $0x38;
	[tilespmem:$0x18100] =	vst v63  }
0xb2: {  	s28 =	sadd.s32 $0x2900, s17;
	s29 =	sadd.s32 $0x510, s16  }
0xb3: {  	[hbm4b:s29+s2] =	stream.linear.scatter [tilespmem:s28], [sflag:$0x2], $0x80, $0x38;
	[tilespmem:$0x18100] =	vst v63  }
0xb4: {  	s17 =	sadd.s32 $0x2D00, s17;
	s31 =	sadd.s32 $0x590, s16;
	s19 =	sshrl.u32 s30, $0x3  }
0xb5: {  	[hbm4b:s31+s2] =	stream.linear.scatter [tilespmem:s17], [sflag:$0x2], $0x80, $0x38;
	[tilespmem:$0x18100] =	vst v63  }
0xb6: {  	s17 =	smul.u32 $0xC000, s19  }
0xb7: {  	s18 =	sshll.u32 s30, $0x7  }
0xb8: {  	s18 =	sand.u32 $0x380, s18;
	s17 =	sshra.s32 s17, $0x2  }
0xb9: {  	s17 =	sor.u32 s18, s17  }
0xba: {  	s20 =	sadd.s32 $0x20, s16;
	s18 =	sadd.s32 $0x100, s17  }
0xbb: {  	[hbm4b:s20+s2] =	stream.linear.scatter [tilespmem:s18], [sflag:$0x2], $0x80, $0x38;
	[tilespmem:$0x18100] =	vst v63  }
0xbc: {  	s22 =	sadd.s32 $0xA0, s16;
	s21 =	sadd.s32 $0x500, s17  }
0xbd: {  	[hbm4b:s22+s2] =	stream.linear.scatter [tilespmem:s21], [sflag:$0x2], $0x80, $0x38;
	[tilespmem:$0x18100] =	vst v63  }
0xbe: {  	s24 =	sadd.s32 $0x120, s16;
	s23 =	sadd.s32 $0x900, s17  }
0xbf: {  	[hbm4b:s24+s2] =	stream.linear.scatter [tilespmem:s23], [sflag:$0x2], $0x80, $0x38;
	[tilespmem:$0x18100] =	vst v63  }
0xc0: {  	s26 =	sadd.s32 $0x1A0, s16;
	s25 =	sadd.s32 $0xD00, s17  }
0xc1: {  	[hbm4b:s26+s2] =	stream.linear.scatter [tilespmem:s25], [sflag:$0x2], $0x80, $0x38;
	[tilespmem:$0x18100] =	vst v63  }
0xc2: {  	s29 =	sadd.s32 $0x220, s16;
	s28 =	sadd.s32 $0x1100, s17  }
0xc3: {  	[hbm4b:s29+s2] =	stream.linear.scatter [tilespmem:s28], [sflag:$0x2], $0x80, $0x38;
	[tilespmem:$0x18100] =	vst v63  }
0xc4: {  	s31 =	sadd.s32 $0x2A0, s16;
	s30 =	sadd.s32 $0x1500, s17  }
0xc5: {  	[hbm4b:s31+s2] =	stream.linear.scatter [tilespmem:s30], [sflag:$0x2], $0x80, $0x38;
	[tilespmem:$0x18100] =	vst v63  }
0xc6: {  	s19 =	sadd.s32 $0x1900, s17;
	s20 =	sadd.s32 $0x320, s16  }
0xc7: {  	[hbm4b:s20+s2] =	stream.linear.scatter [tilespmem:s19], [sflag:$0x2], $0x80, $0x38;
	[tilespmem:$0x18100] =	vst v63  }
0xc8: {  	s21 =	sadd.s32 $0x1D00, s17;
	s22 =	sadd.s32 $0x3A0, s16  }
0xc9: {  	[hbm4b:s22+s2] =	stream.linear.scatter [tilespmem:s21], [sflag:$0x2], $0x80, $0x38;
	[tilespmem:$0x18100] =	vst v63  }
0xca: {  	s23 =	sadd.s32 $0x2100, s17;
	s24 =	sadd.s32 $0x420, s16  }
0xcb: {  	[hbm4b:s24+s2] =	stream.linear.scatter [tilespmem:s23], [sflag:$0x2], $0x80, $0x38;
	[tilespmem:$0x18100] =	vst v63  }
0xcc: {  	s25 =	sadd.s32 $0x2500, s17;
	s26 =	sadd.s32 $0x4A0, s16;
	s30 =	sld [smem:s15+$0xFFFFFFFB]  }
0xcd: {  	[hbm4b:s26+s2] =	stream.linear.scatter [tilespmem:s25], [sflag:$0x2], $0x80, $0x38;
	[tilespmem:$0x18100] =	vst v63  }
0xce: {  	s28 =	sadd.s32 $0x2900, s17;
	s29 =	sadd.s32 $0x520, s16  }
0xcf: {  	[hbm4b:s29+s2] =	stream.linear.scatter [tilespmem:s28], [sflag:$0x2], $0x80, $0x38;
	[tilespmem:$0x18100] =	vst v63  }
0xd0: {  	s17 =	sadd.s32 $0x2D00, s17;
	s31 =	sadd.s32 $0x5A0, s16;
	s19 =	sshrl.u32 s30, $0x3  }
0xd1: {  	[hbm4b:s31+s2] =	stream.linear.scatter [tilespmem:s17], [sflag:$0x2], $0x80, $0x38;
	[tilespmem:$0x18100] =	vst v63  }
0xd2: {  	s17 =	smul.u32 $0xC000, s19  }
0xd3: {  	s18 =	sshll.u32 s30, $0x7  }
0xd4: {  	s18 =	sand.u32 $0x380, s18;
	s17 =	sshra.s32 s17, $0x2  }
0xd5: {  	s17 =	sor.u32 s18, s17  }
0xd6: {  	s20 =	sadd.s32 $0x30, s16;
	s18 =	sadd.s32 $0x100, s17  }
0xd7: {  	[hbm4b:s20+s2] =	stream.linear.scatter [tilespmem:s18], [sflag:$0x2], $0x80, $0x38;
	[tilespmem:$0x18100] =	vst v63  }
0xd8: {  	s22 =	sadd.s32 $0xB0, s16;
	s21 =	sadd.s32 $0x500, s17  }
0xd9: {  	[hbm4b:s22+s2] =	stream.linear.scatter [tilespmem:s21], [sflag:$0x2], $0x80, $0x38;
	[tilespmem:$0x18100] =	vst v63  }
0xda: {  	s24 =	sadd.s32 $0x130, s16;
	s23 =	sadd.s32 $0x900, s17  }
0xdb: {  	[hbm4b:s24+s2] =	stream.linear.scatter [tilespmem:s23], [sflag:$0x2], $0x80, $0x38;
	[tilespmem:$0x18100] =	vst v63  }
0xdc: {  	s26 =	sadd.s32 $0x1B0, s16;
	s25 =	sadd.s32 $0xD00, s17  }
0xdd: {  	[hbm4b:s26+s2] =	stream.linear.scatter [tilespmem:s25], [sflag:$0x2], $0x80, $0x38;
	[tilespmem:$0x18100] =	vst v63  }
0xde: {  	s29 =	sadd.s32 $0x230, s16;
	s28 =	sadd.s32 $0x1100, s17  }
0xdf: {  	[hbm4b:s29+s2] =	stream.linear.scatter [tilespmem:s28], [sflag:$0x2], $0x80, $0x38;
	[tilespmem:$0x18100] =	vst v63  }
0xe0: {  	s31 =	sadd.s32 $0x2B0, s16;
	s30 =	sadd.s32 $0x1500, s17  }
0xe1: {  	[hbm4b:s31+s2] =	stream.linear.scatter [tilespmem:s30], [sflag:$0x2], $0x80, $0x38;
	[tilespmem:$0x18100] =	vst v63  }
0xe2: {  	s19 =	sadd.s32 $0x1900, s17;
	s20 =	sadd.s32 $0x330, s16  }
0xe3: {  	[hbm4b:s20+s2] =	stream.linear.scatter [tilespmem:s19], [sflag:$0x2], $0x80, $0x38;
	[tilespmem:$0x18100] =	vst v63  }
0xe4: {  	s21 =	sadd.s32 $0x1D00, s17;
	s22 =	sadd.s32 $0x3B0, s16  }
0xe5: {  	[hbm4b:s22+s2] =	stream.linear.scatter [tilespmem:s21], [sflag:$0x2], $0x80, $0x38;
	[tilespmem:$0x18100] =	vst v63  }
0xe6: {  	s23 =	sadd.s32 $0x2100, s17;
	s24 =	sadd.s32 $0x430, s16  }
0xe7: {  	[hbm4b:s24+s2] =	stream.linear.scatter [tilespmem:s23], [sflag:$0x2], $0x80, $0x38;
	[tilespmem:$0x18100] =	vst v63  }
0xe8: {  	s25 =	sadd.s32 $0x2500, s17;
	s26 =	sadd.s32 $0x4B0, s16;
	s30 =	sld [smem:s15+$0xFFFFFFFC]  }
0xe9: {  	[hbm4b:s26+s2] =	stream.linear.scatter [tilespmem:s25], [sflag:$0x2], $0x80, $0x38;
	[tilespmem:$0x18100] =	vst v63  }
0xea: {  	s28 =	sadd.s32 $0x2900, s17;
	s29 =	sadd.s32 $0x530, s16  }
0xeb: {  	[hbm4b:s29+s2] =	stream.linear.scatter [tilespmem:s28], [sflag:$0x2], $0x80, $0x38;
	[tilespmem:$0x18100] =	vst v63  }
0xec: {  	s17 =	sadd.s32 $0x2D00, s17;
	s31 =	sadd.s32 $0x5B0, s16;
	s19 =	sshrl.u32 s30, $0x3  }
0xed: {  	[hbm4b:s31+s2] =	stream.linear.scatter [tilespmem:s17], [sflag:$0x2], $0x80, $0x38;
	[tilespmem:$0x18100] =	vst v63  }
0xee: {  	s17 =	smul.u32 $0xC000, s19  }
0xef: {  	s18 =	sshll.u32 s30, $0x7  }
0xf0: {  	s18 =	sand.u32 $0x380, s18;
	s17 =	sshra.s32 s17, $0x2  }
0xf1: {  	s17 =	sor.u32 s18, s17  }
0xf2: {  	s20 =	sadd.s32 $0x40, s16;
	s18 =	sadd.s32 $0x100, s17  }
0xf3: {  	[hbm4b:s20+s2] =	stream.linear.scatter [tilespmem:s18], [sflag:$0x2], $0x80, $0x38;
	[tilespmem:$0x18100] =	vst v63  }
0xf4: {  	s22 =	sadd.s32 $0xC0, s16;
	s21 =	sadd.s32 $0x500, s17  }
0xf5: {  	[hbm4b:s22+s2] =	stream.linear.scatter [tilespmem:s21], [sflag:$0x2], $0x80, $0x38;
	[tilespmem:$0x18100] =	vst v63  }
0xf6: {  	s24 =	sadd.s32 $0x140, s16;
	s23 =	sadd.s32 $0x900, s17  }
0xf7: {  	[hbm4b:s24+s2] =	stream.linear.scatter [tilespmem:s23], [sflag:$0x2], $0x80, $0x38;
	[tilespmem:$0x18100] =	vst v63  }
0xf8: {  	s26 =	sadd.s32 $0x1C0, s16;
	s25 =	sadd.s32 $0xD00, s17  }
0xf9: {  	[hbm4b:s26+s2] =	stream.linear.scatter [tilespmem:s25], [sflag:$0x2], $0x80, $0x38;
	[tilespmem:$0x18100] =	vst v63  }
0xfa: {  	s29 =	sadd.s32 $0x240, s16;
	s28 =	sadd.s32 $0x1100, s17  }
0xfb: {  	[hbm4b:s29+s2] =	stream.linear.scatter [tilespmem:s28], [sflag:$0x2], $0x80, $0x38;
	[tilespmem:$0x18100] =	vst v63  }
0xfc: {  	s31 =	sadd.s32 $0x2C0, s16;
	s30 =	sadd.s32 $0x1500, s17  }
0xfd: {  	[hbm4b:s31+s2] =	stream.linear.scatter [tilespmem:s30], [sflag:$0x2], $0x80, $0x38;
	[tilespmem:$0x18100] =	vst v63  }
0xfe: {  	s19 =	sadd.s32 $0x1900, s17;
	s20 =	sadd.s32 $0x340, s16  }
0xff: {  	[hbm4b:s20+s2] =	stream.linear.scatter [tilespmem:s19], [sflag:$0x2], $0x80, $0x38;
	[tilespmem:$0x18100] =	vst v63  }
0x100: {  	s21 =	sadd.s32 $0x1D00, s17;
	s22 =	sadd.s32 $0x3C0, s16  }
0x101: {  	[hbm4b:s22+s2] =	stream.linear.scatter [tilespmem:s21], [sflag:$0x2], $0x80, $0x38;
	[tilespmem:$0x18100] =	vst v63  }
0x102: {  	s23 =	sadd.s32 $0x2100, s17;
	s24 =	sadd.s32 $0x440, s16  }
0x103: {  	[hbm4b:s24+s2] =	stream.linear.scatter [tilespmem:s23], [sflag:$0x2], $0x80, $0x38;
	[tilespmem:$0x18100] =	vst v63  }
0x104: {  	s25 =	sadd.s32 $0x2500, s17;
	s26 =	sadd.s32 $0x4C0, s16;
	s30 =	sld [smem:s15+$0xFFFFFFFD]  }
0x105: {  	[hbm4b:s26+s2] =	stream.linear.scatter [tilespmem:s25], [sflag:$0x2], $0x80, $0x38;
	[tilespmem:$0x18100] =	vst v63  }
0x106: {  	s28 =	sadd.s32 $0x2900, s17;
	s29 =	sadd.s32 $0x540, s16  }
0x107: {  	[hbm4b:s29+s2] =	stream.linear.scatter [tilespmem:s28], [sflag:$0x2], $0x80, $0x38;
	[tilespmem:$0x18100] =	vst v63  }
0x108: {  	s17 =	sadd.s32 $0x2D00, s17;
	s31 =	sadd.s32 $0x5C0, s16;
	s19 =	sshrl.u32 s30, $0x3  }
0x109: {  	[hbm4b:s31+s2] =	stream.linear.scatter [tilespmem:s17], [sflag:$0x2], $0x80, $0x38;
	[tilespmem:$0x18100] =	vst v63  }
0x10a: {  	s17 =	smul.u32 $0xC000, s19  }
0x10b: {  	s18 =	sshll.u32 s30, $0x7  }
0x10c: {  	s18 =	sand.u32 $0x380, s18;
	s17 =	sshra.s32 s17, $0x2  }
0x10d: {  	s17 =	sor.u32 s18, s17  }
0x10e: {  	s20 =	sadd.s32 $0x50, s16;
	s18 =	sadd.s32 $0x100, s17  }
0x10f: {  	[hbm4b:s20+s2] =	stream.linear.scatter [tilespmem:s18], [sflag:$0x2], $0x80, $0x38;
	[tilespmem:$0x18100] =	vst v63  }
0x110: {  	s22 =	sadd.s32 $0xD0, s16;
	s21 =	sadd.s32 $0x500, s17  }
0x111: {  	[hbm4b:s22+s2] =	stream.linear.scatter [tilespmem:s21], [sflag:$0x2], $0x80, $0x38;
	[tilespmem:$0x18100] =	vst v63  }
0x112: {  	s24 =	sadd.s32 $0x150, s16;
	s23 =	sadd.s32 $0x900, s17  }
0x113: {  	[hbm4b:s24+s2] =	stream.linear.scatter [tilespmem:s23], [sflag:$0x2], $0x80, $0x38;
	[tilespmem:$0x18100] =	vst v63  }
0x114: {  	s26 =	sadd.s32 $0x1D0, s16;
	s25 =	sadd.s32 $0xD00, s17  }
0x115: {  	[hbm4b:s26+s2] =	stream.linear.scatter [tilespmem:s25], [sflag:$0x2], $0x80, $0x38;
	[tilespmem:$0x18100] =	vst v63  }
0x116: {  	s29 =	sadd.s32 $0x250, s16;
	s28 =	sadd.s32 $0x1100, s17  }
0x117: {  	[hbm4b:s29+s2] =	stream.linear.scatter [tilespmem:s28], [sflag:$0x2], $0x80, $0x38;
	[tilespmem:$0x18100] =	vst v63  }
0x118: {  	s31 =	sadd.s32 $0x2D0, s16;
	s30 =	sadd.s32 $0x1500, s17  }
0x119: {  	[hbm4b:s31+s2] =	stream.linear.scatter [tilespmem:s30], [sflag:$0x2], $0x80, $0x38;
	[tilespmem:$0x18100] =	vst v63  }
0x11a: {  	s19 =	sadd.s32 $0x1900, s17;
	s20 =	sadd.s32 $0x350, s16  }
0x11b: {  	[hbm4b:s20+s2] =	stream.linear.scatter [tilespmem:s19], [sflag:$0x2], $0x80, $0x38;
	[tilespmem:$0x18100] =	vst v63  }
0x11c: {  	s21 =	sadd.s32 $0x1D00, s17;
	s22 =	sadd.s32 $0x3D0, s16  }
0x11d: {  	[hbm4b:s22+s2] =	stream.linear.scatter [tilespmem:s21], [sflag:$0x2], $0x80, $0x38;
	[tilespmem:$0x18100] =	vst v63  }
0x11e: {  	s23 =	sadd.s32 $0x2100, s17;
	s24 =	sadd.s32 $0x450, s16  }
0x11f: {  	[hbm4b:s24+s2] =	stream.linear.scatter [tilespmem:s23], [sflag:$0x2], $0x80, $0x38;
	[tilespmem:$0x18100] =	vst v63  }
0x120: {  	s25 =	sadd.s32 $0x2500, s17;
	s26 =	sadd.s32 $0x4D0, s16;
	s30 =	sld [smem:s15+$0xFFFFFFFE]  }
0x121: {  	[hbm4b:s26+s2] =	stream.linear.scatter [tilespmem:s25], [sflag:$0x2], $0x80, $0x38;
	[tilespmem:$0x18100] =	vst v63  }
0x122: {  	s28 =	sadd.s32 $0x2900, s17;
	s29 =	sadd.s32 $0x550, s16  }
0x123: {  	[hbm4b:s29+s2] =	stream.linear.scatter [tilespmem:s28], [sflag:$0x2], $0x80, $0x38;
	[tilespmem:$0x18100] =	vst v63  }
0x124: {  	s17 =	sadd.s32 $0x2D00, s17;
	s31 =	sadd.s32 $0x5D0, s16;
	s19 =	sshrl.u32 s30, $0x3  }
0x125: {  	[hbm4b:s31+s2] =	stream.linear.scatter [tilespmem:s17], [sflag:$0x2], $0x80, $0x38;
	[tilespmem:$0x18100] =	vst v63  }
0x126: {  	s17 =	smul.u32 $0xC000, s19  }
0x127: {  	s18 =	sshll.u32 s30, $0x7  }
0x128: {  	s18 =	sand.u32 $0x380, s18;
	s17 =	sshra.s32 s17, $0x2  }
0x129: {  	s17 =	sor.u32 s18, s17  }
0x12a: {  	s20 =	sadd.s32 $0x60, s16;
	s18 =	sadd.s32 $0x100, s17  }
0x12b: {  	[hbm4b:s20+s2] =	stream.linear.scatter [tilespmem:s18], [sflag:$0x2], $0x80, $0x38;
	[tilespmem:$0x18100] =	vst v63  }
0x12c: {  	s22 =	sadd.s32 $0xE0, s16;
	s21 =	sadd.s32 $0x500, s17  }
0x12d: {  	[hbm4b:s22+s2] =	stream.linear.scatter [tilespmem:s21], [sflag:$0x2], $0x80, $0x38;
	[tilespmem:$0x18100] =	vst v63  }
0x12e: {  	s24 =	sadd.s32 $0x160, s16;
	s23 =	sadd.s32 $0x900, s17  }
0x12f: {  	[hbm4b:s24+s2] =	stream.linear.scatter [tilespmem:s23], [sflag:$0x2], $0x80, $0x38;
	[tilespmem:$0x18100] =	vst v63  }
0x130: {  	s26 =	sadd.s32 $0x1E0, s16;
	s25 =	sadd.s32 $0xD00, s17  }
0x131: {  	[hbm4b:s26+s2] =	stream.linear.scatter [tilespmem:s25], [sflag:$0x2], $0x80, $0x38;
	[tilespmem:$0x18100] =	vst v63  }
0x132: {  	s29 =	sadd.s32 $0x260, s16;
	s28 =	sadd.s32 $0x1100, s17  }
0x133: {  	[hbm4b:s29+s2] =	stream.linear.scatter [tilespmem:s28], [sflag:$0x2], $0x80, $0x38;
	[tilespmem:$0x18100] =	vst v63  }
0x134: {  	s31 =	sadd.s32 $0x2E0, s16;
	s30 =	sadd.s32 $0x1500, s17  }
0x135: {  	[hbm4b:s31+s2] =	stream.linear.scatter [tilespmem:s30], [sflag:$0x2], $0x80, $0x38;
	[tilespmem:$0x18100] =	vst v63  }
0x136: {  	s19 =	sadd.s32 $0x1900, s17;
	s20 =	sadd.s32 $0x360, s16  }
0x137: {  	[hbm4b:s20+s2] =	stream.linear.scatter [tilespmem:s19], [sflag:$0x2], $0x80, $0x38;
	[tilespmem:$0x18100] =	vst v63  }
0x138: {  	s21 =	sadd.s32 $0x1D00, s17;
	s22 =	sadd.s32 $0x3E0, s16  }
0x139: {  	[hbm4b:s22+s2] =	stream.linear.scatter [tilespmem:s21], [sflag:$0x2], $0x80, $0x38;
	[tilespmem:$0x18100] =	vst v63  }
0x13a: {  	s23 =	sadd.s32 $0x2100, s17;
	s24 =	sadd.s32 $0x460, s16  }
0x13b: {  	[hbm4b:s24+s2] =	stream.linear.scatter [tilespmem:s23], [sflag:$0x2], $0x80, $0x38;
	[tilespmem:$0x18100] =	vst v63  }
0x13c: {  	s25 =	sadd.s32 $0x2500, s17;
	s26 =	sadd.s32 $0x4E0, s16;
	s30 =	sld [smem:s15+$0xFFFFFFFF]  }
0x13d: {  	[hbm4b:s26+s2] =	stream.linear.scatter [tilespmem:s25], [sflag:$0x2], $0x80, $0x38;
	[tilespmem:$0x18100] =	vst v63  }
0x13e: {  	s28 =	sadd.s32 $0x2900, s17;
	s29 =	sadd.s32 $0x560, s16  }
0x13f: {  	[hbm4b:s29+s2] =	stream.linear.scatter [tilespmem:s28], [sflag:$0x2], $0x80, $0x38;
	[tilespmem:$0x18100] =	vst v63  }
0x140: {  	s17 =	sadd.s32 $0x2D00, s17;
	s31 =	sadd.s32 $0x5E0, s16;
	s19 =	sshrl.u32 s30, $0x3  }
0x141: {  	[hbm4b:s31+s2] =	stream.linear.scatter [tilespmem:s17], [sflag:$0x2], $0x80, $0x38;
	[tilespmem:$0x18100] =	vst v63  }
0x142: {  	s17 =	smul.u32 $0xC000, s19  }
0x143: {  	s18 =	sshll.u32 s30, $0x7  }
0x144: {  	s18 =	sand.u32 $0x380, s18;
	s17 =	sshra.s32 s17, $0x2  }
0x145: {  	s17 =	sor.u32 s18, s17  }
0x146: {  	s20 =	sadd.s32 $0x70, s16;
	s18 =	sadd.s32 $0x100, s17  }
0x147: {  	[hbm4b:s20+s2] =	stream.linear.scatter [tilespmem:s18], [sflag:$0x2], $0x80, $0x38;
	[tilespmem:$0x18100] =	vst v63  }
0x148: {  	s22 =	sadd.s32 $0xF0, s16;
	s21 =	sadd.s32 $0x500, s17  }
0x149: {  	[hbm4b:s22+s2] =	stream.linear.scatter [tilespmem:s21], [sflag:$0x2], $0x80, $0x38;
	[tilespmem:$0x18100] =	vst v63  }
0x14a: {  	s24 =	sadd.s32 $0x170, s16;
	s23 =	sadd.s32 $0x900, s17  }
0x14b: {  	[hbm4b:s24+s2] =	stream.linear.scatter [tilespmem:s23], [sflag:$0x2], $0x80, $0x38;
	[tilespmem:$0x18100] =	vst v63  }
0x14c: {  	s26 =	sadd.s32 $0x1F0, s16;
	s25 =	sadd.s32 $0xD00, s17  }
0x14d: {  	[hbm4b:s26+s2] =	stream.linear.scatter [tilespmem:s25], [sflag:$0x2], $0x80, $0x38;
	[tilespmem:$0x18100] =	vst v63  }
0x14e: {  	s29 =	sadd.s32 $0x270, s16;
	s28 =	sadd.s32 $0x1100, s17  }
0x14f: {  	[hbm4b:s29+s2] =	stream.linear.scatter [tilespmem:s28], [sflag:$0x2], $0x80, $0x38;
	[tilespmem:$0x18100] =	vst v63  }
0x150: {  	s31 =	sadd.s32 $0x2F0, s16;
	s30 =	sadd.s32 $0x1500, s17  }
0x151: {  	[hbm4b:s31+s2] =	stream.linear.scatter [tilespmem:s30], [sflag:$0x2], $0x80, $0x38;
	[tilespmem:$0x18100] =	vst v63  }
0x152: {  	s20 =	sadd.s32 $0x1900, s17;
	s21 =	sadd.s32 $0x370, s16  }
0x153: {  	[hbm4b:s21+s2] =	stream.linear.scatter [tilespmem:s20], [sflag:$0x2], $0x80, $0x38;
	[tilespmem:$0x18100] =	vst v63  }
0x154: {  	s22 =	sadd.s32 $0x1D00, s17;
	s23 =	sadd.s32 $0x3F0, s16  }
0x155: {  	[hbm4b:s23+s2] =	stream.linear.scatter [tilespmem:s22], [sflag:$0x2], $0x80, $0x38;
	[tilespmem:$0x18100] =	vst v63  }
0x156: {  	s24 =	sadd.s32 $0x2100, s17;
	s25 =	sadd.s32 $0x470, s16  }
0x157: {  	[hbm4b:s25+s2] =	stream.linear.scatter [tilespmem:s24], [sflag:$0x2], $0x80, $0x38;
	[tilespmem:$0x18100] =	vst v63  }
0x158: {  	s26 =	sadd.s32 $0x2500, s17;
	s28 =	sadd.s32 $0x4F0, s16  }
0x159: {  	[hbm4b:s28+s2] =	stream.linear.scatter [tilespmem:s26], [sflag:$0x2], $0x80, $0x38;
	[tilespmem:$0x18100] =	vst v63  }
0x15a: {  	s29 =	sadd.s32 $0x2900, s17;
	s30 =	sadd.s32 $0x570, s16;
	s31 =	sld [smem:s15+$0x0]  }
0x15b: {  	[hbm4b:s30+s2] =	stream.linear.scatter [tilespmem:s29], [sflag:$0x2], $0x80, $0x38;
	[tilespmem:$0x18100] =	vst v63  }
0x15c: {  	s17 =	sadd.s32 $0x2D00, s17;
	s16 =	sadd.s32 $0x5F0, s16  }
0x15d: {  	[hbm4b:s16+s2] =	stream.linear.scatter [tilespmem:s17], [sflag:$0x2], $0x80, $0x38;
	[tilespmem:$0x18100] =	vst v63  }
0x15e: {  	s17 =	sshrl.u32 s31, $0x3  }
0x15f: {  	s16 =	smul.u32 $0xC000, s17  }
0x160: {  	s18 =	sshll.u32 s31, $0x7  }
0x161: {  	s17 =	sand.u32 $0x380, s18;
	s16 =	sshra.s32 s16, $0x2  }
0x162: {  	s19 =	rddreg [dreg:$0x5];
	s17 =	sor.u32 s17, s16  }
0x163: {  	s16 =	sadd.s32 s14, s19;
	s20 =	sadd.s32 $0x100, s17  }
0x164: {  	[hbm4b:s16+s2] =	stream.linear.scatter [tilespmem:s20], [sflag:$0x2], $0x80, $0x38;
	[tilespmem:$0x18100] =	vst v63  }
0x165: {  	s21 =	sadd.s32 $0x500, s17;
	s22 =	sadd.s32 $0x80, s16  }
0x166: {  	[hbm4b:s22+s2] =	stream.linear.scatter [tilespmem:s21], [sflag:$0x2], $0x80, $0x38;
	[tilespmem:$0x18100] =	vst v63  }
0x167: {  	s23 =	sadd.s32 $0x900, s17;
	s24 =	sadd.s32 $0x100, s16  }
0x168: {  	[hbm4b:s24+s2] =	stream.linear.scatter [tilespmem:s23], [sflag:$0x2], $0x80, $0x38;
	[tilespmem:$0x18100] =	vst v63  }
0x169: {  	s25 =	sadd.s32 $0xD00, s17;
	s26 =	sadd.s32 $0x180, s16  }
0x16a: {  	[hbm4b:s26+s2] =	stream.linear.scatter [tilespmem:s25], [sflag:$0x2], $0x80, $0x38;
	[tilespmem:$0x18100] =	vst v63  }
0x16b: {  	s28 =	sadd.s32 $0x1100, s17;
	s29 =	sadd.s32 $0x200, s16  }
0x16c: {  	[hbm4b:s29+s2] =	stream.linear.scatter [tilespmem:s28], [sflag:$0x2], $0x80, $0x38;
	[tilespmem:$0x18100] =	vst v63  }
0x16d: {  	s30 =	sadd.s32 $0x1500, s17;
	s31 =	sadd.s32 $0x280, s16  }
0x16e: {  	[hbm4b:s31+s2] =	stream.linear.scatter [tilespmem:s30], [sflag:$0x2], $0x80, $0x38;
	[tilespmem:$0x18100] =	vst v63  }
0x16f: {  	s19 =	sadd.s32 $0x1900, s17;
	s20 =	sadd.s32 $0x300, s16  }
0x170: {  	[hbm4b:s20+s2] =	stream.linear.scatter [tilespmem:s19], [sflag:$0x2], $0x80, $0x38;
	[tilespmem:$0x18100] =	vst v63  }
0x171: {  	s21 =	sadd.s32 $0x1D00, s17;
	s22 =	sadd.s32 $0x380, s16  }
0x172: {  	[hbm4b:s22+s2] =	stream.linear.scatter [tilespmem:s21], [sflag:$0x2], $0x80, $0x38;
	[tilespmem:$0x18100] =	vst v63  }
0x173: {  	s23 =	sadd.s32 $0x2100, s17;
	s24 =	sadd.s32 $0x400, s16  }
0x174: {  	[hbm4b:s24+s2] =	stream.linear.scatter [tilespmem:s23], [sflag:$0x2], $0x80, $0x38;
	[tilespmem:$0x18100] =	vst v63  }
0x175: {  	s25 =	sadd.s32 $0x2500, s17;
	s26 =	sadd.s32 $0x480, s16;
	s30 =	sld [smem:s15+$0x1]  }
0x176: {  	[hbm4b:s26+s2] =	stream.linear.scatter [tilespmem:s25], [sflag:$0x2], $0x80, $0x38;
	[tilespmem:$0x18100] =	vst v63  }
0x177: {  	s28 =	sadd.s32 $0x2900, s17;
	s29 =	sadd.s32 $0x500, s16  }
0x178: {  	[hbm4b:s29+s2] =	stream.linear.scatter [tilespmem:s28], [sflag:$0x2], $0x80, $0x38;
	[tilespmem:$0x18100] =	vst v63  }
0x179: {  	s17 =	sadd.s32 $0x2D00, s17;
	s31 =	sadd.s32 $0x580, s16;
	s19 =	sshrl.u32 s30, $0x3  }
0x17a: {  	[hbm4b:s31+s2] =	stream.linear.scatter [tilespmem:s17], [sflag:$0x2], $0x80, $0x38;
	[tilespmem:$0x18100] =	vst v63  }
0x17b: {  	s17 =	smul.u32 $0xC000, s19  }
0x17c: {  	s18 =	sshll.u32 s30, $0x7  }
0x17d: {  	s18 =	sand.u32 $0x380, s18;
	s17 =	sshra.s32 s17, $0x2  }
0x17e: {  	s17 =	sor.u32 s18, s17  }
0x17f: {  	s20 =	sadd.s32 $0x10, s16;
	s18 =	sadd.s32 $0x100, s17  }
0x180: {  	[hbm4b:s20+s2] =	stream.linear.scatter [tilespmem:s18], [sflag:$0x2], $0x80, $0x38;
	[tilespmem:$0x18100] =	vst v63  }
0x181: {  	s22 =	sadd.s32 $0x90, s16;
	s21 =	sadd.s32 $0x500, s17  }
0x182: {  	[hbm4b:s22+s2] =	stream.linear.scatter [tilespmem:s21], [sflag:$0x2], $0x80, $0x38;
	[tilespmem:$0x18100] =	vst v63  }
0x183: {  	s24 =	sadd.s32 $0x110, s16;
	s23 =	sadd.s32 $0x900, s17  }
0x184: {  	[hbm4b:s24+s2] =	stream.linear.scatter [tilespmem:s23], [sflag:$0x2], $0x80, $0x38;
	[tilespmem:$0x18100] =	vst v63  }
0x185: {  	s26 =	sadd.s32 $0x190, s16;
	s25 =	sadd.s32 $0xD00, s17  }
0x186: {  	[hbm4b:s26+s2] =	stream.linear.scatter [tilespmem:s25], [sflag:$0x2], $0x80, $0x38;
	[tilespmem:$0x18100] =	vst v63  }
0x187: {  	s29 =	sadd.s32 $0x210, s16;
	s28 =	sadd.s32 $0x1100, s17  }
0x188: {  	[hbm4b:s29+s2] =	stream.linear.scatter [tilespmem:s28], [sflag:$0x2], $0x80, $0x38;
	[tilespmem:$0x18100] =	vst v63  }
0x189: {  	s31 =	sadd.s32 $0x290, s16;
	s30 =	sadd.s32 $0x1500, s17  }
0x18a: {  	[hbm4b:s31+s2] =	stream.linear.scatter [tilespmem:s30], [sflag:$0x2], $0x80, $0x38;
	[tilespmem:$0x18100] =	vst v63  }
0x18b: {  	s19 =	sadd.s32 $0x1900, s17;
	s20 =	sadd.s32 $0x310, s16  }
0x18c: {  	[hbm4b:s20+s2] =	stream.linear.scatter [tilespmem:s19], [sflag:$0x2], $0x80, $0x38;
	[tilespmem:$0x18100] =	vst v63  }
0x18d: {  	s21 =	sadd.s32 $0x1D00, s17;
	s22 =	sadd.s32 $0x390, s16  }
0x18e: {  	[hbm4b:s22+s2] =	stream.linear.scatter [tilespmem:s21], [sflag:$0x2], $0x80, $0x38;
	[tilespmem:$0x18100] =	vst v63  }
0x18f: {  	s23 =	sadd.s32 $0x2100, s17;
	s24 =	sadd.s32 $0x410, s16  }
0x190: {  	[hbm4b:s24+s2] =	stream.linear.scatter [tilespmem:s23], [sflag:$0x2], $0x80, $0x38;
	[tilespmem:$0x18100] =	vst v63  }
0x191: {  	s25 =	sadd.s32 $0x2500, s17;
	s26 =	sadd.s32 $0x490, s16;
	s30 =	sld [smem:s15+$0x2]  }
0x192: {  	[hbm4b:s26+s2] =	stream.linear.scatter [tilespmem:s25], [sflag:$0x2], $0x80, $0x38;
	[tilespmem:$0x18100] =	vst v63  }
0x193: {  	s28 =	sadd.s32 $0x2900, s17;
	s29 =	sadd.s32 $0x510, s16  }
0x194: {  	[hbm4b:s29+s2] =	stream.linear.scatter [tilespmem:s28], [sflag:$0x2], $0x80, $0x38;
	[tilespmem:$0x18100] =	vst v63  }
0x195: {  	s17 =	sadd.s32 $0x2D00, s17;
	s31 =	sadd.s32 $0x590, s16;
	s19 =	sshrl.u32 s30, $0x3  }
0x196: {  	[hbm4b:s31+s2] =	stream.linear.scatter [tilespmem:s17], [sflag:$0x2], $0x80, $0x38;
	[tilespmem:$0x18100] =	vst v63  }
0x197: {  	s17 =	smul.u32 $0xC000, s19  }
0x198: {  	s18 =	sshll.u32 s30, $0x7  }
0x199: {  	s18 =	sand.u32 $0x380, s18;
	s17 =	sshra.s32 s17, $0x2  }
0x19a: {  	s17 =	sor.u32 s18, s17  }
0x19b: {  	s20 =	sadd.s32 $0x20, s16;
	s18 =	sadd.s32 $0x100, s17  }
0x19c: {  	[hbm4b:s20+s2] =	stream.linear.scatter [tilespmem:s18], [sflag:$0x2], $0x80, $0x38;
	[tilespmem:$0x18100] =	vst v63  }
0x19d: {  	s22 =	sadd.s32 $0xA0, s16;
	s21 =	sadd.s32 $0x500, s17  }
0x19e: {  	[hbm4b:s22+s2] =	stream.linear.scatter [tilespmem:s21], [sflag:$0x2], $0x80, $0x38;
	[tilespmem:$0x18100] =	vst v63  }
0x19f: {  	s24 =	sadd.s32 $0x120, s16;
	s23 =	sadd.s32 $0x900, s17  }
0x1a0: {  	[hbm4b:s24+s2] =	stream.linear.scatter [tilespmem:s23], [sflag:$0x2], $0x80, $0x38;
	[tilespmem:$0x18100] =	vst v63  }
0x1a1: {  	s26 =	sadd.s32 $0x1A0, s16;
	s25 =	sadd.s32 $0xD00, s17  }
0x1a2: {  	[hbm4b:s26+s2] =	stream.linear.scatter [tilespmem:s25], [sflag:$0x2], $0x80, $0x38;
	[tilespmem:$0x18100] =	vst v63  }
0x1a3: {  	s29 =	sadd.s32 $0x220, s16;
	s28 =	sadd.s32 $0x1100, s17  }
0x1a4: {  	[hbm4b:s29+s2] =	stream.linear.scatter [tilespmem:s28], [sflag:$0x2], $0x80, $0x38;
	[tilespmem:$0x18100] =	vst v63  }
0x1a5: {  	s31 =	sadd.s32 $0x2A0, s16;
	s30 =	sadd.s32 $0x1500, s17  }
0x1a6: {  	[hbm4b:s31+s2] =	stream.linear.scatter [tilespmem:s30], [sflag:$0x2], $0x80, $0x38;
	[tilespmem:$0x18100] =	vst v63  }
0x1a7: {  	s19 =	sadd.s32 $0x1900, s17;
	s20 =	sadd.s32 $0x320, s16  }
0x1a8: {  	[hbm4b:s20+s2] =	stream.linear.scatter [tilespmem:s19], [sflag:$0x2], $0x80, $0x38;
	[tilespmem:$0x18100] =	vst v63  }
0x1a9: {  	s21 =	sadd.s32 $0x1D00, s17;
	s22 =	sadd.s32 $0x3A0, s16  }
0x1aa: {  	[hbm4b:s22+s2] =	stream.linear.scatter [tilespmem:s21], [sflag:$0x2], $0x80, $0x38;
	[tilespmem:$0x18100] =	vst v63  }
0x1ab: {  	s23 =	sadd.s32 $0x2100, s17;
	s24 =	sadd.s32 $0x420, s16  }
0x1ac: {  	[hbm4b:s24+s2] =	stream.linear.scatter [tilespmem:s23], [sflag:$0x2], $0x80, $0x38;
	[tilespmem:$0x18100] =	vst v63  }
0x1ad: {  	s25 =	sadd.s32 $0x2500, s17;
	s26 =	sadd.s32 $0x4A0, s16;
	s30 =	sld [smem:s15+$0x3]  }
0x1ae: {  	[hbm4b:s26+s2] =	stream.linear.scatter [tilespmem:s25], [sflag:$0x2], $0x80, $0x38;
	[tilespmem:$0x18100] =	vst v63  }
0x1af: {  	s28 =	sadd.s32 $0x2900, s17;
	s29 =	sadd.s32 $0x520, s16  }
0x1b0: {  	[hbm4b:s29+s2] =	stream.linear.scatter [tilespmem:s28], [sflag:$0x2], $0x80, $0x38;
	[tilespmem:$0x18100] =	vst v63  }
0x1b1: {  	s17 =	sadd.s32 $0x2D00, s17;
	s31 =	sadd.s32 $0x5A0, s16;
	s19 =	sshrl.u32 s30, $0x3  }
0x1b2: {  	[hbm4b:s31+s2] =	stream.linear.scatter [tilespmem:s17], [sflag:$0x2], $0x80, $0x38;
	[tilespmem:$0x18100] =	vst v63  }
0x1b3: {  	s17 =	smul.u32 $0xC000, s19  }
0x1b4: {  	s18 =	sshll.u32 s30, $0x7  }
0x1b5: {  	s18 =	sand.u32 $0x380, s18;
	s17 =	sshra.s32 s17, $0x2  }
0x1b6: {  	s17 =	sor.u32 s18, s17  }
0x1b7: {  	s20 =	sadd.s32 $0x30, s16;
	s18 =	sadd.s32 $0x100, s17  }
0x1b8: {  	[hbm4b:s20+s2] =	stream.linear.scatter [tilespmem:s18], [sflag:$0x2], $0x80, $0x38;
	[tilespmem:$0x18100] =	vst v63  }
0x1b9: {  	s22 =	sadd.s32 $0xB0, s16;
	s21 =	sadd.s32 $0x500, s17  }
0x1ba: {  	[hbm4b:s22+s2] =	stream.linear.scatter [tilespmem:s21], [sflag:$0x2], $0x80, $0x38;
	[tilespmem:$0x18100] =	vst v63  }
0x1bb: {  	s24 =	sadd.s32 $0x130, s16;
	s23 =	sadd.s32 $0x900, s17  }
0x1bc: {  	[hbm4b:s24+s2] =	stream.linear.scatter [tilespmem:s23], [sflag:$0x2], $0x80, $0x38;
	[tilespmem:$0x18100] =	vst v63  }
0x1bd: {  	s26 =	sadd.s32 $0x1B0, s16;
	s25 =	sadd.s32 $0xD00, s17  }
0x1be: {  	[hbm4b:s26+s2] =	stream.linear.scatter [tilespmem:s25], [sflag:$0x2], $0x80, $0x38;
	[tilespmem:$0x18100] =	vst v63  }
0x1bf: {  	s29 =	sadd.s32 $0x230, s16;
	s28 =	sadd.s32 $0x1100, s17  }
0x1c0: {  	[hbm4b:s29+s2] =	stream.linear.scatter [tilespmem:s28], [sflag:$0x2], $0x80, $0x38;
	[tilespmem:$0x18100] =	vst v63  }
0x1c1: {  	s31 =	sadd.s32 $0x2B0, s16;
	s30 =	sadd.s32 $0x1500, s17  }
0x1c2: {  	[hbm4b:s31+s2] =	stream.linear.scatter [tilespmem:s30], [sflag:$0x2], $0x80, $0x38;
	[tilespmem:$0x18100] =	vst v63  }
0x1c3: {  	s19 =	sadd.s32 $0x1900, s17;
	s20 =	sadd.s32 $0x330, s16  }
0x1c4: {  	[hbm4b:s20+s2] =	stream.linear.scatter [tilespmem:s19], [sflag:$0x2], $0x80, $0x38;
	[tilespmem:$0x18100] =	vst v63  }
0x1c5: {  	s21 =	sadd.s32 $0x1D00, s17;
	s22 =	sadd.s32 $0x3B0, s16  }
0x1c6: {  	[hbm4b:s22+s2] =	stream.linear.scatter [tilespmem:s21], [sflag:$0x2], $0x80, $0x38;
	[tilespmem:$0x18100] =	vst v63  }
0x1c7: {  	s23 =	sadd.s32 $0x2100, s17;
	s24 =	sadd.s32 $0x430, s16  }
0x1c8: {  	[hbm4b:s24+s2] =	stream.linear.scatter [tilespmem:s23], [sflag:$0x2], $0x80, $0x38;
	[tilespmem:$0x18100] =	vst v63  }
0x1c9: {  	s25 =	sadd.s32 $0x2500, s17;
	s26 =	sadd.s32 $0x4B0, s16;
	s30 =	sld [smem:s15+$0x4]  }
0x1ca: {  	[hbm4b:s26+s2] =	stream.linear.scatter [tilespmem:s25], [sflag:$0x2], $0x80, $0x38;
	[tilespmem:$0x18100] =	vst v63  }
0x1cb: {  	s28 =	sadd.s32 $0x2900, s17;
	s29 =	sadd.s32 $0x530, s16  }
0x1cc: {  	[hbm4b:s29+s2] =	stream.linear.scatter [tilespmem:s28], [sflag:$0x2], $0x80, $0x38;
	[tilespmem:$0x18100] =	vst v63  }
0x1cd: {  	s17 =	sadd.s32 $0x2D00, s17;
	s31 =	sadd.s32 $0x5B0, s16;
	s19 =	sshrl.u32 s30, $0x3  }
0x1ce: {  	[hbm4b:s31+s2] =	stream.linear.scatter [tilespmem:s17], [sflag:$0x2], $0x80, $0x38;
	[tilespmem:$0x18100] =	vst v63  }
0x1cf: {  	s17 =	smul.u32 $0xC000, s19  }
0x1d0: {  	s18 =	sshll.u32 s30, $0x7  }
0x1d1: {  	s18 =	sand.u32 $0x380, s18;
	s17 =	sshra.s32 s17, $0x2  }
0x1d2: {  	s17 =	sor.u32 s18, s17  }
0x1d3: {  	s20 =	sadd.s32 $0x40, s16;
	s18 =	sadd.s32 $0x100, s17  }
0x1d4: {  	[hbm4b:s20+s2] =	stream.linear.scatter [tilespmem:s18], [sflag:$0x2], $0x80, $0x38;
	[tilespmem:$0x18100] =	vst v63  }
0x1d5: {  	s22 =	sadd.s32 $0xC0, s16;
	s21 =	sadd.s32 $0x500, s17  }
0x1d6: {  	[hbm4b:s22+s2] =	stream.linear.scatter [tilespmem:s21], [sflag:$0x2], $0x80, $0x38;
	[tilespmem:$0x18100] =	vst v63  }
0x1d7: {  	s24 =	sadd.s32 $0x140, s16;
	s23 =	sadd.s32 $0x900, s17  }
0x1d8: {  	[hbm4b:s24+s2] =	stream.linear.scatter [tilespmem:s23], [sflag:$0x2], $0x80, $0x38;
	[tilespmem:$0x18100] =	vst v63  }
0x1d9: {  	s26 =	sadd.s32 $0x1C0, s16;
	s25 =	sadd.s32 $0xD00, s17  }
0x1da: {  	[hbm4b:s26+s2] =	stream.linear.scatter [tilespmem:s25], [sflag:$0x2], $0x80, $0x38;
	[tilespmem:$0x18100] =	vst v63  }
0x1db: {  	s29 =	sadd.s32 $0x240, s16;
	s28 =	sadd.s32 $0x1100, s17  }
0x1dc: {  	[hbm4b:s29+s2] =	stream.linear.scatter [tilespmem:s28], [sflag:$0x2], $0x80, $0x38;
	[tilespmem:$0x18100] =	vst v63  }
0x1dd: {  	s31 =	sadd.s32 $0x2C0, s16;
	s30 =	sadd.s32 $0x1500, s17  }
0x1de: {  	[hbm4b:s31+s2] =	stream.linear.scatter [tilespmem:s30], [sflag:$0x2], $0x80, $0x38;
	[tilespmem:$0x18100] =	vst v63  }
0x1df: {  	s19 =	sadd.s32 $0x1900, s17;
	s20 =	sadd.s32 $0x340, s16  }
0x1e0: {  	[hbm4b:s20+s2] =	stream.linear.scatter [tilespmem:s19], [sflag:$0x2], $0x80, $0x38;
	[tilespmem:$0x18100] =	vst v63  }
0x1e1: {  	s21 =	sadd.s32 $0x1D00, s17;
	s22 =	sadd.s32 $0x3C0, s16  }
0x1e2: {  	[hbm4b:s22+s2] =	stream.linear.scatter [tilespmem:s21], [sflag:$0x2], $0x80, $0x38;
	[tilespmem:$0x18100] =	vst v63  }
0x1e3: {  	s23 =	sadd.s32 $0x2100, s17;
	s24 =	sadd.s32 $0x440, s16  }
0x1e4: {  	[hbm4b:s24+s2] =	stream.linear.scatter [tilespmem:s23], [sflag:$0x2], $0x80, $0x38;
	[tilespmem:$0x18100] =	vst v63  }
0x1e5: {  	s25 =	sadd.s32 $0x2500, s17;
	s26 =	sadd.s32 $0x4C0, s16;
	s30 =	sld [smem:s15+$0x5]  }
0x1e6: {  	[hbm4b:s26+s2] =	stream.linear.scatter [tilespmem:s25], [sflag:$0x2], $0x80, $0x38;
	[tilespmem:$0x18100] =	vst v63  }
0x1e7: {  	s28 =	sadd.s32 $0x2900, s17;
	s29 =	sadd.s32 $0x540, s16  }
0x1e8: {  	[hbm4b:s29+s2] =	stream.linear.scatter [tilespmem:s28], [sflag:$0x2], $0x80, $0x38;
	[tilespmem:$0x18100] =	vst v63  }
0x1e9: {  	s17 =	sadd.s32 $0x2D00, s17;
	s31 =	sadd.s32 $0x5C0, s16;
	s19 =	sshrl.u32 s30, $0x3  }
0x1ea: {  	[hbm4b:s31+s2] =	stream.linear.scatter [tilespmem:s17], [sflag:$0x2], $0x80, $0x38;
	[tilespmem:$0x18100] =	vst v63  }
0x1eb: {  	s17 =	smul.u32 $0xC000, s19  }
0x1ec: {  	s18 =	sshll.u32 s30, $0x7  }
0x1ed: {  	s18 =	sand.u32 $0x380, s18;
	s17 =	sshra.s32 s17, $0x2  }
0x1ee: {  	s17 =	sor.u32 s18, s17  }
0x1ef: {  	s20 =	sadd.s32 $0x50, s16;
	s18 =	sadd.s32 $0x100, s17  }
0x1f0: {  	[hbm4b:s20+s2] =	stream.linear.scatter [tilespmem:s18], [sflag:$0x2], $0x80, $0x38;
	[tilespmem:$0x18100] =	vst v63  }
0x1f1: {  	s22 =	sadd.s32 $0xD0, s16;
	s21 =	sadd.s32 $0x500, s17  }
0x1f2: {  	[hbm4b:s22+s2] =	stream.linear.scatter [tilespmem:s21], [sflag:$0x2], $0x80, $0x38;
	[tilespmem:$0x18100] =	vst v63  }
0x1f3: {  	s24 =	sadd.s32 $0x150, s16;
	s23 =	sadd.s32 $0x900, s17  }
0x1f4: {  	[hbm4b:s24+s2] =	stream.linear.scatter [tilespmem:s23], [sflag:$0x2], $0x80, $0x38;
	[tilespmem:$0x18100] =	vst v63  }
0x1f5: {  	s26 =	sadd.s32 $0x1D0, s16;
	s25 =	sadd.s32 $0xD00, s17  }
0x1f6: {  	[hbm4b:s26+s2] =	stream.linear.scatter [tilespmem:s25], [sflag:$0x2], $0x80, $0x38;
	[tilespmem:$0x18100] =	vst v63  }
0x1f7: {  	s29 =	sadd.s32 $0x250, s16;
	s28 =	sadd.s32 $0x1100, s17  }
0x1f8: {  	[hbm4b:s29+s2] =	stream.linear.scatter [tilespmem:s28], [sflag:$0x2], $0x80, $0x38;
	[tilespmem:$0x18100] =	vst v63  }
0x1f9: {  	s31 =	sadd.s32 $0x2D0, s16;
	s30 =	sadd.s32 $0x1500, s17  }
0x1fa: {  	[hbm4b:s31+s2] =	stream.linear.scatter [tilespmem:s30], [sflag:$0x2], $0x80, $0x38;
	[tilespmem:$0x18100] =	vst v63  }
0x1fb: {  	s19 =	sadd.s32 $0x1900, s17;
	s20 =	sadd.s32 $0x350, s16  }
0x1fc: {  	[hbm4b:s20+s2] =	stream.linear.scatter [tilespmem:s19], [sflag:$0x2], $0x80, $0x38;
	[tilespmem:$0x18100] =	vst v63  }
0x1fd: {  	s21 =	sadd.s32 $0x1D00, s17;
	s22 =	sadd.s32 $0x3D0, s16  }
0x1fe: {  	[hbm4b:s22+s2] =	stream.linear.scatter [tilespmem:s21], [sflag:$0x2], $0x80, $0x38;
	[tilespmem:$0x18100] =	vst v63  }
0x1ff: {  	s23 =	sadd.s32 $0x2100, s17;
	s24 =	sadd.s32 $0x450, s16  }
0x200: {  	[hbm4b:s24+s2] =	stream.linear.scatter [tilespmem:s23], [sflag:$0x2], $0x80, $0x38;
	[tilespmem:$0x18100] =	vst v63  }
0x201: {  	s25 =	sadd.s32 $0x2500, s17;
	s26 =	sadd.s32 $0x4D0, s16;
	s30 =	sld [smem:s15+$0x6]  }
0x202: {  	[hbm4b:s26+s2] =	stream.linear.scatter [tilespmem:s25], [sflag:$0x2], $0x80, $0x38;
	[tilespmem:$0x18100] =	vst v63  }
0x203: {  	s28 =	sadd.s32 $0x2900, s17;
	s29 =	sadd.s32 $0x550, s16  }
0x204: {  	[hbm4b:s29+s2] =	stream.linear.scatter [tilespmem:s28], [sflag:$0x2], $0x80, $0x38;
	[tilespmem:$0x18100] =	vst v63  }
0x205: {  	s17 =	sadd.s32 $0x2D00, s17;
	s31 =	sadd.s32 $0x5D0, s16;
	s19 =	sshrl.u32 s30, $0x3  }
0x206: {  	[hbm4b:s31+s2] =	stream.linear.scatter [tilespmem:s17], [sflag:$0x2], $0x80, $0x38;
	[tilespmem:$0x18100] =	vst v63  }
0x207: {  	s17 =	smul.u32 $0xC000, s19  }
0x208: {  	s18 =	sshll.u32 s30, $0x7  }
0x209: {  	s18 =	sand.u32 $0x380, s18;
	s17 =	sshra.s32 s17, $0x2  }
0x20a: {  	s17 =	sor.u32 s18, s17  }
0x20b: {  	s20 =	sadd.s32 $0x60, s16;
	s18 =	sadd.s32 $0x100, s17  }
0x20c: {  	[hbm4b:s20+s2] =	stream.linear.scatter [tilespmem:s18], [sflag:$0x2], $0x80, $0x38;
	[tilespmem:$0x18100] =	vst v63  }
0x20d: {  	s22 =	sadd.s32 $0xE0, s16;
	s21 =	sadd.s32 $0x500, s17  }
0x20e: {  	[hbm4b:s22+s2] =	stream.linear.scatter [tilespmem:s21], [sflag:$0x2], $0x80, $0x38;
	[tilespmem:$0x18100] =	vst v63  }
0x20f: {  	s24 =	sadd.s32 $0x160, s16;
	s23 =	sadd.s32 $0x900, s17  }
0x210: {  	[hbm4b:s24+s2] =	stream.linear.scatter [tilespmem:s23], [sflag:$0x2], $0x80, $0x38;
	[tilespmem:$0x18100] =	vst v63  }
0x211: {  	s26 =	sadd.s32 $0x1E0, s16;
	s25 =	sadd.s32 $0xD00, s17  }
0x212: {  	[hbm4b:s26+s2] =	stream.linear.scatter [tilespmem:s25], [sflag:$0x2], $0x80, $0x38;
	[tilespmem:$0x18100] =	vst v63  }
0x213: {  	s29 =	sadd.s32 $0x260, s16;
	s28 =	sadd.s32 $0x1100, s17  }
0x214: {  	[hbm4b:s29+s2] =	stream.linear.scatter [tilespmem:s28], [sflag:$0x2], $0x80, $0x38;
	[tilespmem:$0x18100] =	vst v63  }
0x215: {  	s31 =	sadd.s32 $0x2E0, s16;
	s30 =	sadd.s32 $0x1500, s17  }
0x216: {  	[hbm4b:s31+s2] =	stream.linear.scatter [tilespmem:s30], [sflag:$0x2], $0x80, $0x38;
	[tilespmem:$0x18100] =	vst v63  }
0x217: {  	s20 =	sadd.s32 $0x1900, s17;
	s21 =	sadd.s32 $0x360, s16  }
0x218: {  	[hbm4b:s21+s2] =	stream.linear.scatter [tilespmem:s20], [sflag:$0x2], $0x80, $0x38;
	[tilespmem:$0x18100] =	vst v63  }
0x219: {  	s22 =	sadd.s32 $0x1D00, s17;
	s23 =	sadd.s32 $0x3E0, s16  }
0x21a: {  	[hbm4b:s23+s2] =	stream.linear.scatter [tilespmem:s22], [sflag:$0x2], $0x80, $0x38;
	[tilespmem:$0x18100] =	vst v63  }
0x21b: {  	s24 =	sadd.s32 $0x2100, s17;
	s25 =	sadd.s32 $0x460, s16  }
0x21c: {  	[hbm4b:s25+s2] =	stream.linear.scatter [tilespmem:s24], [sflag:$0x2], $0x80, $0x38;
	[tilespmem:$0x18100] =	vst v63  }
0x21d: {  	s26 =	sadd.s32 $0x2500, s17;
	s28 =	sadd.s32 $0x4E0, s16;
	s31 =	sld [smem:s15+$0x7]  }
0x21e: {  	[hbm4b:s28+s2] =	stream.linear.scatter [tilespmem:s26], [sflag:$0x2], $0x80, $0x38;
	[tilespmem:$0x18100] =	vst v63  }
0x21f: {  	s29 =	sadd.s32 $0x2900, s17;
	s30 =	sadd.s32 $0x560, s16  }
0x220: {  	[hbm4b:s30+s2] =	stream.linear.scatter [tilespmem:s29], [sflag:$0x2], $0x80, $0x38;
	[tilespmem:$0x18100] =	vst v63  }
0x221: {  	s17 =	sadd.s32 $0x2D00, s17;
	s20 =	sadd.s32 $0x5E0, s16;
	s21 =	sshrl.u32 s31, $0x3  }
0x222: {  	[hbm4b:s20+s2] =	stream.linear.scatter [tilespmem:s17], [sflag:$0x2], $0x80, $0x38;
	[tilespmem:$0x18100] =	vst v63  }
0x223: {  	s17 =	smul.u32 $0xC000, s21  }
0x224: {  	s18 =	sshll.u32 s31, $0x7  }
0x225: {  	s18 =	sand.u32 $0x380, s18;
	s17 =	sshra.s32 s17, $0x2  }
0x226: {  	s17 =	sor.u32 s18, s17  }
0x227: {  	s22 =	sadd.s32 $0x70, s16;
	s18 =	sadd.s32 $0x100, s17  }
0x228: {  	[hbm4b:s22+s2] =	stream.linear.scatter [tilespmem:s18], [sflag:$0x2], $0x80, $0x38;
	[tilespmem:$0x18100] =	vst v63  }
0x229: {  	s24 =	sadd.s32 $0xF0, s16;
	s23 =	sadd.s32 $0x500, s17  }
0x22a: {  	[hbm4b:s24+s2] =	stream.linear.scatter [tilespmem:s23], [sflag:$0x2], $0x80, $0x38;
	[tilespmem:$0x18100] =	vst v63  }
0x22b: {  	s26 =	sadd.s32 $0x170, s16;
	s25 =	sadd.s32 $0x900, s17  }
0x22c: {  	[hbm4b:s26+s2] =	stream.linear.scatter [tilespmem:s25], [sflag:$0x2], $0x80, $0x38;
	[tilespmem:$0x18100] =	vst v63  }
0x22d: {  	s29 =	sadd.s32 $0x1F0, s16;
	s28 =	sadd.s32 $0xD00, s17  }
0x22e: {  	[hbm4b:s29+s2] =	stream.linear.scatter [tilespmem:s28], [sflag:$0x2], $0x80, $0x38;
	[tilespmem:$0x18100] =	vst v63  }
0x22f: {  	s31 =	sadd.s32 $0x270, s16;
	s30 =	sadd.s32 $0x1100, s17  }
0x230: {  	[hbm4b:s31+s2] =	stream.linear.scatter [tilespmem:s30], [sflag:$0x2], $0x80, $0x38;
	[tilespmem:$0x18100] =	vst v63  }
0x231: {  	s20 =	sadd.s32 $0x2F0, s16;
	s19 =	sadd.s32 $0x1500, s17  }
0x232: {  	[hbm4b:s20+s2] =	stream.linear.scatter [tilespmem:s19], [sflag:$0x2], $0x80, $0x38;
	[tilespmem:$0x18100] =	vst v63  }
0x233: {  	s21 =	sadd.s32 $0x1900, s17;
	s22 =	sadd.s32 $0x370, s16  }
0x234: {  	[hbm4b:s22+s2] =	stream.linear.scatter [tilespmem:s21], [sflag:$0x2], $0x80, $0x38;
	[tilespmem:$0x18100] =	vst v63  }
0x235: {  	s23 =	sadd.s32 $0x1D00, s17;
	s24 =	sadd.s32 $0x3F0, s16  }
0x236: {  	[hbm4b:s24+s2] =	stream.linear.scatter [tilespmem:s23], [sflag:$0x2], $0x80, $0x38;
	[tilespmem:$0x18100] =	vst v63  }
0x237: {  	s25 =	sadd.s32 $0x2100, s17;
	s26 =	sadd.s32 $0x470, s16  }
0x238: {  	[hbm4b:s26+s2] =	stream.linear.scatter [tilespmem:s25], [sflag:$0x2], $0x80, $0x38;
	[tilespmem:$0x18100] =	vst v63  }
0x239: {  	p0 =	sne.s32 s14, $0x2D0000;
	s28 =	sadd.s32 $0x2500, s17;
	s29 =	sadd.s32 $0x4F0, s16  }
0x23a: {  	[hbm4b:s29+s2] =	stream.linear.scatter [tilespmem:s28], [sflag:$0x2], $0x80, $0x38;
	[tilespmem:$0x18100] =	vst v63  }
.Ltmp1:
0x23b: {  	_ = 	snop;
	(pc) =	sbr.rel @p0 .LBB2_4-.Ltmp1, $4  }
0x23c: {  	s14 =	sadd.s32 $0x30000, s14;
	s30 =	sadd.s32 $0x2900, s17;
	s31 =	sadd.s32 $0x570, s16  }
0x23d: {  	[hbm4b:s31+s2] =	stream.linear.scatter [tilespmem:s30], [sflag:$0x2], $0x80, $0x38;
	[tilespmem:$0x18100] =	vst v63  }
0x23e: {  	s15 =	sadd.s32 $0x10, s15;
	s17 =	sadd.s32 $0x2D00, s17;
	s16 =	sadd.s32 $0x5F0, s16  }
0x23f: {  	[hbm4b:s16+s2] =	stream.linear.scatter [tilespmem:s17], [sflag:$0x2], $0x80, $0x38;
	[tilespmem:$0x18100] =	vst v63  }
0x240: {  	_ =	swait.ge [sflag:s12], $0x18000  }
0x241: {  	[sflag:s12] =	ssyncset.done $0x0  }
0x242: {  	[sflag:s12] =	ssyncadd.s32 $0xFFFE8000  }
0x243: {  	_ =	swait.ge [sflag:s12], $0x18000  }
0x244: {  	[sflag:s12] =	ssyncset.done $0x0  }
0x245: {  	[sflag:s12] =	ssyncadd.s32 $0xFFFE8000  }
0x246: {  	_ =	swait.ge [sflag:s12], $0x18000  }
0x247: {  	[sflag:s12] =	ssyncset.done $0x0  }
0x248: {  	[sflag:s12] =	ssyncadd.s32 $0xFFFE8000  }
0x249: {  	_ =	swait.ge [sflag:s12], $0x18000  }
0x24a: {  	[sflag:s12] =	ssyncset.done $0x0  }
0x24b: {  	[sflag:s12] =	ssyncadd.s32 $0xFFFE8000  }
0x24c: {  	[tilespmem:s9], [sflag:$0x1] =	stream.strided.gather [hbm4b:s5+s7], $0x18000, s8, s7, $0x38;
	[tilespmem:$0x18100] =	vst v63  }
0x24d: {  	_ =	swait.ge [sflag:s11], $0x18000  }
0x24e: {  	[sflag:s11] =	ssyncset.done $0x0  }
0x24f: {  	s14 =	simm.s32 $0x0;
	s15 =	simm.s32 $0x8;
	[sflag:s11] =	ssyncadd.s32 $0xFFFE8000  }
.LBB2_6:
0x250: {  	s16 =	sld [smem:s15+$0xFFFFFFF8];
	_ =	sdelay $0x2  }
0x251: {  	s17 =	sshrl.u32 s16, $0x3  }
0x252: {  	s17 =	smul.u32 $0xC000, s17  }
0x253: {  	s16 =	sshll.u32 s16, $0x7  }
0x254: {  	s16 =	sand.u32 $0x380, s16;
	s17 =	sshra.s32 s17, $0x2  }
0x255: {  	s18 =	rddreg [dreg:$0x6];
	s17 =	sor.u32 s16, s17  }
0x256: {  	s16 =	sadd.s32 s14, s18;
	s19 =	sadd.s32 $0x100, s17  }
0x257: {  	[hbm4b:s16+s2] =	stream.linear.scatter [tilespmem:s19], [sflag:$0x2], $0x80, $0x38;
	[tilespmem:$0x18100] =	vst v63  }
0x258: {  	s21 =	sadd.s32 $0x500, s17;
	s22 =	sadd.s32 $0x80, s16  }
0x259: {  	[hbm4b:s22+s2] =	stream.linear.scatter [tilespmem:s21], [sflag:$0x2], $0x80, $0x38;
	[tilespmem:$0x18100] =	vst v63  }
0x25a: {  	s23 =	sadd.s32 $0x900, s17;
	s24 =	sadd.s32 $0x100, s16  }
0x25b: {  	[hbm4b:s24+s2] =	stream.linear.scatter [tilespmem:s23], [sflag:$0x2], $0x80, $0x38;
	[tilespmem:$0x18100] =	vst v63  }
0x25c: {  	s25 =	sadd.s32 $0xD00, s17;
	s26 =	sadd.s32 $0x180, s16  }
0x25d: {  	[hbm4b:s26+s2] =	stream.linear.scatter [tilespmem:s25], [sflag:$0x2], $0x80, $0x38;
	[tilespmem:$0x18100] =	vst v63  }
0x25e: {  	s28 =	sadd.s32 $0x1100, s17;
	s29 =	sadd.s32 $0x200, s16  }
0x25f: {  	[hbm4b:s29+s2] =	stream.linear.scatter [tilespmem:s28], [sflag:$0x2], $0x80, $0x38;
	[tilespmem:$0x18100] =	vst v63  }
0x260: {  	s30 =	sadd.s32 $0x1500, s17;
	s31 =	sadd.s32 $0x280, s16  }
0x261: {  	[hbm4b:s31+s2] =	stream.linear.scatter [tilespmem:s30], [sflag:$0x2], $0x80, $0x38;
	[tilespmem:$0x18100] =	vst v63  }
0x262: {  	s20 =	sadd.s32 $0x300, s16;
	s19 =	sadd.s32 $0x1900, s17  }
0x263: {  	[hbm4b:s20+s2] =	stream.linear.scatter [tilespmem:s19], [sflag:$0x2], $0x80, $0x38;
	[tilespmem:$0x18100] =	vst v63  }
0x264: {  	s21 =	sadd.s32 $0x1D00, s17;
	s22 =	sadd.s32 $0x380, s16  }
0x265: {  	[hbm4b:s22+s2] =	stream.linear.scatter [tilespmem:s21], [sflag:$0x2], $0x80, $0x38;
	[tilespmem:$0x18100] =	vst v63  }
0x266: {  	s23 =	sadd.s32 $0x2100, s17;
	s24 =	sadd.s32 $0x400, s16  }
0x267: {  	[hbm4b:s24+s2] =	stream.linear.scatter [tilespmem:s23], [sflag:$0x2], $0x80, $0x38;
	[tilespmem:$0x18100] =	vst v63  }
0x268: {  	s25 =	sadd.s32 $0x2500, s17;
	s26 =	sadd.s32 $0x480, s16;
	s30 =	sld [smem:s15+$0xFFFFFFF9]  }
0x269: {  	[hbm4b:s26+s2] =	stream.linear.scatter [tilespmem:s25], [sflag:$0x2], $0x80, $0x38;
	[tilespmem:$0x18100] =	vst v63  }
0x26a: {  	s28 =	sadd.s32 $0x2900, s17;
	s29 =	sadd.s32 $0x500, s16  }
0x26b: {  	[hbm4b:s29+s2] =	stream.linear.scatter [tilespmem:s28], [sflag:$0x2], $0x80, $0x38;
	[tilespmem:$0x18100] =	vst v63  }
0x26c: {  	s17 =	sadd.s32 $0x2D00, s17;
	s31 =	sadd.s32 $0x580, s16;
	s19 =	sshrl.u32 s30, $0x3  }
0x26d: {  	[hbm4b:s31+s2] =	stream.linear.scatter [tilespmem:s17], [sflag:$0x2], $0x80, $0x38;
	[tilespmem:$0x18100] =	vst v63  }
0x26e: {  	s17 =	smul.u32 $0xC000, s19  }
0x26f: {  	s18 =	sshll.u32 s30, $0x7  }
0x270: {  	s18 =	sand.u32 $0x380, s18;
	s17 =	sshra.s32 s17, $0x2  }
0x271: {  	s17 =	sor.u32 s18, s17  }
0x272: {  	s20 =	sadd.s32 $0x10, s16;
	s18 =	sadd.s32 $0x100, s17  }
0x273: {  	[hbm4b:s20+s2] =	stream.linear.scatter [tilespmem:s18], [sflag:$0x2], $0x80, $0x38;
	[tilespmem:$0x18100] =	vst v63  }
0x274: {  	s22 =	sadd.s32 $0x90, s16;
	s21 =	sadd.s32 $0x500, s17  }
0x275: {  	[hbm4b:s22+s2] =	stream.linear.scatter [tilespmem:s21], [sflag:$0x2], $0x80, $0x38;
	[tilespmem:$0x18100] =	vst v63  }
0x276: {  	s24 =	sadd.s32 $0x110, s16;
	s23 =	sadd.s32 $0x900, s17  }
0x277: {  	[hbm4b:s24+s2] =	stream.linear.scatter [tilespmem:s23], [sflag:$0x2], $0x80, $0x38;
	[tilespmem:$0x18100] =	vst v63  }
0x278: {  	s26 =	sadd.s32 $0x190, s16;
	s25 =	sadd.s32 $0xD00, s17  }
0x279: {  	[hbm4b:s26+s2] =	stream.linear.scatter [tilespmem:s25], [sflag:$0x2], $0x80, $0x38;
	[tilespmem:$0x18100] =	vst v63  }
0x27a: {  	s29 =	sadd.s32 $0x210, s16;
	s28 =	sadd.s32 $0x1100, s17  }
0x27b: {  	[hbm4b:s29+s2] =	stream.linear.scatter [tilespmem:s28], [sflag:$0x2], $0x80, $0x38;
	[tilespmem:$0x18100] =	vst v63  }
0x27c: {  	s31 =	sadd.s32 $0x290, s16;
	s30 =	sadd.s32 $0x1500, s17  }
0x27d: {  	[hbm4b:s31+s2] =	stream.linear.scatter [tilespmem:s30], [sflag:$0x2], $0x80, $0x38;
	[tilespmem:$0x18100] =	vst v63  }
0x27e: {  	s19 =	sadd.s32 $0x1900, s17;
	s20 =	sadd.s32 $0x310, s16  }
0x27f: {  	[hbm4b:s20+s2] =	stream.linear.scatter [tilespmem:s19], [sflag:$0x2], $0x80, $0x38;
	[tilespmem:$0x18100] =	vst v63  }
0x280: {  	s21 =	sadd.s32 $0x1D00, s17;
	s22 =	sadd.s32 $0x390, s16  }
0x281: {  	[hbm4b:s22+s2] =	stream.linear.scatter [tilespmem:s21], [sflag:$0x2], $0x80, $0x38;
	[tilespmem:$0x18100] =	vst v63  }
0x282: {  	s23 =	sadd.s32 $0x2100, s17;
	s24 =	sadd.s32 $0x410, s16  }
0x283: {  	[hbm4b:s24+s2] =	stream.linear.scatter [tilespmem:s23], [sflag:$0x2], $0x80, $0x38;
	[tilespmem:$0x18100] =	vst v63  }
0x284: {  	s25 =	sadd.s32 $0x2500, s17;
	s26 =	sadd.s32 $0x490, s16;
	s30 =	sld [smem:s15+$0xFFFFFFFA]  }
0x285: {  	[hbm4b:s26+s2] =	stream.linear.scatter [tilespmem:s25], [sflag:$0x2], $0x80, $0x38;
	[tilespmem:$0x18100] =	vst v63  }
0x286: {  	s28 =	sadd.s32 $0x2900, s17;
	s29 =	sadd.s32 $0x510, s16  }
0x287: {  	[hbm4b:s29+s2] =	stream.linear.scatter [tilespmem:s28], [sflag:$0x2], $0x80, $0x38;
	[tilespmem:$0x18100] =	vst v63  }
0x288: {  	s17 =	sadd.s32 $0x2D00, s17;
	s31 =	sadd.s32 $0x590, s16;
	s19 =	sshrl.u32 s30, $0x3  }
0x289: {  	[hbm4b:s31+s2] =	stream.linear.scatter [tilespmem:s17], [sflag:$0x2], $0x80, $0x38;
	[tilespmem:$0x18100] =	vst v63  }
0x28a: {  	s17 =	smul.u32 $0xC000, s19  }
0x28b: {  	s18 =	sshll.u32 s30, $0x7  }
0x28c: {  	s18 =	sand.u32 $0x380, s18;
	s17 =	sshra.s32 s17, $0x2  }
0x28d: {  	s17 =	sor.u32 s18, s17  }
0x28e: {  	s20 =	sadd.s32 $0x20, s16;
	s18 =	sadd.s32 $0x100, s17  }
0x28f: {  	[hbm4b:s20+s2] =	stream.linear.scatter [tilespmem:s18], [sflag:$0x2], $0x80, $0x38;
	[tilespmem:$0x18100] =	vst v63  }
0x290: {  	s22 =	sadd.s32 $0xA0, s16;
	s21 =	sadd.s32 $0x500, s17  }
0x291: {  	[hbm4b:s22+s2] =	stream.linear.scatter [tilespmem:s21], [sflag:$0x2], $0x80, $0x38;
	[tilespmem:$0x18100] =	vst v63  }
0x292: {  	s24 =	sadd.s32 $0x120, s16;
	s23 =	sadd.s32 $0x900, s17  }
0x293: {  	[hbm4b:s24+s2] =	stream.linear.scatter [tilespmem:s23], [sflag:$0x2], $0x80, $0x38;
	[tilespmem:$0x18100] =	vst v63  }
0x294: {  	s26 =	sadd.s32 $0x1A0, s16;
	s25 =	sadd.s32 $0xD00, s17  }
0x295: {  	[hbm4b:s26+s2] =	stream.linear.scatter [tilespmem:s25], [sflag:$0x2], $0x80, $0x38;
	[tilespmem:$0x18100] =	vst v63  }
0x296: {  	s29 =	sadd.s32 $0x220, s16;
	s28 =	sadd.s32 $0x1100, s17  }
0x297: {  	[hbm4b:s29+s2] =	stream.linear.scatter [tilespmem:s28], [sflag:$0x2], $0x80, $0x38;
	[tilespmem:$0x18100] =	vst v63  }
0x298: {  	s31 =	sadd.s32 $0x2A0, s16;
	s30 =	sadd.s32 $0x1500, s17  }
0x299: {  	[hbm4b:s31+s2] =	stream.linear.scatter [tilespmem:s30], [sflag:$0x2], $0x80, $0x38;
	[tilespmem:$0x18100] =	vst v63  }
0x29a: {  	s19 =	sadd.s32 $0x1900, s17;
	s20 =	sadd.s32 $0x320, s16  }
0x29b: {  	[hbm4b:s20+s2] =	stream.linear.scatter [tilespmem:s19], [sflag:$0x2], $0x80, $0x38;
	[tilespmem:$0x18100] =	vst v63  }
0x29c: {  	s21 =	sadd.s32 $0x1D00, s17;
	s22 =	sadd.s32 $0x3A0, s16  }
0x29d: {  	[hbm4b:s22+s2] =	stream.linear.scatter [tilespmem:s21], [sflag:$0x2], $0x80, $0x38;
	[tilespmem:$0x18100] =	vst v63  }
0x29e: {  	s23 =	sadd.s32 $0x2100, s17;
	s24 =	sadd.s32 $0x420, s16  }
0x29f: {  	[hbm4b:s24+s2] =	stream.linear.scatter [tilespmem:s23], [sflag:$0x2], $0x80, $0x38;
	[tilespmem:$0x18100] =	vst v63  }
0x2a0: {  	s25 =	sadd.s32 $0x2500, s17;
	s26 =	sadd.s32 $0x4A0, s16;
	s30 =	sld [smem:s15+$0xFFFFFFFB]  }
0x2a1: {  	[hbm4b:s26+s2] =	stream.linear.scatter [tilespmem:s25], [sflag:$0x2], $0x80, $0x38;
	[tilespmem:$0x18100] =	vst v63  }
0x2a2: {  	s28 =	sadd.s32 $0x2900, s17;
	s29 =	sadd.s32 $0x520, s16  }
0x2a3: {  	[hbm4b:s29+s2] =	stream.linear.scatter [tilespmem:s28], [sflag:$0x2], $0x80, $0x38;
	[tilespmem:$0x18100] =	vst v63  }
0x2a4: {  	s17 =	sadd.s32 $0x2D00, s17;
	s31 =	sadd.s32 $0x5A0, s16;
	s19 =	sshrl.u32 s30, $0x3  }
0x2a5: {  	[hbm4b:s31+s2] =	stream.linear.scatter [tilespmem:s17], [sflag:$0x2], $0x80, $0x38;
	[tilespmem:$0x18100] =	vst v63  }
0x2a6: {  	s17 =	smul.u32 $0xC000, s19  }
0x2a7: {  	s18 =	sshll.u32 s30, $0x7  }
0x2a8: {  	s18 =	sand.u32 $0x380, s18;
	s17 =	sshra.s32 s17, $0x2  }
0x2a9: {  	s17 =	sor.u32 s18, s17  }
0x2aa: {  	s20 =	sadd.s32 $0x30, s16;
	s18 =	sadd.s32 $0x100, s17  }
0x2ab: {  	[hbm4b:s20+s2] =	stream.linear.scatter [tilespmem:s18], [sflag:$0x2], $0x80, $0x38;
	[tilespmem:$0x18100] =	vst v63  }
0x2ac: {  	s22 =	sadd.s32 $0xB0, s16;
	s21 =	sadd.s32 $0x500, s17  }
0x2ad: {  	[hbm4b:s22+s2] =	stream.linear.scatter [tilespmem:s21], [sflag:$0x2], $0x80, $0x38;
	[tilespmem:$0x18100] =	vst v63  }
0x2ae: {  	s24 =	sadd.s32 $0x130, s16;
	s23 =	sadd.s32 $0x900, s17  }
0x2af: {  	[hbm4b:s24+s2] =	stream.linear.scatter [tilespmem:s23], [sflag:$0x2], $0x80, $0x38;
	[tilespmem:$0x18100] =	vst v63  }
0x2b0: {  	s26 =	sadd.s32 $0x1B0, s16;
	s25 =	sadd.s32 $0xD00, s17  }
0x2b1: {  	[hbm4b:s26+s2] =	stream.linear.scatter [tilespmem:s25], [sflag:$0x2], $0x80, $0x38;
	[tilespmem:$0x18100] =	vst v63  }
0x2b2: {  	s29 =	sadd.s32 $0x230, s16;
	s28 =	sadd.s32 $0x1100, s17  }
0x2b3: {  	[hbm4b:s29+s2] =	stream.linear.scatter [tilespmem:s28], [sflag:$0x2], $0x80, $0x38;
	[tilespmem:$0x18100] =	vst v63  }
0x2b4: {  	s31 =	sadd.s32 $0x2B0, s16;
	s30 =	sadd.s32 $0x1500, s17  }
0x2b5: {  	[hbm4b:s31+s2] =	stream.linear.scatter [tilespmem:s30], [sflag:$0x2], $0x80, $0x38;
	[tilespmem:$0x18100] =	vst v63  }
0x2b6: {  	s19 =	sadd.s32 $0x1900, s17;
	s20 =	sadd.s32 $0x330, s16  }
0x2b7: {  	[hbm4b:s20+s2] =	stream.linear.scatter [tilespmem:s19], [sflag:$0x2], $0x80, $0x38;
	[tilespmem:$0x18100] =	vst v63  }
0x2b8: {  	s21 =	sadd.s32 $0x1D00, s17;
	s22 =	sadd.s32 $0x3B0, s16  }
0x2b9: {  	[hbm4b:s22+s2] =	stream.linear.scatter [tilespmem:s21], [sflag:$0x2], $0x80, $0x38;
	[tilespmem:$0x18100] =	vst v63  }
0x2ba: {  	s23 =	sadd.s32 $0x2100, s17;
	s24 =	sadd.s32 $0x430, s16  }
0x2bb: {  	[hbm4b:s24+s2] =	stream.linear.scatter [tilespmem:s23], [sflag:$0x2], $0x80, $0x38;
	[tilespmem:$0x18100] =	vst v63  }
0x2bc: {  	s25 =	sadd.s32 $0x2500, s17;
	s26 =	sadd.s32 $0x4B0, s16;
	s30 =	sld [smem:s15+$0xFFFFFFFC]  }
0x2bd: {  	[hbm4b:s26+s2] =	stream.linear.scatter [tilespmem:s25], [sflag:$0x2], $0x80, $0x38;
	[tilespmem:$0x18100] =	vst v63  }
0x2be: {  	s28 =	sadd.s32 $0x2900, s17;
	s29 =	sadd.s32 $0x530, s16  }
0x2bf: {  	[hbm4b:s29+s2] =	stream.linear.scatter [tilespmem:s28], [sflag:$0x2], $0x80, $0x38;
	[tilespmem:$0x18100] =	vst v63  }
0x2c0: {  	s17 =	sadd.s32 $0x2D00, s17;
	s31 =	sadd.s32 $0x5B0, s16;
	s19 =	sshrl.u32 s30, $0x3  }
0x2c1: {  	[hbm4b:s31+s2] =	stream.linear.scatter [tilespmem:s17], [sflag:$0x2], $0x80, $0x38;
	[tilespmem:$0x18100] =	vst v63  }
0x2c2: {  	s17 =	smul.u32 $0xC000, s19  }
0x2c3: {  	s18 =	sshll.u32 s30, $0x7  }
0x2c4: {  	s18 =	sand.u32 $0x380, s18;
	s17 =	sshra.s32 s17, $0x2  }
0x2c5: {  	s17 =	sor.u32 s18, s17  }
0x2c6: {  	s20 =	sadd.s32 $0x40, s16;
	s18 =	sadd.s32 $0x100, s17  }
0x2c7: {  	[hbm4b:s20+s2] =	stream.linear.scatter [tilespmem:s18], [sflag:$0x2], $0x80, $0x38;
	[tilespmem:$0x18100] =	vst v63  }
0x2c8: {  	s22 =	sadd.s32 $0xC0, s16;
	s21 =	sadd.s32 $0x500, s17  }
0x2c9: {  	[hbm4b:s22+s2] =	stream.linear.scatter [tilespmem:s21], [sflag:$0x2], $0x80, $0x38;
	[tilespmem:$0x18100] =	vst v63  }
0x2ca: {  	s24 =	sadd.s32 $0x140, s16;
	s23 =	sadd.s32 $0x900, s17  }
0x2cb: {  	[hbm4b:s24+s2] =	stream.linear.scatter [tilespmem:s23], [sflag:$0x2], $0x80, $0x38;
	[tilespmem:$0x18100] =	vst v63  }
0x2cc: {  	s26 =	sadd.s32 $0x1C0, s16;
	s25 =	sadd.s32 $0xD00, s17  }
0x2cd: {  	[hbm4b:s26+s2] =	stream.linear.scatter [tilespmem:s25], [sflag:$0x2], $0x80, $0x38;
	[tilespmem:$0x18100] =	vst v63  }
0x2ce: {  	s29 =	sadd.s32 $0x240, s16;
	s28 =	sadd.s32 $0x1100, s17  }
0x2cf: {  	[hbm4b:s29+s2] =	stream.linear.scatter [tilespmem:s28], [sflag:$0x2], $0x80, $0x38;
	[tilespmem:$0x18100] =	vst v63  }
0x2d0: {  	s31 =	sadd.s32 $0x2C0, s16;
	s30 =	sadd.s32 $0x1500, s17  }
0x2d1: {  	[hbm4b:s31+s2] =	stream.linear.scatter [tilespmem:s30], [sflag:$0x2], $0x80, $0x38;
	[tilespmem:$0x18100] =	vst v63  }
0x2d2: {  	s19 =	sadd.s32 $0x1900, s17;
	s20 =	sadd.s32 $0x340, s16  }
0x2d3: {  	[hbm4b:s20+s2] =	stream.linear.scatter [tilespmem:s19], [sflag:$0x2], $0x80, $0x38;
	[tilespmem:$0x18100] =	vst v63  }
0x2d4: {  	s21 =	sadd.s32 $0x1D00, s17;
	s22 =	sadd.s32 $0x3C0, s16  }
0x2d5: {  	[hbm4b:s22+s2] =	stream.linear.scatter [tilespmem:s21], [sflag:$0x2], $0x80, $0x38;
	[tilespmem:$0x18100] =	vst v63  }
0x2d6: {  	s23 =	sadd.s32 $0x2100, s17;
	s24 =	sadd.s32 $0x440, s16  }
0x2d7: {  	[hbm4b:s24+s2] =	stream.linear.scatter [tilespmem:s23], [sflag:$0x2], $0x80, $0x38;
	[tilespmem:$0x18100] =	vst v63  }
0x2d8: {  	s25 =	sadd.s32 $0x2500, s17;
	s26 =	sadd.s32 $0x4C0, s16;
	s30 =	sld [smem:s15+$0xFFFFFFFD]  }
0x2d9: {  	[hbm4b:s26+s2] =	stream.linear.scatter [tilespmem:s25], [sflag:$0x2], $0x80, $0x38;
	[tilespmem:$0x18100] =	vst v63  }
0x2da: {  	s28 =	sadd.s32 $0x2900, s17;
	s29 =	sadd.s32 $0x540, s16  }
0x2db: {  	[hbm4b:s29+s2] =	stream.linear.scatter [tilespmem:s28], [sflag:$0x2], $0x80, $0x38;
	[tilespmem:$0x18100] =	vst v63  }
0x2dc: {  	s17 =	sadd.s32 $0x2D00, s17;
	s31 =	sadd.s32 $0x5C0, s16;
	s19 =	sshrl.u32 s30, $0x3  }
0x2dd: {  	[hbm4b:s31+s2] =	stream.linear.scatter [tilespmem:s17], [sflag:$0x2], $0x80, $0x38;
	[tilespmem:$0x18100] =	vst v63  }
0x2de: {  	s17 =	smul.u32 $0xC000, s19  }
0x2df: {  	s18 =	sshll.u32 s30, $0x7  }
0x2e0: {  	s18 =	sand.u32 $0x380, s18;
	s17 =	sshra.s32 s17, $0x2  }
0x2e1: {  	s17 =	sor.u32 s18, s17  }
0x2e2: {  	s20 =	sadd.s32 $0x50, s16;
	s18 =	sadd.s32 $0x100, s17  }
0x2e3: {  	[hbm4b:s20+s2] =	stream.linear.scatter [tilespmem:s18], [sflag:$0x2], $0x80, $0x38;
	[tilespmem:$0x18100] =	vst v63  }
0x2e4: {  	s22 =	sadd.s32 $0xD0, s16;
	s21 =	sadd.s32 $0x500, s17  }
0x2e5: {  	[hbm4b:s22+s2] =	stream.linear.scatter [tilespmem:s21], [sflag:$0x2], $0x80, $0x38;
	[tilespmem:$0x18100] =	vst v63  }
0x2e6: {  	s24 =	sadd.s32 $0x150, s16;
	s23 =	sadd.s32 $0x900, s17  }
0x2e7: {  	[hbm4b:s24+s2] =	stream.linear.scatter [tilespmem:s23], [sflag:$0x2], $0x80, $0x38;
	[tilespmem:$0x18100] =	vst v63  }
0x2e8: {  	s26 =	sadd.s32 $0x1D0, s16;
	s25 =	sadd.s32 $0xD00, s17  }
0x2e9: {  	[hbm4b:s26+s2] =	stream.linear.scatter [tilespmem:s25], [sflag:$0x2], $0x80, $0x38;
	[tilespmem:$0x18100] =	vst v63  }
0x2ea: {  	s29 =	sadd.s32 $0x250, s16;
	s28 =	sadd.s32 $0x1100, s17  }
0x2eb: {  	[hbm4b:s29+s2] =	stream.linear.scatter [tilespmem:s28], [sflag:$0x2], $0x80, $0x38;
	[tilespmem:$0x18100] =	vst v63  }
0x2ec: {  	s31 =	sadd.s32 $0x2D0, s16;
	s30 =	sadd.s32 $0x1500, s17  }
0x2ed: {  	[hbm4b:s31+s2] =	stream.linear.scatter [tilespmem:s30], [sflag:$0x2], $0x80, $0x38;
	[tilespmem:$0x18100] =	vst v63  }
0x2ee: {  	s19 =	sadd.s32 $0x1900, s17;
	s20 =	sadd.s32 $0x350, s16  }
0x2ef: {  	[hbm4b:s20+s2] =	stream.linear.scatter [tilespmem:s19], [sflag:$0x2], $0x80, $0x38;
	[tilespmem:$0x18100] =	vst v63  }
0x2f0: {  	s21 =	sadd.s32 $0x1D00, s17;
	s22 =	sadd.s32 $0x3D0, s16  }
0x2f1: {  	[hbm4b:s22+s2] =	stream.linear.scatter [tilespmem:s21], [sflag:$0x2], $0x80, $0x38;
	[tilespmem:$0x18100] =	vst v63  }
0x2f2: {  	s23 =	sadd.s32 $0x2100, s17;
	s24 =	sadd.s32 $0x450, s16  }
0x2f3: {  	[hbm4b:s24+s2] =	stream.linear.scatter [tilespmem:s23], [sflag:$0x2], $0x80, $0x38;
	[tilespmem:$0x18100] =	vst v63  }
0x2f4: {  	s25 =	sadd.s32 $0x2500, s17;
	s26 =	sadd.s32 $0x4D0, s16;
	s30 =	sld [smem:s15+$0xFFFFFFFE]  }
0x2f5: {  	[hbm4b:s26+s2] =	stream.linear.scatter [tilespmem:s25], [sflag:$0x2], $0x80, $0x38;
	[tilespmem:$0x18100] =	vst v63  }
0x2f6: {  	s28 =	sadd.s32 $0x2900, s17;
	s29 =	sadd.s32 $0x550, s16  }
0x2f7: {  	[hbm4b:s29+s2] =	stream.linear.scatter [tilespmem:s28], [sflag:$0x2], $0x80, $0x38;
	[tilespmem:$0x18100] =	vst v63  }
0x2f8: {  	s17 =	sadd.s32 $0x2D00, s17;
	s31 =	sadd.s32 $0x5D0, s16;
	s19 =	sshrl.u32 s30, $0x3  }
0x2f9: {  	[hbm4b:s31+s2] =	stream.linear.scatter [tilespmem:s17], [sflag:$0x2], $0x80, $0x38;
	[tilespmem:$0x18100] =	vst v63  }
0x2fa: {  	s17 =	smul.u32 $0xC000, s19  }
0x2fb: {  	s18 =	sshll.u32 s30, $0x7  }
0x2fc: {  	s18 =	sand.u32 $0x380, s18;
	s17 =	sshra.s32 s17, $0x2  }
0x2fd: {  	s17 =	sor.u32 s18, s17  }
0x2fe: {  	s20 =	sadd.s32 $0x60, s16;
	s18 =	sadd.s32 $0x100, s17  }
0x2ff: {  	[hbm4b:s20+s2] =	stream.linear.scatter [tilespmem:s18], [sflag:$0x2], $0x80, $0x38;
	[tilespmem:$0x18100] =	vst v63  }
0x300: {  	s22 =	sadd.s32 $0xE0, s16;
	s21 =	sadd.s32 $0x500, s17  }
0x301: {  	[hbm4b:s22+s2] =	stream.linear.scatter [tilespmem:s21], [sflag:$0x2], $0x80, $0x38;
	[tilespmem:$0x18100] =	vst v63  }
0x302: {  	s24 =	sadd.s32 $0x160, s16;
	s23 =	sadd.s32 $0x900, s17  }
0x303: {  	[hbm4b:s24+s2] =	stream.linear.scatter [tilespmem:s23], [sflag:$0x2], $0x80, $0x38;
	[tilespmem:$0x18100] =	vst v63  }
0x304: {  	s26 =	sadd.s32 $0x1E0, s16;
	s25 =	sadd.s32 $0xD00, s17  }
0x305: {  	[hbm4b:s26+s2] =	stream.linear.scatter [tilespmem:s25], [sflag:$0x2], $0x80, $0x38;
	[tilespmem:$0x18100] =	vst v63  }
0x306: {  	s29 =	sadd.s32 $0x260, s16;
	s28 =	sadd.s32 $0x1100, s17  }
0x307: {  	[hbm4b:s29+s2] =	stream.linear.scatter [tilespmem:s28], [sflag:$0x2], $0x80, $0x38;
	[tilespmem:$0x18100] =	vst v63  }
0x308: {  	s31 =	sadd.s32 $0x2E0, s16;
	s30 =	sadd.s32 $0x1500, s17  }
0x309: {  	[hbm4b:s31+s2] =	stream.linear.scatter [tilespmem:s30], [sflag:$0x2], $0x80, $0x38;
	[tilespmem:$0x18100] =	vst v63  }
0x30a: {  	s19 =	sadd.s32 $0x1900, s17;
	s20 =	sadd.s32 $0x360, s16  }
0x30b: {  	[hbm4b:s20+s2] =	stream.linear.scatter [tilespmem:s19], [sflag:$0x2], $0x80, $0x38;
	[tilespmem:$0x18100] =	vst v63  }
0x30c: {  	s21 =	sadd.s32 $0x1D00, s17;
	s22 =	sadd.s32 $0x3E0, s16  }
0x30d: {  	[hbm4b:s22+s2] =	stream.linear.scatter [tilespmem:s21], [sflag:$0x2], $0x80, $0x38;
	[tilespmem:$0x18100] =	vst v63  }
0x30e: {  	s23 =	sadd.s32 $0x2100, s17;
	s24 =	sadd.s32 $0x460, s16  }
0x30f: {  	[hbm4b:s24+s2] =	stream.linear.scatter [tilespmem:s23], [sflag:$0x2], $0x80, $0x38;
	[tilespmem:$0x18100] =	vst v63  }
0x310: {  	s25 =	sadd.s32 $0x2500, s17;
	s26 =	sadd.s32 $0x4E0, s16;
	s30 =	sld [smem:s15+$0xFFFFFFFF]  }
0x311: {  	[hbm4b:s26+s2] =	stream.linear.scatter [tilespmem:s25], [sflag:$0x2], $0x80, $0x38;
	[tilespmem:$0x18100] =	vst v63  }
0x312: {  	s28 =	sadd.s32 $0x2900, s17;
	s29 =	sadd.s32 $0x560, s16  }
0x313: {  	[hbm4b:s29+s2] =	stream.linear.scatter [tilespmem:s28], [sflag:$0x2], $0x80, $0x38;
	[tilespmem:$0x18100] =	vst v63  }
0x314: {  	s17 =	sadd.s32 $0x2D00, s17;
	s31 =	sadd.s32 $0x5E0, s16;
	s19 =	sshrl.u32 s30, $0x3  }
0x315: {  	[hbm4b:s31+s2] =	stream.linear.scatter [tilespmem:s17], [sflag:$0x2], $0x80, $0x38;
	[tilespmem:$0x18100] =	vst v63  }
0x316: {  	s17 =	smul.u32 $0xC000, s19  }
0x317: {  	s18 =	sshll.u32 s30, $0x7  }
0x318: {  	s18 =	sand.u32 $0x380, s18;
	s17 =	sshra.s32 s17, $0x2  }
0x319: {  	s17 =	sor.u32 s18, s17  }
0x31a: {  	s20 =	sadd.s32 $0x70, s16;
	s18 =	sadd.s32 $0x100, s17  }
0x31b: {  	[hbm4b:s20+s2] =	stream.linear.scatter [tilespmem:s18], [sflag:$0x2], $0x80, $0x38;
	[tilespmem:$0x18100] =	vst v63  }
0x31c: {  	s22 =	sadd.s32 $0xF0, s16;
	s21 =	sadd.s32 $0x500, s17  }
0x31d: {  	[hbm4b:s22+s2] =	stream.linear.scatter [tilespmem:s21], [sflag:$0x2], $0x80, $0x38;
	[tilespmem:$0x18100] =	vst v63  }
0x31e: {  	s24 =	sadd.s32 $0x170, s16;
	s23 =	sadd.s32 $0x900, s17  }
0x31f: {  	[hbm4b:s24+s2] =	stream.linear.scatter [tilespmem:s23], [sflag:$0x2], $0x80, $0x38;
	[tilespmem:$0x18100] =	vst v63  }
0x320: {  	s26 =	sadd.s32 $0x1F0, s16;
	s25 =	sadd.s32 $0xD00, s17  }
0x321: {  	[hbm4b:s26+s2] =	stream.linear.scatter [tilespmem:s25], [sflag:$0x2], $0x80, $0x38;
	[tilespmem:$0x18100] =	vst v63  }
0x322: {  	s29 =	sadd.s32 $0x270, s16;
	s28 =	sadd.s32 $0x1100, s17  }
0x323: {  	[hbm4b:s29+s2] =	stream.linear.scatter [tilespmem:s28], [sflag:$0x2], $0x80, $0x38;
	[tilespmem:$0x18100] =	vst v63  }
0x324: {  	s31 =	sadd.s32 $0x2F0, s16;
	s30 =	sadd.s32 $0x1500, s17  }
0x325: {  	[hbm4b:s31+s2] =	stream.linear.scatter [tilespmem:s30], [sflag:$0x2], $0x80, $0x38;
	[tilespmem:$0x18100] =	vst v63  }
0x326: {  	s20 =	sadd.s32 $0x1900, s17;
	s21 =	sadd.s32 $0x370, s16  }
0x327: {  	[hbm4b:s21+s2] =	stream.linear.scatter [tilespmem:s20], [sflag:$0x2], $0x80, $0x38;
	[tilespmem:$0x18100] =	vst v63  }
0x328: {  	s22 =	sadd.s32 $0x1D00, s17;
	s23 =	sadd.s32 $0x3F0, s16  }
0x329: {  	[hbm4b:s23+s2] =	stream.linear.scatter [tilespmem:s22], [sflag:$0x2], $0x80, $0x38;
	[tilespmem:$0x18100] =	vst v63  }
0x32a: {  	s24 =	sadd.s32 $0x2100, s17;
	s25 =	sadd.s32 $0x470, s16  }
0x32b: {  	[hbm4b:s25+s2] =	stream.linear.scatter [tilespmem:s24], [sflag:$0x2], $0x80, $0x38;
	[tilespmem:$0x18100] =	vst v63  }
0x32c: {  	s26 =	sadd.s32 $0x2500, s17;
	s28 =	sadd.s32 $0x4F0, s16  }
0x32d: {  	[hbm4b:s28+s2] =	stream.linear.scatter [tilespmem:s26], [sflag:$0x2], $0x80, $0x38;
	[tilespmem:$0x18100] =	vst v63  }
0x32e: {  	s29 =	sadd.s32 $0x2900, s17;
	s30 =	sadd.s32 $0x570, s16;
	s31 =	sld [smem:s15+$0x0]  }
0x32f: {  	[hbm4b:s30+s2] =	stream.linear.scatter [tilespmem:s29], [sflag:$0x2], $0x80, $0x38;
	[tilespmem:$0x18100] =	vst v63  }
0x330: {  	s17 =	sadd.s32 $0x2D00, s17;
	s16 =	sadd.s32 $0x5F0, s16  }
0x331: {  	[hbm4b:s16+s2] =	stream.linear.scatter [tilespmem:s17], [sflag:$0x2], $0x80, $0x38;
	[tilespmem:$0x18100] =	vst v63  }
0x332: {  	s17 =	sshrl.u32 s31, $0x3  }
0x333: {  	s16 =	smul.u32 $0xC000, s17  }
0x334: {  	s18 =	sshll.u32 s31, $0x7  }
0x335: {  	s17 =	sand.u32 $0x380, s18;
	s16 =	sshra.s32 s16, $0x2  }
0x336: {  	s19 =	rddreg [dreg:$0x7];
	s17 =	sor.u32 s17, s16  }
0x337: {  	s16 =	sadd.s32 s14, s19;
	s20 =	sadd.s32 $0x100, s17  }
0x338: {  	[hbm4b:s16+s2] =	stream.linear.scatter [tilespmem:s20], [sflag:$0x2], $0x80, $0x38;
	[tilespmem:$0x18100] =	vst v63  }
0x339: {  	s21 =	sadd.s32 $0x500, s17;
	s22 =	sadd.s32 $0x80, s16  }
0x33a: {  	[hbm4b:s22+s2] =	stream.linear.scatter [tilespmem:s21], [sflag:$0x2], $0x80, $0x38;
	[tilespmem:$0x18100] =	vst v63  }
0x33b: {  	s23 =	sadd.s32 $0x900, s17;
	s24 =	sadd.s32 $0x100, s16  }
0x33c: {  	[hbm4b:s24+s2] =	stream.linear.scatter [tilespmem:s23], [sflag:$0x2], $0x80, $0x38;
	[tilespmem:$0x18100] =	vst v63  }
0x33d: {  	s25 =	sadd.s32 $0xD00, s17;
	s26 =	sadd.s32 $0x180, s16  }
0x33e: {  	[hbm4b:s26+s2] =	stream.linear.scatter [tilespmem:s25], [sflag:$0x2], $0x80, $0x38;
	[tilespmem:$0x18100] =	vst v63  }
0x33f: {  	s28 =	sadd.s32 $0x1100, s17;
	s29 =	sadd.s32 $0x200, s16  }
0x340: {  	[hbm4b:s29+s2] =	stream.linear.scatter [tilespmem:s28], [sflag:$0x2], $0x80, $0x38;
	[tilespmem:$0x18100] =	vst v63  }
0x341: {  	s30 =	sadd.s32 $0x1500, s17;
	s31 =	sadd.s32 $0x280, s16  }
0x342: {  	[hbm4b:s31+s2] =	stream.linear.scatter [tilespmem:s30], [sflag:$0x2], $0x80, $0x38;
	[tilespmem:$0x18100] =	vst v63  }
0x343: {  	s19 =	sadd.s32 $0x1900, s17;
	s20 =	sadd.s32 $0x300, s16  }
0x344: {  	[hbm4b:s20+s2] =	stream.linear.scatter [tilespmem:s19], [sflag:$0x2], $0x80, $0x38;
	[tilespmem:$0x18100] =	vst v63  }
0x345: {  	s21 =	sadd.s32 $0x1D00, s17;
	s22 =	sadd.s32 $0x380, s16  }
0x346: {  	[hbm4b:s22+s2] =	stream.linear.scatter [tilespmem:s21], [sflag:$0x2], $0x80, $0x38;
	[tilespmem:$0x18100] =	vst v63  }
0x347: {  	s23 =	sadd.s32 $0x2100, s17;
	s24 =	sadd.s32 $0x400, s16  }
0x348: {  	[hbm4b:s24+s2] =	stream.linear.scatter [tilespmem:s23], [sflag:$0x2], $0x80, $0x38;
	[tilespmem:$0x18100] =	vst v63  }
0x349: {  	s25 =	sadd.s32 $0x2500, s17;
	s26 =	sadd.s32 $0x480, s16;
	s30 =	sld [smem:s15+$0x1]  }
0x34a: {  	[hbm4b:s26+s2] =	stream.linear.scatter [tilespmem:s25], [sflag:$0x2], $0x80, $0x38;
	[tilespmem:$0x18100] =	vst v63  }
0x34b: {  	s28 =	sadd.s32 $0x2900, s17;
	s29 =	sadd.s32 $0x500, s16  }
0x34c: {  	[hbm4b:s29+s2] =	stream.linear.scatter [tilespmem:s28], [sflag:$0x2], $0x80, $0x38;
	[tilespmem:$0x18100] =	vst v63  }
0x34d: {  	s17 =	sadd.s32 $0x2D00, s17;
	s31 =	sadd.s32 $0x580, s16;
	s19 =	sshrl.u32 s30, $0x3  }
0x34e: {  	[hbm4b:s31+s2] =	stream.linear.scatter [tilespmem:s17], [sflag:$0x2], $0x80, $0x38;
	[tilespmem:$0x18100] =	vst v63  }
0x34f: {  	s17 =	smul.u32 $0xC000, s19  }
0x350: {  	s18 =	sshll.u32 s30, $0x7  }
0x351: {  	s18 =	sand.u32 $0x380, s18;
	s17 =	sshra.s32 s17, $0x2  }
0x352: {  	s17 =	sor.u32 s18, s17  }
0x353: {  	s20 =	sadd.s32 $0x10, s16;
	s18 =	sadd.s32 $0x100, s17  }
0x354: {  	[hbm4b:s20+s2] =	stream.linear.scatter [tilespmem:s18], [sflag:$0x2], $0x80, $0x38;
	[tilespmem:$0x18100] =	vst v63  }
0x355: {  	s22 =	sadd.s32 $0x90, s16;
	s21 =	sadd.s32 $0x500, s17  }
0x356: {  	[hbm4b:s22+s2] =	stream.linear.scatter [tilespmem:s21], [sflag:$0x2], $0x80, $0x38;
	[tilespmem:$0x18100] =	vst v63  }
0x357: {  	s24 =	sadd.s32 $0x110, s16;
	s23 =	sadd.s32 $0x900, s17  }
0x358: {  	[hbm4b:s24+s2] =	stream.linear.scatter [tilespmem:s23], [sflag:$0x2], $0x80, $0x38;
	[tilespmem:$0x18100] =	vst v63  }
0x359: {  	s26 =	sadd.s32 $0x190, s16;
	s25 =	sadd.s32 $0xD00, s17  }
0x35a: {  	[hbm4b:s26+s2] =	stream.linear.scatter [tilespmem:s25], [sflag:$0x2], $0x80, $0x38;
	[tilespmem:$0x18100] =	vst v63  }
0x35b: {  	s29 =	sadd.s32 $0x210, s16;
	s28 =	sadd.s32 $0x1100, s17  }
0x35c: {  	[hbm4b:s29+s2] =	stream.linear.scatter [tilespmem:s28], [sflag:$0x2], $0x80, $0x38;
	[tilespmem:$0x18100] =	vst v63  }
0x35d: {  	s31 =	sadd.s32 $0x290, s16;
	s30 =	sadd.s32 $0x1500, s17  }
0x35e: {  	[hbm4b:s31+s2] =	stream.linear.scatter [tilespmem:s30], [sflag:$0x2], $0x80, $0x38;
	[tilespmem:$0x18100] =	vst v63  }
0x35f: {  	s19 =	sadd.s32 $0x1900, s17;
	s20 =	sadd.s32 $0x310, s16  }
0x360: {  	[hbm4b:s20+s2] =	stream.linear.scatter [tilespmem:s19], [sflag:$0x2], $0x80, $0x38;
	[tilespmem:$0x18100] =	vst v63  }
0x361: {  	s21 =	sadd.s32 $0x1D00, s17;
	s22 =	sadd.s32 $0x390, s16  }
0x362: {  	[hbm4b:s22+s2] =	stream.linear.scatter [tilespmem:s21], [sflag:$0x2], $0x80, $0x38;
	[tilespmem:$0x18100] =	vst v63  }
0x363: {  	s23 =	sadd.s32 $0x2100, s17;
	s24 =	sadd.s32 $0x410, s16  }
0x364: {  	[hbm4b:s24+s2] =	stream.linear.scatter [tilespmem:s23], [sflag:$0x2], $0x80, $0x38;
	[tilespmem:$0x18100] =	vst v63  }
0x365: {  	s25 =	sadd.s32 $0x2500, s17;
	s26 =	sadd.s32 $0x490, s16;
	s30 =	sld [smem:s15+$0x2]  }
0x366: {  	[hbm4b:s26+s2] =	stream.linear.scatter [tilespmem:s25], [sflag:$0x2], $0x80, $0x38;
	[tilespmem:$0x18100] =	vst v63  }
0x367: {  	s28 =	sadd.s32 $0x2900, s17;
	s29 =	sadd.s32 $0x510, s16  }
0x368: {  	[hbm4b:s29+s2] =	stream.linear.scatter [tilespmem:s28], [sflag:$0x2], $0x80, $0x38;
	[tilespmem:$0x18100] =	vst v63  }
0x369: {  	s17 =	sadd.s32 $0x2D00, s17;
	s31 =	sadd.s32 $0x590, s16;
	s19 =	sshrl.u32 s30, $0x3  }
0x36a: {  	[hbm4b:s31+s2] =	stream.linear.scatter [tilespmem:s17], [sflag:$0x2], $0x80, $0x38;
	[tilespmem:$0x18100] =	vst v63  }
0x36b: {  	s17 =	smul.u32 $0xC000, s19  }
0x36c: {  	s18 =	sshll.u32 s30, $0x7  }
0x36d: {  	s18 =	sand.u32 $0x380, s18;
	s17 =	sshra.s32 s17, $0x2  }
0x36e: {  	s17 =	sor.u32 s18, s17  }
0x36f: {  	s20 =	sadd.s32 $0x20, s16;
	s18 =	sadd.s32 $0x100, s17  }
0x370: {  	[hbm4b:s20+s2] =	stream.linear.scatter [tilespmem:s18], [sflag:$0x2], $0x80, $0x38;
	[tilespmem:$0x18100] =	vst v63  }
0x371: {  	s22 =	sadd.s32 $0xA0, s16;
	s21 =	sadd.s32 $0x500, s17  }
0x372: {  	[hbm4b:s22+s2] =	stream.linear.scatter [tilespmem:s21], [sflag:$0x2], $0x80, $0x38;
	[tilespmem:$0x18100] =	vst v63  }
0x373: {  	s24 =	sadd.s32 $0x120, s16;
	s23 =	sadd.s32 $0x900, s17  }
0x374: {  	[hbm4b:s24+s2] =	stream.linear.scatter [tilespmem:s23], [sflag:$0x2], $0x80, $0x38;
	[tilespmem:$0x18100] =	vst v63  }
0x375: {  	s26 =	sadd.s32 $0x1A0, s16;
	s25 =	sadd.s32 $0xD00, s17  }
0x376: {  	[hbm4b:s26+s2] =	stream.linear.scatter [tilespmem:s25], [sflag:$0x2], $0x80, $0x38;
	[tilespmem:$0x18100] =	vst v63  }
0x377: {  	s29 =	sadd.s32 $0x220, s16;
	s28 =	sadd.s32 $0x1100, s17  }
0x378: {  	[hbm4b:s29+s2] =	stream.linear.scatter [tilespmem:s28], [sflag:$0x2], $0x80, $0x38;
	[tilespmem:$0x18100] =	vst v63  }
0x379: {  	s31 =	sadd.s32 $0x2A0, s16;
	s30 =	sadd.s32 $0x1500, s17  }
0x37a: {  	[hbm4b:s31+s2] =	stream.linear.scatter [tilespmem:s30], [sflag:$0x2], $0x80, $0x38;
	[tilespmem:$0x18100] =	vst v63  }
0x37b: {  	s19 =	sadd.s32 $0x1900, s17;
	s20 =	sadd.s32 $0x320, s16  }
0x37c: {  	[hbm4b:s20+s2] =	stream.linear.scatter [tilespmem:s19], [sflag:$0x2], $0x80, $0x38;
	[tilespmem:$0x18100] =	vst v63  }
0x37d: {  	s21 =	sadd.s32 $0x1D00, s17;
	s22 =	sadd.s32 $0x3A0, s16  }
0x37e: {  	[hbm4b:s22+s2] =	stream.linear.scatter [tilespmem:s21], [sflag:$0x2], $0x80, $0x38;
	[tilespmem:$0x18100] =	vst v63  }
0x37f: {  	s23 =	sadd.s32 $0x2100, s17;
	s24 =	sadd.s32 $0x420, s16  }
0x380: {  	[hbm4b:s24+s2] =	stream.linear.scatter [tilespmem:s23], [sflag:$0x2], $0x80, $0x38;
	[tilespmem:$0x18100] =	vst v63  }
0x381: {  	s25 =	sadd.s32 $0x2500, s17;
	s26 =	sadd.s32 $0x4A0, s16;
	s30 =	sld [smem:s15+$0x3]  }
0x382: {  	[hbm4b:s26+s2] =	stream.linear.scatter [tilespmem:s25], [sflag:$0x2], $0x80, $0x38;
	[tilespmem:$0x18100] =	vst v63  }
0x383: {  	s28 =	sadd.s32 $0x2900, s17;
	s29 =	sadd.s32 $0x520, s16  }
0x384: {  	[hbm4b:s29+s2] =	stream.linear.scatter [tilespmem:s28], [sflag:$0x2], $0x80, $0x38;
	[tilespmem:$0x18100] =	vst v63  }
0x385: {  	s17 =	sadd.s32 $0x2D00, s17;
	s31 =	sadd.s32 $0x5A0, s16;
	s19 =	sshrl.u32 s30, $0x3  }
0x386: {  	[hbm4b:s31+s2] =	stream.linear.scatter [tilespmem:s17], [sflag:$0x2], $0x80, $0x38;
	[tilespmem:$0x18100] =	vst v63  }
0x387: {  	s17 =	smul.u32 $0xC000, s19  }
0x388: {  	s18 =	sshll.u32 s30, $0x7  }
0x389: {  	s18 =	sand.u32 $0x380, s18;
	s17 =	sshra.s32 s17, $0x2  }
0x38a: {  	s17 =	sor.u32 s18, s17  }
0x38b: {  	s20 =	sadd.s32 $0x30, s16;
	s18 =	sadd.s32 $0x100, s17  }
0x38c: {  	[hbm4b:s20+s2] =	stream.linear.scatter [tilespmem:s18], [sflag:$0x2], $0x80, $0x38;
	[tilespmem:$0x18100] =	vst v63  }
0x38d: {  	s22 =	sadd.s32 $0xB0, s16;
	s21 =	sadd.s32 $0x500, s17  }
0x38e: {  	[hbm4b:s22+s2] =	stream.linear.scatter [tilespmem:s21], [sflag:$0x2], $0x80, $0x38;
	[tilespmem:$0x18100] =	vst v63  }
0x38f: {  	s24 =	sadd.s32 $0x130, s16;
	s23 =	sadd.s32 $0x900, s17  }
0x390: {  	[hbm4b:s24+s2] =	stream.linear.scatter [tilespmem:s23], [sflag:$0x2], $0x80, $0x38;
	[tilespmem:$0x18100] =	vst v63  }
0x391: {  	s26 =	sadd.s32 $0x1B0, s16;
	s25 =	sadd.s32 $0xD00, s17  }
0x392: {  	[hbm4b:s26+s2] =	stream.linear.scatter [tilespmem:s25], [sflag:$0x2], $0x80, $0x38;
	[tilespmem:$0x18100] =	vst v63  }
0x393: {  	s29 =	sadd.s32 $0x230, s16;
	s28 =	sadd.s32 $0x1100, s17  }
0x394: {  	[hbm4b:s29+s2] =	stream.linear.scatter [tilespmem:s28], [sflag:$0x2], $0x80, $0x38;
	[tilespmem:$0x18100] =	vst v63  }
0x395: {  	s31 =	sadd.s32 $0x2B0, s16;
	s30 =	sadd.s32 $0x1500, s17  }
0x396: {  	[hbm4b:s31+s2] =	stream.linear.scatter [tilespmem:s30], [sflag:$0x2], $0x80, $0x38;
	[tilespmem:$0x18100] =	vst v63  }
0x397: {  	s19 =	sadd.s32 $0x1900, s17;
	s20 =	sadd.s32 $0x330, s16  }
0x398: {  	[hbm4b:s20+s2] =	stream.linear.scatter [tilespmem:s19], [sflag:$0x2], $0x80, $0x38;
	[tilespmem:$0x18100] =	vst v63  }
0x399: {  	s21 =	sadd.s32 $0x1D00, s17;
	s22 =	sadd.s32 $0x3B0, s16  }
0x39a: {  	[hbm4b:s22+s2] =	stream.linear.scatter [tilespmem:s21], [sflag:$0x2], $0x80, $0x38;
	[tilespmem:$0x18100] =	vst v63  }
0x39b: {  	s23 =	sadd.s32 $0x2100, s17;
	s24 =	sadd.s32 $0x430, s16  }
0x39c: {  	[hbm4b:s24+s2] =	stream.linear.scatter [tilespmem:s23], [sflag:$0x2], $0x80, $0x38;
	[tilespmem:$0x18100] =	vst v63  }
0x39d: {  	s25 =	sadd.s32 $0x2500, s17;
	s26 =	sadd.s32 $0x4B0, s16;
	s30 =	sld [smem:s15+$0x4]  }
0x39e: {  	[hbm4b:s26+s2] =	stream.linear.scatter [tilespmem:s25], [sflag:$0x2], $0x80, $0x38;
	[tilespmem:$0x18100] =	vst v63  }
0x39f: {  	s28 =	sadd.s32 $0x2900, s17;
	s29 =	sadd.s32 $0x530, s16  }
0x3a0: {  	[hbm4b:s29+s2] =	stream.linear.scatter [tilespmem:s28], [sflag:$0x2], $0x80, $0x38;
	[tilespmem:$0x18100] =	vst v63  }
0x3a1: {  	s17 =	sadd.s32 $0x2D00, s17;
	s31 =	sadd.s32 $0x5B0, s16;
	s19 =	sshrl.u32 s30, $0x3  }
0x3a2: {  	[hbm4b:s31+s2] =	stream.linear.scatter [tilespmem:s17], [sflag:$0x2], $0x80, $0x38;
	[tilespmem:$0x18100] =	vst v63  }
0x3a3: {  	s17 =	smul.u32 $0xC000, s19  }
0x3a4: {  	s18 =	sshll.u32 s30, $0x7  }
0x3a5: {  	s18 =	sand.u32 $0x380, s18;
	s17 =	sshra.s32 s17, $0x2  }
0x3a6: {  	s17 =	sor.u32 s18, s17  }
0x3a7: {  	s20 =	sadd.s32 $0x40, s16;
	s18 =	sadd.s32 $0x100, s17  }
0x3a8: {  	[hbm4b:s20+s2] =	stream.linear.scatter [tilespmem:s18], [sflag:$0x2], $0x80, $0x38;
	[tilespmem:$0x18100] =	vst v63  }
0x3a9: {  	s22 =	sadd.s32 $0xC0, s16;
	s21 =	sadd.s32 $0x500, s17  }
0x3aa: {  	[hbm4b:s22+s2] =	stream.linear.scatter [tilespmem:s21], [sflag:$0x2], $0x80, $0x38;
	[tilespmem:$0x18100] =	vst v63  }
0x3ab: {  	s24 =	sadd.s32 $0x140, s16;
	s23 =	sadd.s32 $0x900, s17  }
0x3ac: {  	[hbm4b:s24+s2] =	stream.linear.scatter [tilespmem:s23], [sflag:$0x2], $0x80, $0x38;
	[tilespmem:$0x18100] =	vst v63  }
0x3ad: {  	s26 =	sadd.s32 $0x1C0, s16;
	s25 =	sadd.s32 $0xD00, s17  }
0x3ae: {  	[hbm4b:s26+s2] =	stream.linear.scatter [tilespmem:s25], [sflag:$0x2], $0x80, $0x38;
	[tilespmem:$0x18100] =	vst v63  }
0x3af: {  	s29 =	sadd.s32 $0x240, s16;
	s28 =	sadd.s32 $0x1100, s17  }
0x3b0: {  	[hbm4b:s29+s2] =	stream.linear.scatter [tilespmem:s28], [sflag:$0x2], $0x80, $0x38;
	[tilespmem:$0x18100] =	vst v63  }
0x3b1: {  	s31 =	sadd.s32 $0x2C0, s16;
	s30 =	sadd.s32 $0x1500, s17  }
0x3b2: {  	[hbm4b:s31+s2] =	stream.linear.scatter [tilespmem:s30], [sflag:$0x2], $0x80, $0x38;
	[tilespmem:$0x18100] =	vst v63  }
0x3b3: {  	s19 =	sadd.s32 $0x1900, s17;
	s20 =	sadd.s32 $0x340, s16  }
0x3b4: {  	[hbm4b:s20+s2] =	stream.linear.scatter [tilespmem:s19], [sflag:$0x2], $0x80, $0x38;
	[tilespmem:$0x18100] =	vst v63  }
0x3b5: {  	s21 =	sadd.s32 $0x1D00, s17;
	s22 =	sadd.s32 $0x3C0, s16  }
0x3b6: {  	[hbm4b:s22+s2] =	stream.linear.scatter [tilespmem:s21], [sflag:$0x2], $0x80, $0x38;
	[tilespmem:$0x18100] =	vst v63  }
0x3b7: {  	s23 =	sadd.s32 $0x2100, s17;
	s24 =	sadd.s32 $0x440, s16  }
0x3b8: {  	[hbm4b:s24+s2] =	stream.linear.scatter [tilespmem:s23], [sflag:$0x2], $0x80, $0x38;
	[tilespmem:$0x18100] =	vst v63  }
0x3b9: {  	s25 =	sadd.s32 $0x2500, s17;
	s26 =	sadd.s32 $0x4C0, s16;
	s30 =	sld [smem:s15+$0x5]  }
0x3ba: {  	[hbm4b:s26+s2] =	stream.linear.scatter [tilespmem:s25], [sflag:$0x2], $0x80, $0x38;
	[tilespmem:$0x18100] =	vst v63  }
0x3bb: {  	s28 =	sadd.s32 $0x2900, s17;
	s29 =	sadd.s32 $0x540, s16  }
0x3bc: {  	[hbm4b:s29+s2] =	stream.linear.scatter [tilespmem:s28], [sflag:$0x2], $0x80, $0x38;
	[tilespmem:$0x18100] =	vst v63  }
0x3bd: {  	s17 =	sadd.s32 $0x2D00, s17;
	s31 =	sadd.s32 $0x5C0, s16;
	s19 =	sshrl.u32 s30, $0x3  }
0x3be: {  	[hbm4b:s31+s2] =	stream.linear.scatter [tilespmem:s17], [sflag:$0x2], $0x80, $0x38;
	[tilespmem:$0x18100] =	vst v63  }
0x3bf: {  	s17 =	smul.u32 $0xC000, s19  }
0x3c0: {  	s18 =	sshll.u32 s30, $0x7  }
0x3c1: {  	s18 =	sand.u32 $0x380, s18;
	s17 =	sshra.s32 s17, $0x2  }
0x3c2: {  	s17 =	sor.u32 s18, s17  }
0x3c3: {  	s20 =	sadd.s32 $0x50, s16;
	s18 =	sadd.s32 $0x100, s17  }
0x3c4: {  	[hbm4b:s20+s2] =	stream.linear.scatter [tilespmem:s18], [sflag:$0x2], $0x80, $0x38;
	[tilespmem:$0x18100] =	vst v63  }
0x3c5: {  	s22 =	sadd.s32 $0xD0, s16;
	s21 =	sadd.s32 $0x500, s17  }
0x3c6: {  	[hbm4b:s22+s2] =	stream.linear.scatter [tilespmem:s21], [sflag:$0x2], $0x80, $0x38;
	[tilespmem:$0x18100] =	vst v63  }
0x3c7: {  	s24 =	sadd.s32 $0x150, s16;
	s23 =	sadd.s32 $0x900, s17  }
0x3c8: {  	[hbm4b:s24+s2] =	stream.linear.scatter [tilespmem:s23], [sflag:$0x2], $0x80, $0x38;
	[tilespmem:$0x18100] =	vst v63  }
0x3c9: {  	s26 =	sadd.s32 $0x1D0, s16;
	s25 =	sadd.s32 $0xD00, s17  }
0x3ca: {  	[hbm4b:s26+s2] =	stream.linear.scatter [tilespmem:s25], [sflag:$0x2], $0x80, $0x38;
	[tilespmem:$0x18100] =	vst v63  }
0x3cb: {  	s29 =	sadd.s32 $0x250, s16;
	s28 =	sadd.s32 $0x1100, s17  }
0x3cc: {  	[hbm4b:s29+s2] =	stream.linear.scatter [tilespmem:s28], [sflag:$0x2], $0x80, $0x38;
	[tilespmem:$0x18100] =	vst v63  }
0x3cd: {  	s31 =	sadd.s32 $0x2D0, s16;
	s30 =	sadd.s32 $0x1500, s17  }
0x3ce: {  	[hbm4b:s31+s2] =	stream.linear.scatter [tilespmem:s30], [sflag:$0x2], $0x80, $0x38;
	[tilespmem:$0x18100] =	vst v63  }
0x3cf: {  	s19 =	sadd.s32 $0x1900, s17;
	s20 =	sadd.s32 $0x350, s16  }
0x3d0: {  	[hbm4b:s20+s2] =	stream.linear.scatter [tilespmem:s19], [sflag:$0x2], $0x80, $0x38;
	[tilespmem:$0x18100] =	vst v63  }
0x3d1: {  	s21 =	sadd.s32 $0x1D00, s17;
	s22 =	sadd.s32 $0x3D0, s16  }
0x3d2: {  	[hbm4b:s22+s2] =	stream.linear.scatter [tilespmem:s21], [sflag:$0x2], $0x80, $0x38;
	[tilespmem:$0x18100] =	vst v63  }
0x3d3: {  	s23 =	sadd.s32 $0x2100, s17;
	s24 =	sadd.s32 $0x450, s16  }
0x3d4: {  	[hbm4b:s24+s2] =	stream.linear.scatter [tilespmem:s23], [sflag:$0x2], $0x80, $0x38;
	[tilespmem:$0x18100] =	vst v63  }
0x3d5: {  	s25 =	sadd.s32 $0x2500, s17;
	s26 =	sadd.s32 $0x4D0, s16;
	s30 =	sld [smem:s15+$0x6]  }
0x3d6: {  	[hbm4b:s26+s2] =	stream.linear.scatter [tilespmem:s25], [sflag:$0x2], $0x80, $0x38;
	[tilespmem:$0x18100] =	vst v63  }
0x3d7: {  	s28 =	sadd.s32 $0x2900, s17;
	s29 =	sadd.s32 $0x550, s16  }
0x3d8: {  	[hbm4b:s29+s2] =	stream.linear.scatter [tilespmem:s28], [sflag:$0x2], $0x80, $0x38;
	[tilespmem:$0x18100] =	vst v63  }
0x3d9: {  	s17 =	sadd.s32 $0x2D00, s17;
	s31 =	sadd.s32 $0x5D0, s16;
	s19 =	sshrl.u32 s30, $0x3  }
0x3da: {  	[hbm4b:s31+s2] =	stream.linear.scatter [tilespmem:s17], [sflag:$0x2], $0x80, $0x38;
	[tilespmem:$0x18100] =	vst v63  }
0x3db: {  	s17 =	smul.u32 $0xC000, s19  }
0x3dc: {  	s18 =	sshll.u32 s30, $0x7  }
0x3dd: {  	s18 =	sand.u32 $0x380, s18;
	s17 =	sshra.s32 s17, $0x2  }
0x3de: {  	s17 =	sor.u32 s18, s17  }
0x3df: {  	s20 =	sadd.s32 $0x60, s16;
	s18 =	sadd.s32 $0x100, s17  }
0x3e0: {  	[hbm4b:s20+s2] =	stream.linear.scatter [tilespmem:s18], [sflag:$0x2], $0x80, $0x38;
	[tilespmem:$0x18100] =	vst v63  }
0x3e1: {  	s22 =	sadd.s32 $0xE0, s16;
	s21 =	sadd.s32 $0x500, s17  }
0x3e2: {  	[hbm4b:s22+s2] =	stream.linear.scatter [tilespmem:s21], [sflag:$0x2], $0x80, $0x38;
	[tilespmem:$0x18100] =	vst v63  }
0x3e3: {  	s24 =	sadd.s32 $0x160, s16;
	s23 =	sadd.s32 $0x900, s17  }
0x3e4: {  	[hbm4b:s24+s2] =	stream.linear.scatter [tilespmem:s23], [sflag:$0x2], $0x80, $0x38;
	[tilespmem:$0x18100] =	vst v63  }
0x3e5: {  	s26 =	sadd.s32 $0x1E0, s16;
	s25 =	sadd.s32 $0xD00, s17  }
0x3e6: {  	[hbm4b:s26+s2] =	stream.linear.scatter [tilespmem:s25], [sflag:$0x2], $0x80, $0x38;
	[tilespmem:$0x18100] =	vst v63  }
0x3e7: {  	s29 =	sadd.s32 $0x260, s16;
	s28 =	sadd.s32 $0x1100, s17  }
0x3e8: {  	[hbm4b:s29+s2] =	stream.linear.scatter [tilespmem:s28], [sflag:$0x2], $0x80, $0x38;
	[tilespmem:$0x18100] =	vst v63  }
0x3e9: {  	s31 =	sadd.s32 $0x2E0, s16;
	s30 =	sadd.s32 $0x1500, s17  }
0x3ea: {  	[hbm4b:s31+s2] =	stream.linear.scatter [tilespmem:s30], [sflag:$0x2], $0x80, $0x38;
	[tilespmem:$0x18100] =	vst v63  }
0x3eb: {  	s20 =	sadd.s32 $0x1900, s17;
	s21 =	sadd.s32 $0x360, s16  }
0x3ec: {  	[hbm4b:s21+s2] =	stream.linear.scatter [tilespmem:s20], [sflag:$0x2], $0x80, $0x38;
	[tilespmem:$0x18100] =	vst v63  }
0x3ed: {  	s22 =	sadd.s32 $0x1D00, s17;
	s23 =	sadd.s32 $0x3E0, s16  }
0x3ee: {  	[hbm4b:s23+s2] =	stream.linear.scatter [tilespmem:s22], [sflag:$0x2], $0x80, $0x38;
	[tilespmem:$0x18100] =	vst v63  }
0x3ef: {  	s24 =	sadd.s32 $0x2100, s17;
	s25 =	sadd.s32 $0x460, s16  }
0x3f0: {  	[hbm4b:s25+s2] =	stream.linear.scatter [tilespmem:s24], [sflag:$0x2], $0x80, $0x38;
	[tilespmem:$0x18100] =	vst v63  }
0x3f1: {  	s26 =	sadd.s32 $0x2500, s17;
	s28 =	sadd.s32 $0x4E0, s16;
	s31 =	sld [smem:s15+$0x7]  }
0x3f2: {  	[hbm4b:s28+s2] =	stream.linear.scatter [tilespmem:s26], [sflag:$0x2], $0x80, $0x38;
	[tilespmem:$0x18100] =	vst v63  }
0x3f3: {  	s29 =	sadd.s32 $0x2900, s17;
	s30 =	sadd.s32 $0x560, s16  }
0x3f4: {  	[hbm4b:s30+s2] =	stream.linear.scatter [tilespmem:s29], [sflag:$0x2], $0x80, $0x38;
	[tilespmem:$0x18100] =	vst v63  }
0x3f5: {  	s17 =	sadd.s32 $0x2D00, s17;
	s20 =	sadd.s32 $0x5E0, s16;
	s21 =	sshrl.u32 s31, $0x3  }
0x3f6: {  	[hbm4b:s20+s2] =	stream.linear.scatter [tilespmem:s17], [sflag:$0x2], $0x80, $0x38;
	[tilespmem:$0x18100] =	vst v63  }
0x3f7: {  	s17 =	smul.u32 $0xC000, s21  }
0x3f8: {  	s18 =	sshll.u32 s31, $0x7  }
0x3f9: {  	s18 =	sand.u32 $0x380, s18;
	s17 =	sshra.s32 s17, $0x2  }
0x3fa: {  	s17 =	sor.u32 s18, s17  }
0x3fb: {  	s22 =	sadd.s32 $0x70, s16;
	s18 =	sadd.s32 $0x100, s17  }
0x3fc: {  	[hbm4b:s22+s2] =	stream.linear.scatter [tilespmem:s18], [sflag:$0x2], $0x80, $0x38;
	[tilespmem:$0x18100] =	vst v63  }
0x3fd: {  	s24 =	sadd.s32 $0xF0, s16;
	s23 =	sadd.s32 $0x500, s17  }
0x3fe: {  	[hbm4b:s24+s2] =	stream.linear.scatter [tilespmem:s23], [sflag:$0x2], $0x80, $0x38;
	[tilespmem:$0x18100] =	vst v63  }
0x3ff: {  	s26 =	sadd.s32 $0x170, s16;
	s25 =	sadd.s32 $0x900, s17  }
0x400: {  	[hbm4b:s26+s2] =	stream.linear.scatter [tilespmem:s25], [sflag:$0x2], $0x80, $0x38;
	[tilespmem:$0x18100] =	vst v63  }
0x401: {  	s29 =	sadd.s32 $0x1F0, s16;
	s28 =	sadd.s32 $0xD00, s17  }
0x402: {  	[hbm4b:s29+s2] =	stream.linear.scatter [tilespmem:s28], [sflag:$0x2], $0x80, $0x38;
	[tilespmem:$0x18100] =	vst v63  }
0x403: {  	s31 =	sadd.s32 $0x270, s16;
	s30 =	sadd.s32 $0x1100, s17  }
0x404: {  	[hbm4b:s31+s2] =	stream.linear.scatter [tilespmem:s30], [sflag:$0x2], $0x80, $0x38;
	[tilespmem:$0x18100] =	vst v63  }
0x405: {  	s20 =	sadd.s32 $0x2F0, s16;
	s19 =	sadd.s32 $0x1500, s17  }
0x406: {  	[hbm4b:s20+s2] =	stream.linear.scatter [tilespmem:s19], [sflag:$0x2], $0x80, $0x38;
	[tilespmem:$0x18100] =	vst v63  }
0x407: {  	s21 =	sadd.s32 $0x1900, s17;
	s22 =	sadd.s32 $0x370, s16  }
0x408: {  	[hbm4b:s22+s2] =	stream.linear.scatter [tilespmem:s21], [sflag:$0x2], $0x80, $0x38;
	[tilespmem:$0x18100] =	vst v63  }
0x409: {  	s23 =	sadd.s32 $0x1D00, s17;
	s24 =	sadd.s32 $0x3F0, s16  }
0x40a: {  	[hbm4b:s24+s2] =	stream.linear.scatter [tilespmem:s23], [sflag:$0x2], $0x80, $0x38;
	[tilespmem:$0x18100] =	vst v63  }
0x40b: {  	s25 =	sadd.s32 $0x2100, s17;
	s26 =	sadd.s32 $0x470, s16  }
0x40c: {  	[hbm4b:s26+s2] =	stream.linear.scatter [tilespmem:s25], [sflag:$0x2], $0x80, $0x38;
	[tilespmem:$0x18100] =	vst v63  }
0x40d: {  	p0 =	sne.s32 s14, $0x2D0000;
	s28 =	sadd.s32 $0x2500, s17;
	s29 =	sadd.s32 $0x4F0, s16  }
0x40e: {  	[hbm4b:s29+s2] =	stream.linear.scatter [tilespmem:s28], [sflag:$0x2], $0x80, $0x38;
	[tilespmem:$0x18100] =	vst v63  }
.Ltmp2:
0x40f: {  	_ = 	snop;
	(pc) =	sbr.rel @p0 .LBB2_6-.Ltmp2, $4  }
0x410: {  	s14 =	sadd.s32 $0x30000, s14;
	s30 =	sadd.s32 $0x2900, s17;
	s31 =	sadd.s32 $0x570, s16  }
0x411: {  	[hbm4b:s31+s2] =	stream.linear.scatter [tilespmem:s30], [sflag:$0x2], $0x80, $0x38;
	[tilespmem:$0x18100] =	vst v63  }
0x412: {  	s15 =	sadd.s32 $0x10, s15;
	s17 =	sadd.s32 $0x2D00, s17;
	s16 =	sadd.s32 $0x5F0, s16  }
0x413: {  	[hbm4b:s16+s2] =	stream.linear.scatter [tilespmem:s17], [sflag:$0x2], $0x80, $0x38;
	[tilespmem:$0x18100] =	vst v63  }
0x414: {  	_ =	swait.ge [sflag:s12], $0x18000  }
0x415: {  	[sflag:s12] =	ssyncset.done $0x0  }
0x416: {  	[sflag:s12] =	ssyncadd.s32 $0xFFFE8000  }
0x417: {  	_ =	swait.ge [sflag:s12], $0x18000  }
0x418: {  	[sflag:s12] =	ssyncset.done $0x0  }
0x419: {  	s13 =	sadd.s32 $0x1, s13;
	[sflag:s12] =	ssyncadd.s32 $0xFFFE8000  }
0x41a: {  	p0 =	sne.s32 s13, s6;
	_ =	swait.ge [sflag:s12], $0x18000  }
.Ltmp3:
0x41b: {  	[sflag:s12] =	ssyncset.done $0x0;
	(pc) =	sbr.rel @p0 .LBB2_1-.Ltmp3, $4  }
0x41c: {  	[sflag:s12] =	ssyncadd.s32 $0xFFFE8000  }
0x41d: {  	_ =	swait.ge [sflag:s12], $0x18000  }
0x41e: {  	[sflag:s12] =	ssyncset.done $0x0  }
0x41f: {  	[sflag:s12] =	ssyncadd.s32 $0xFFFE8000  }
0x420: {  	_ =	sfence.sel $0x180000  }
0x421: {  	[bflag:$0x0] =	sbarrier.arrive $0xFFFF  }
0x422: {  	p0 =	sne.s32 s1, $0x0;
	_ =	strace $0x90000047  }
0x423: {  	s0 =	sadd.s32 @!p0 $0x100000, s0;
	[bflag:$0x2] =	sbarrier.arrive $0xFFFF  }
0x424: {  	[sflag:s0] =	ssyncadd.tile.s32 @!p0 $0x1;
	_ =	shalt  }
.Lfunc_end2:
_tile_overlayer_lowered:
.L_overlay_start_2:
0x425: {  	(tag) =	ssettag $0x2  }
0x426: {  	s0 =	rddreg [dreg:$0x0];
	s2 =	stileid.u32  }
0x427: {  	s1 =	rddreg [dreg:$0x1];
	p0 =	sne.s32 s2, $0x0  }
0x428: {  	s3 =	rddreg [dreg:$0x2];
	[bflag:$0x3] =	sbarrier.arrive $0xFFFF;
	s2 =	simm.s32 @!p0 $0x1C03  }
0x429: {  	[timem:s3], [sflag:s2] =	dma.local @!p0 [hbm:s0], s1  }
0x42a: {  	s0 =	simm.s32 @!p0 $0x3  }
0x42b: {  	_ =	swait.ge @!p0 [sflag:s0], s1  }
0x42c: {  	s1 =	ssub.s32 @!p0 $0x0, s1;
	[sflag:s0] =	ssyncset.done @!p0 $0x0  }
0x42d: {  	[sflag:s0] =	ssyncadd.s32 @!p0 s1  }
0x42e: {  	[bflag:$0x3] =	sbarrier.arrive $0xFFFF  }
0x42f: {  	_ =	shalt  }

</sc_bundles>
